<compile_context>
chip_gen: v7x
topology: tpu7x:2x2x1
jax: 0.10.2.dev20260603
libtpu: 0.0.44.dev20260713+nightly
codegen_flags: <defaults>
</compile_context>

<pallas_src>
import jax
import jax.numpy as jnp
import numpy as np
from jax import lax
from jax.experimental import pallas as pl
from jax.experimental.pallas import tpu as pltpu
from jax.experimental.pallas import tpu_sc as plsc

VOCAB = 100000
DIM = 768
MAXLEN = 2048
NTYPES = 2
FREQ = 10000.0
B = 4
S = 2048
PAD_POS = 0
EPS = 1e-12

N = B * S
NC, NS = 2, 16
NW = NC * NS
CHUNK = 32
LANES = 16
DVEC = DIM // LANES


def _pe_table():
    pos = np.arange(MAXLEN, dtype=np.float32)[:, None]
    i = np.arange(DIM // 2, dtype=np.float32)
    div = np.power(FREQ, 2.0 * i / DIM, dtype=np.float32)
    ang = (pos / div).astype(np.float32)
    pe = np.zeros((MAXLEN, DIM), dtype=np.float32)
    pe[:, 0::2] = np.sin(ang)
    pe[:, 1::2] = np.cos(ang)
    pe[PAD_POS] = 0.0
    return jnp.asarray(pe)


def _make_sc_body(nrows):
    tok_per_w = nrows // NW
    nchunk = tok_per_w // CHUNK

    def body(tok_table, pe_table, tok_ids, pos_ids, emb_out,
             itok0, itok1, ipos0, ipos1, a0, a1, b0, b1,
             sg0, sg1, ss0, ss1):
        itok = (itok0, itok1)
        ipos = (ipos0, ipos1)
        abuf = (a0, a1)
        bbuf = (b0, b1)
        sem_g = (sg0, sg1)
        sem_s = (ss0, ss1)

        wid = lax.axis_index("s") * NC + lax.axis_index("c")
        w0 = wid * tok_per_w

        def stage_idx(c, p):
            base = w0 + c * CHUNK
            pltpu.sync_copy(tok_ids.at[pl.ds(base, CHUNK)], itok[p])
            pltpu.sync_copy(pos_ids.at[pl.ds(base, CHUNK)], ipos[p])

        def start_gather(p):
            pltpu.async_copy(tok_table.at[itok[p]], abuf[p], sem_g[p])
            pltpu.async_copy(pe_table.at[ipos[p]], bbuf[p], sem_g[p])

        def wait_gather(p):
            pltpu.make_async_copy(tok_table.at[itok[p]], abuf[p], sem_g[p]).wait()
            pltpu.make_async_copy(pe_table.at[ipos[p]], bbuf[p], sem_g[p]).wait()

        def start_store(c, p):
            base = w0 + c * CHUNK
            pltpu.async_copy(abuf[p], emb_out.at[pl.ds(base, CHUNK)], sem_s[p])

        def wait_store(c, p):
            base = w0 + c * CHUNK
            pltpu.make_async_copy(
                abuf[p], emb_out.at[pl.ds(base, CHUNK)], sem_s[p]).wait()

        def add_chunk(p):
            A = abuf[p]
            Bb = bbuf[p]

            @plsc.parallel_loop(0, CHUNK)
            def row(r):
                for j in range(DVEC):
                    sl = pl.ds(j * LANES, LANES)
                    plsc.addupdate(A.at[r, sl], Bb[r, sl])

        stage_idx(0, 0)
        start_gather(0)
        stage_idx(1, 1)
        start_gather(1)
        wait_gather(0)
        add_chunk(0)
        start_store(0, 0)

        def steady(cc, _):
            for poff in range(2):
                c = 1 + cc * 2 + poff
                p = (1 + poff) % 2
                np_ = 1 - p
                wait_gather(p)
                wait_store(c - 1, np_)
                stage_idx(c + 1, np_)
                start_gather(np_)
                add_chunk(p)
                start_store(c, p)
            return 0

        lax.fori_loop(0, (nchunk - 2) // 2, steady, 0)

        pl_last = (nchunk - 1) % 2
        wait_gather(pl_last)
        add_chunk(pl_last)
        start_store(nchunk - 1, pl_last)
        wait_store(nchunk - 2, 1 - pl_last)
        wait_store(nchunk - 1, pl_last)

    return body


def _sc_gather_sum(tok_table, pe_table, tok_ids, pos_ids):
    nrows = tok_ids.shape[0]
    mesh = plsc.VectorSubcoreMesh(
        core_axis_name="c", subcore_axis_name="s",
        num_cores=NC, num_subcores=NS)
    f = pl.kernel(
        _make_sc_body(nrows),
        out_type=jax.ShapeDtypeStruct((nrows, DIM), jnp.float32),
        mesh=mesh,
        compiler_params=pltpu.CompilerParams(needs_layout_passes=False),
        scratch_types=[
            pltpu.VMEM((CHUNK,), jnp.int32),
            pltpu.VMEM((CHUNK,), jnp.int32),
            pltpu.VMEM((CHUNK,), jnp.int32),
            pltpu.VMEM((CHUNK,), jnp.int32),
            pltpu.VMEM((CHUNK, DIM), jnp.float32),
            pltpu.VMEM((CHUNK, DIM), jnp.float32),
            pltpu.VMEM((CHUNK, DIM), jnp.float32),
            pltpu.VMEM((CHUNK, DIM), jnp.float32),
            pltpu.SemaphoreType.DMA,
            pltpu.SemaphoreType.DMA,
            pltpu.SemaphoreType.DMA,
            pltpu.SemaphoreType.DMA,
        ],
    )
    return f(tok_table, pe_table, tok_ids, pos_ids)


ROWS_BLK = 2048


def _ln_body(emb_ref, tt_ref, seg_ref, gamma_ref, beta_ref, out_ref):
    t = tt_ref[...]
    seg0 = seg_ref[0:1, :]
    seg1 = seg_ref[1:2, :]
    x = emb_ref[...] + seg0 + t * (seg1 - seg0)
    mu = jnp.mean(x, axis=-1, keepdims=True)
    xc = x - mu
    var = jnp.mean(xc * xc, axis=-1, keepdims=True)
    inv = 1.0 / jnp.sqrt(var + EPS)
    y = xc * inv * gamma_ref[...][None, :] + beta_ref[...][None, :]
    out_ref[...] = y.reshape(out_ref.shape)


def _layernorm(emb, tt_f32, seg_table, gamma, beta):
    grid = (N // ROWS_BLK,)
    return pl.pallas_call(
        _ln_body,
        grid=grid,
        in_specs=[
            pl.BlockSpec((ROWS_BLK, DIM), lambda i: (i, 0)),
            pl.BlockSpec((ROWS_BLK, 1), lambda i: (i, 0)),
            pl.BlockSpec((NTYPES, DIM), lambda i: (0, 0)),
            pl.BlockSpec((DIM,), lambda i: (0,)),
            pl.BlockSpec((DIM,), lambda i: (0,)),
        ],
        out_specs=pl.BlockSpec(
            (ROWS_BLK // S, S, DIM), lambda i: (i, 0, 0)),
        out_shape=jax.ShapeDtypeStruct((B, S, DIM), jnp.float32),
    )(emb, tt_f32, seg_table, gamma, beta)


def kernel(input_ids, position_ids, token_type_ids, token_table,
           segment_table, gamma, beta):
    pe_table = _pe_table()
    tok_ids = input_ids.reshape(N).astype(jnp.int32)
    pos_ids = position_ids.reshape(N).astype(jnp.int32)
    tt_f32 = token_type_ids.reshape(N, 1).astype(jnp.float32)
    emb = _sc_gather_sum(token_table, pe_table, tok_ids, pos_ids)
    return _layernorm(emb, tt_f32, segment_table, gamma, beta)

# --- scband reference (transcript-rebuilt; emitter-appended) ---
"""Pipeline reference for scband-embedding-88802743812448 (READ-ONLY COPY).

The authoritative reference and input builder live on the scoring server;
editing this copy changes nothing except your own understanding.
"""

import jax, jax.numpy as jnp
import numpy as np

VOCAB = 100000
DIM = 768
MAXLEN = 2048
NTYPES = 2
FREQ = 10000.0
B = 4
S = 2048
PAD_IDX = 0
PAD_POS = 0
PAD_TYPE = 0
EPS = 1e-12


def _pe_table():
    # sinusoidal positional encoding, row at pad_token_position zeroed
    pos = jnp.arange(MAXLEN, dtype=jnp.float32)[:, None]
    i = jnp.arange(DIM // 2, dtype=jnp.float32)
    div = jnp.power(FREQ, 2.0 * i / DIM)
    ang = pos / div
    pe = jnp.zeros((MAXLEN, DIM), dtype=jnp.float32)
    pe = pe.at[:, 0::2].set(jnp.sin(ang))
    pe = pe.at[:, 1::2].set(jnp.cos(ang))
    pe = pe.at[PAD_POS].set(0.0)
    return pe


def setup_inputs(seed: int = 0):
    key = jax.random.key(seed)
    k1, k2, k3, k4, k5 = jax.random.split(key, 5)
    input_ids = jax.random.randint(k1, (B, S), 0, VOCAB)
    position_ids = jax.random.randint(k2, (B, S), 0, MAXLEN)
    token_type_ids = jax.random.randint(k3, (B, S), 0, NTYPES)
    token_table = jax.random.normal(k4, (VOCAB, DIM), dtype=jnp.float32) * 0.02
    token_table = token_table.at[PAD_IDX].set(0.0)
    segment_table = jax.random.normal(k5, (NTYPES, DIM), dtype=jnp.float32) * 0.02
    segment_table = segment_table.at[PAD_TYPE].set(0.0)
    gamma = jnp.ones((DIM,), dtype=jnp.float32)
    beta = jnp.zeros((DIM,), dtype=jnp.float32)
    return {
        "input_ids": input_ids,
        "position_ids": position_ids,
        "token_type_ids": token_type_ids,
        "token_table": token_table,
        "segment_table": segment_table,
        "gamma": gamma,
        "beta": beta,
    }


def reference(input_ids, position_ids, token_type_ids, token_table, segment_table, gamma, beta):
    tok = jnp.take(token_table, input_ids, axis=0)          # [B,S,D] gather
    pe = jnp.take(_pe_table(), position_ids, axis=0)        # [B,S,D] gather (non-learned)
    seg = jnp.take(segment_table, token_type_ids, axis=0)   # [B,S,D] gather
    emb = tok + pe + seg
    mu = jnp.mean(emb, axis=-1, keepdims=True)
    var = jnp.mean((emb - mu) ** 2, axis=-1, keepdims=True)
    out = (emb - mu) / jnp.sqrt(var + EPS) * gamma + beta
    # dropout is identity in eval mode
    return out

if __name__ == "__main__":
    import jax
    _d = setup_inputs()
    print(jax.jit(kernel)(*tuple(_d.values())))

</pallas_src>

<mosaic_0001>
#map = affine_map<(d0, d1) -> (0, 0)>
#map1 = affine_map<(d0, d1) -> (0)>
module attributes {stable_mosaic.version = 14 : i64} {
  func.func @body(%arg0: i32, %arg1: i32, %arg2: memref<100000x768xf32, #tpu.memory_space<hbm>>, %arg3: memref<2048x768xf32, #tpu.memory_space<hbm>>, %arg4: memref<8192xi32, #tpu.memory_space<hbm>>, %arg5: memref<8192xi32, #tpu.memory_space<hbm>>, %arg6: memref<8192x768xf32, #tpu.memory_space<hbm>>, %arg7: memref<32xi32, #tpu.memory_space<vmem>>, %arg8: memref<32xi32, #tpu.memory_space<vmem>>, %arg9: memref<32xi32, #tpu.memory_space<vmem>>, %arg10: memref<32xi32, #tpu.memory_space<vmem>>, %arg11: memref<32x768xf32, #tpu.memory_space<vmem>>, %arg12: memref<32x768xf32, #tpu.memory_space<vmem>>, %arg13: memref<32x768xf32, #tpu.memory_space<vmem>>, %arg14: memref<32x768xf32, #tpu.memory_space<vmem>>, %arg15: memref<!tpu.dma_semaphore, #tpu.memory_space<semaphore_mem>>, %arg16: memref<!tpu.dma_semaphore, #tpu.memory_space<semaphore_mem>>, %arg17: memref<!tpu.dma_semaphore, #tpu.memory_space<semaphore_mem>>, %arg18: memref<!tpu.dma_semaphore, #tpu.memory_space<semaphore_mem>>) attributes {dimension_semantics = [#tpu.dimension_semantics<core_parallel>, #tpu.dimension_semantics<subcore_parallel>], iteration_bounds = array<i64: 2, 16>, scalar_prefetch = 0 : i64, scratch_operands = 12 : i64, tpu.core_type = #tpu.core_type<sc_vector_subcore>, window_params = [{transform_indices = #map}, {transform_indices = #map}, {transform_indices = #map1}, {transform_indices = #map1}, {transform_indices = #map}]} {
    %mul3A = arith.constant 2 : i32
    %mul3A_0 = arith.muli %arg1, %mul3A : i32
    %add3A = arith.addi %mul3A_0, %arg0 : i32
    %mul3A_1 = arith.constant 256 : i32
    %mul3A_2 = arith.muli %add3A, %mul3A_1 : i32
    %add3A_3 = arith.constant 0 : i32
    %add3A_4 = arith.addi %mul3A_2, %add3A_3 : i32
    "tpu.region"() ({
      %run_scoped3A = tpu.sem_alloc : memref<!tpu.dma_semaphore, #tpu.memory_space<semaphore_mem>>
      %dma_start3A_64 = tpu.memref_slice %arg4[%add3A_4] : memref<8192xi32, #tpu.memory_space<hbm>> -> memref<32xi32, #tpu.memory_space<hbm>>
      %dma_start3A_65 = tpu.memref_slice %arg4[%add3A_4] : memref<8192xi32, #tpu.memory_space<hbm>> -> memref<32xi32, #tpu.memory_space<hbm>>
      tpu.enqueue_dma source(%dma_start3A_65 : memref<32xi32, #tpu.memory_space<hbm>>) target(%arg7 : memref<32xi32, #tpu.memory_space<vmem>>) target_semaphore(%run_scoped3A : memref<!tpu.dma_semaphore, #tpu.memory_space<semaphore_mem>>)
      %dma_wait3A_66 = tpu.memref_slice %arg4[%add3A_4] : memref<8192xi32, #tpu.memory_space<hbm>> -> memref<32xi32, #tpu.memory_space<hbm>>
      %dma_wait3A_67 = tpu.memref_slice %arg4[%add3A_4] : memref<8192xi32, #tpu.memory_space<hbm>> -> memref<32xi32, #tpu.memory_space<hbm>>
      tpu.wait_dma2 semaphore(%run_scoped3A : memref<!tpu.dma_semaphore, #tpu.memory_space<semaphore_mem>>) src(%dma_wait3A_67 : memref<32xi32, #tpu.memory_space<hbm>>) dst(%arg7 : memref<32xi32, #tpu.memory_space<vmem>>)
      tpu.yield
    }) : () -> ()
    "tpu.region"() ({
      %run_scoped3A = tpu.sem_alloc : memref<!tpu.dma_semaphore, #tpu.memory_space<semaphore_mem>>
      %dma_start3A_64 = tpu.memref_slice %arg5[%add3A_4] : memref<8192xi32, #tpu.memory_space<hbm>> -> memref<32xi32, #tpu.memory_space<hbm>>
      %dma_start3A_65 = tpu.memref_slice %arg5[%add3A_4] : memref<8192xi32, #tpu.memory_space<hbm>> -> memref<32xi32, #tpu.memory_space<hbm>>
      tpu.enqueue_dma source(%dma_start3A_65 : memref<32xi32, #tpu.memory_space<hbm>>) target(%arg9 : memref<32xi32, #tpu.memory_space<vmem>>) target_semaphore(%run_scoped3A : memref<!tpu.dma_semaphore, #tpu.memory_space<semaphore_mem>>)
      %dma_wait3A_66 = tpu.memref_slice %arg5[%add3A_4] : memref<8192xi32, #tpu.memory_space<hbm>> -> memref<32xi32, #tpu.memory_space<hbm>>
      %dma_wait3A_67 = tpu.memref_slice %arg5[%add3A_4] : memref<8192xi32, #tpu.memory_space<hbm>> -> memref<32xi32, #tpu.memory_space<hbm>>
      tpu.wait_dma2 semaphore(%run_scoped3A : memref<!tpu.dma_semaphore, #tpu.memory_space<semaphore_mem>>) src(%dma_wait3A_67 : memref<32xi32, #tpu.memory_space<hbm>>) dst(%arg9 : memref<32xi32, #tpu.memory_space<vmem>>)
      tpu.yield
    }) : () -> ()
    %dma_start3A = arith.constant 0 : i32
    %dma_start3A_5 = arith.constant 0 : i32
    %dma_start3A_6 = tpu.memref_slice %arg2[%dma_start3A, %dma_start3A_5] : memref<100000x768xf32, #tpu.memory_space<hbm>> -> memref<100000x768xf32, #tpu.memory_space<hbm>>
    tpu.enqueue_indirect_dma source(%dma_start3A_6 : memref<100000x768xf32, #tpu.memory_space<hbm>>) target(%arg11 : memref<32x768xf32, #tpu.memory_space<vmem>>) offsets(%arg7 : memref<32xi32, #tpu.memory_space<vmem>>) semaphore(%arg15 : memref<!tpu.dma_semaphore, #tpu.memory_space<semaphore_mem>>)
    %dma_start3A_7 = arith.constant 0 : i32
    %dma_start3A_8 = arith.constant 0 : i32
    %dma_start3A_9 = tpu.memref_slice %arg3[%dma_start3A_7, %dma_start3A_8] : memref<2048x768xf32, #tpu.memory_space<hbm>> -> memref<2048x768xf32, #tpu.memory_space<hbm>>
    tpu.enqueue_indirect_dma source(%dma_start3A_9 : memref<2048x768xf32, #tpu.memory_space<hbm>>) target(%arg13 : memref<32x768xf32, #tpu.memory_space<vmem>>) offsets(%arg9 : memref<32xi32, #tpu.memory_space<vmem>>) semaphore(%arg15 : memref<!tpu.dma_semaphore, #tpu.memory_space<semaphore_mem>>)
    %add3A_10 = arith.constant 32 : i32
    %add3A_11 = arith.addi %mul3A_2, %add3A_10 : i32
    "tpu.region"() ({
      %run_scoped3A = tpu.sem_alloc : memref<!tpu.dma_semaphore, #tpu.memory_space<semaphore_mem>>
      %dma_start3A_64 = tpu.memref_slice %arg4[%add3A_11] : memref<8192xi32, #tpu.memory_space<hbm>> -> memref<32xi32, #tpu.memory_space<hbm>>
      %dma_start3A_65 = tpu.memref_slice %arg4[%add3A_11] : memref<8192xi32, #tpu.memory_space<hbm>> -> memref<32xi32, #tpu.memory_space<hbm>>
      tpu.enqueue_dma source(%dma_start3A_65 : memref<32xi32, #tpu.memory_space<hbm>>) target(%arg8 : memref<32xi32, #tpu.memory_space<vmem>>) target_semaphore(%run_scoped3A : memref<!tpu.dma_semaphore, #tpu.memory_space<semaphore_mem>>)
      %dma_wait3A_66 = tpu.memref_slice %arg4[%add3A_11] : memref<8192xi32, #tpu.memory_space<hbm>> -> memref<32xi32, #tpu.memory_space<hbm>>
      %dma_wait3A_67 = tpu.memref_slice %arg4[%add3A_11] : memref<8192xi32, #tpu.memory_space<hbm>> -> memref<32xi32, #tpu.memory_space<hbm>>
      tpu.wait_dma2 semaphore(%run_scoped3A : memref<!tpu.dma_semaphore, #tpu.memory_space<semaphore_mem>>) src(%dma_wait3A_67 : memref<32xi32, #tpu.memory_space<hbm>>) dst(%arg8 : memref<32xi32, #tpu.memory_space<vmem>>)
      tpu.yield
    }) : () -> ()
    "tpu.region"() ({
      %run_scoped3A = tpu.sem_alloc : memref<!tpu.dma_semaphore, #tpu.memory_space<semaphore_mem>>
      %dma_start3A_64 = tpu.memref_slice %arg5[%add3A_11] : memref<8192xi32, #tpu.memory_space<hbm>> -> memref<32xi32, #tpu.memory_space<hbm>>
      %dma_start3A_65 = tpu.memref_slice %arg5[%add3A_11] : memref<8192xi32, #tpu.memory_space<hbm>> -> memref<32xi32, #tpu.memory_space<hbm>>
      tpu.enqueue_dma source(%dma_start3A_65 : memref<32xi32, #tpu.memory_space<hbm>>) target(%arg10 : memref<32xi32, #tpu.memory_space<vmem>>) target_semaphore(%run_scoped3A : memref<!tpu.dma_semaphore, #tpu.memory_space<semaphore_mem>>)
      %dma_wait3A_66 = tpu.memref_slice %arg5[%add3A_11] : memref<8192xi32, #tpu.memory_space<hbm>> -> memref<32xi32, #tpu.memory_space<hbm>>
      %dma_wait3A_67 = tpu.memref_slice %arg5[%add3A_11] : memref<8192xi32, #tpu.memory_space<hbm>> -> memref<32xi32, #tpu.memory_space<hbm>>
      tpu.wait_dma2 semaphore(%run_scoped3A : memref<!tpu.dma_semaphore, #tpu.memory_space<semaphore_mem>>) src(%dma_wait3A_67 : memref<32xi32, #tpu.memory_space<hbm>>) dst(%arg10 : memref<32xi32, #tpu.memory_space<vmem>>)
      tpu.yield
    }) : () -> ()
    %dma_start3A_12 = arith.constant 0 : i32
    %dma_start3A_13 = arith.constant 0 : i32
    %dma_start3A_14 = tpu.memref_slice %arg2[%dma_start3A_12, %dma_start3A_13] : memref<100000x768xf32, #tpu.memory_space<hbm>> -> memref<100000x768xf32, #tpu.memory_space<hbm>>
    tpu.enqueue_indirect_dma source(%dma_start3A_14 : memref<100000x768xf32, #tpu.memory_space<hbm>>) target(%arg12 : memref<32x768xf32, #tpu.memory_space<vmem>>) offsets(%arg8 : memref<32xi32, #tpu.memory_space<vmem>>) semaphore(%arg16 : memref<!tpu.dma_semaphore, #tpu.memory_space<semaphore_mem>>)
    %dma_start3A_15 = arith.constant 0 : i32
    %dma_start3A_16 = arith.constant 0 : i32
    %dma_start3A_17 = tpu.memref_slice %arg3[%dma_start3A_15, %dma_start3A_16] : memref<2048x768xf32, #tpu.memory_space<hbm>> -> memref<2048x768xf32, #tpu.memory_space<hbm>>
    tpu.enqueue_indirect_dma source(%dma_start3A_17 : memref<2048x768xf32, #tpu.memory_space<hbm>>) target(%arg14 : memref<32x768xf32, #tpu.memory_space<vmem>>) offsets(%arg10 : memref<32xi32, #tpu.memory_space<vmem>>) semaphore(%arg16 : memref<!tpu.dma_semaphore, #tpu.memory_space<semaphore_mem>>)
    %dma_wait3A = arith.constant 0 : i32
    %dma_wait3A_18 = arith.constant 0 : i32
    %dma_wait3A_19 = tpu.memref_slice %arg2[%dma_wait3A, %dma_wait3A_18] : memref<100000x768xf32, #tpu.memory_space<hbm>> -> memref<100000x768xf32, #tpu.memory_space<hbm>>
    tpu.wait_indirect_dma semaphore(%arg15 : memref<!tpu.dma_semaphore, #tpu.memory_space<semaphore_mem>>) src(%dma_wait3A_19 : memref<100000x768xf32, #tpu.memory_space<hbm>>) dst(%arg11 : memref<32x768xf32, #tpu.memory_space<vmem>>)
    %dma_wait3A_20 = arith.constant 0 : i32
    %dma_wait3A_21 = arith.constant 0 : i32
    %dma_wait3A_22 = tpu.memref_slice %arg3[%dma_wait3A_20, %dma_wait3A_21] : memref<2048x768xf32, #tpu.memory_space<hbm>> -> memref<2048x768xf32, #tpu.memory_space<hbm>>
    tpu.wait_indirect_dma semaphore(%arg15 : memref<!tpu.dma_semaphore, #tpu.memory_space<semaphore_mem>>) src(%dma_wait3A_22 : memref<2048x768xf32, #tpu.memory_space<hbm>>) dst(%arg13 : memref<32x768xf32, #tpu.memory_space<vmem>>)
    %parallel_loop3A = arith.constant 0 : i32
    %parallel_loop3A_23 = arith.constant 32 : i32
    %parallel_loop3A_24 = arith.constant 1 : i32
    scf.for %parallel_loop3A_64 = %parallel_loop3A to %parallel_loop3A_23 step %parallel_loop3A_24  : i32 {
      %parallel_loop3A_65 = arith.index_cast %parallel_loop3A_64 : i32 to index
      %parallel_loop3A_66 = arith.constant 0 : index
      %parallel_loop3A_67 = tpu.vector_load %arg13[%parallel_loop3A_65, %parallel_loop3A_66] {strides = array<i32>} : memref<32x768xf32, #tpu.memory_space<vmem>>, vector<16xf32>,
      %parallel_loop3A_68 = arith.index_cast %parallel_loop3A_64 : i32 to index
      %parallel_loop3A_69 = arith.constant 0 : index
      %parallel_loop3A_70 = tpu.vector_load %arg11[%parallel_loop3A_68, %parallel_loop3A_69] {strides = array<i32>} : memref<32x768xf32, #tpu.memory_space<vmem>>, vector<16xf32>,
      tpu.vector_store %arg11[%parallel_loop3A_68, %parallel_loop3A_69], %parallel_loop3A_67 {add = true, strides = array<i32>} : memref<32x768xf32, #tpu.memory_space<vmem>>, vector<16xf32>,
      %parallel_loop3A_71 = arith.index_cast %parallel_loop3A_64 : i32 to index
      %parallel_loop3A_72 = arith.constant 16 : index
      %parallel_loop3A_73 = tpu.vector_load %arg13[%parallel_loop3A_71, %parallel_loop3A_72] {strides = array<i32>} : memref<32x768xf32, #tpu.memory_space<vmem>>, vector<16xf32>,
      %parallel_loop3A_74 = arith.index_cast %parallel_loop3A_64 : i32 to index
      %parallel_loop3A_75 = arith.constant 16 : index
      %parallel_loop3A_76 = tpu.vector_load %arg11[%parallel_loop3A_74, %parallel_loop3A_75] {strides = array<i32>} : memref<32x768xf32, #tpu.memory_space<vmem>>, vector<16xf32>,
      tpu.vector_store %arg11[%parallel_loop3A_74, %parallel_loop3A_75], %parallel_loop3A_73 {add = true, strides = array<i32>} : memref<32x768xf32, #tpu.memory_space<vmem>>, vector<16xf32>,
      %parallel_loop3A_77 = arith.index_cast %parallel_loop3A_64 : i32 to index
      %parallel_loop3A_78 = arith.constant 32 : index
      %parallel_loop3A_79 = tpu.vector_load %arg13[%parallel_loop3A_77, %parallel_loop3A_78] {strides = array<i32>} : memref<32x768xf32, #tpu.memory_space<vmem>>, vector<16xf32>,
      %parallel_loop3A_80 = arith.index_cast %parallel_loop3A_64 : i32 to index
      %parallel_loop3A_81 = arith.constant 32 : index
      %parallel_loop3A_82 = tpu.vector_load %arg11[%parallel_loop3A_80, %parallel_loop3A_81] {strides = array<i32>} : memref<32x768xf32, #tpu.memory_space<vmem>>, vector<16xf32>,
      tpu.vector_store %arg11[%parallel_loop3A_80, %parallel_loop3A_81], %parallel_loop3A_79 {add = true, strides = array<i32>} : memref<32x768xf32, #tpu.memory_space<vmem>>, vector<16xf32>,
      %parallel_loop3A_83 = arith.index_cast %parallel_loop3A_64 : i32 to index
      %parallel_loop3A_84 = arith.constant 48 : index
      %parallel_loop3A_85 = tpu.vector_load %arg13[%parallel_loop3A_83, %parallel_loop3A_84] {strides = array<i32>} : memref<32x768xf32, #tpu.memory_space<vmem>>, vector<16xf32>,
      %parallel_loop3A_86 = arith.index_cast %parallel_loop3A_64 : i32 to index
      %parallel_loop3A_87 = arith.constant 48 : index
      %parallel_loop3A_88 = tpu.vector_load %arg11[%parallel_loop3A_86, %parallel_loop3A_87] {strides = array<i32>} : memref<32x768xf32, #tpu.memory_space<vmem>>, vector<16xf32>,
      tpu.vector_store %arg11[%parallel_loop3A_86, %parallel_loop3A_87], %parallel_loop3A_85 {add = true, strides = array<i32>} : memref<32x768xf32, #tpu.memory_space<vmem>>, vector<16xf32>,
      %parallel_loop3A_89 = arith.index_cast %parallel_loop3A_64 : i32 to index
      %parallel_loop3A_90 = arith.constant 64 : index
      %parallel_loop3A_91 = tpu.vector_load %arg13[%parallel_loop3A_89, %parallel_loop3A_90] {strides = array<i32>} : memref<32x768xf32, #tpu.memory_space<vmem>>, vector<16xf32>,
      %parallel_loop3A_92 = arith.index_cast %parallel_loop3A_64 : i32 to index
      %parallel_loop3A_93 = arith.constant 64 : index
      %parallel_loop3A_94 = tpu.vector_load %arg11[%parallel_loop3A_92, %parallel_loop3A_93] {strides = array<i32>} : memref<32x768xf32, #tpu.memory_space<vmem>>, vector<16xf32>,
      tpu.vector_store %arg11[%parallel_loop3A_92, %parallel_loop3A_93], %parallel_loop3A_91 {add = true, strides = array<i32>} : memref<32x768xf32, #tpu.memory_space<vmem>>, vector<16xf32>,
      %parallel_loop3A_95 = arith.index_cast %parallel_loop3A_64 : i32 to index
      %parallel_loop3A_96 = arith.constant 80 : index
      %parallel_loop3A_97 = tpu.vector_load %arg13[%parallel_loop3A_95, %parallel_loop3A_96] {strides = array<i32>} : memref<32x768xf32, #tpu.memory_space<vmem>>, vector<16xf32>,
      %parallel_loop3A_98 = arith.index_cast %parallel_loop3A_64 : i32 to index
      %parallel_loop3A_99 = arith.constant 80 : index
      %parallel_loop3A_100 = tpu.vector_load %arg11[%parallel_loop3A_98, %parallel_loop3A_99] {strides = array<i32>} : memref<32x768xf32, #tpu.memory_space<vmem>>, vector<16xf32>,
      tpu.vector_store %arg11[%parallel_loop3A_98, %parallel_loop3A_99], %parallel_loop3A_97 {add = true, strides = array<i32>} : memref<32x768xf32, #tpu.memory_space<vmem>>, vector<16xf32>,
      %parallel_loop3A_101 = arith.index_cast %parallel_loop3A_64 : i32 to index
      %parallel_loop3A_102 = arith.constant 96 : index
      %parallel_loop3A_103 = tpu.vector_load %arg13[%parallel_loop3A_101, %parallel_loop3A_102] {strides = array<i32>} : memref<32x768xf32, #tpu.memory_space<vmem>>, vector<16xf32>,
      %parallel_loop3A_104 = arith.index_cast %parallel_loop3A_64 : i32 to index
      %parallel_loop3A_105 = arith.constant 96 : index
      %parallel_loop3A_106 = tpu.vector_load %arg11[%parallel_loop3A_104, %parallel_loop3A_105] {strides = array<i32>} : memref<32x768xf32, #tpu.memory_space<vmem>>, vector<16xf32>,
      tpu.vector_store %arg11[%parallel_loop3A_104, %parallel_loop3A_105], %parallel_loop3A_103 {add = true, strides = array<i32>} : memref<32x768xf32, #tpu.memory_space<vmem>>, vector<16xf32>,
      %parallel_loop3A_107 = arith.index_cast %parallel_loop3A_64 : i32 to index
      %parallel_loop3A_108 = arith.constant 112 : index
      %parallel_loop3A_109 = tpu.vector_load %arg13[%parallel_loop3A_107, %parallel_loop3A_108] {strides = array<i32>} : memref<32x768xf32, #tpu.memory_space<vmem>>, vector<16xf32>,
      %parallel_loop3A_110 = arith.index_cast %parallel_loop3A_64 : i32 to index
      %parallel_loop3A_111 = arith.constant 112 : index
      %parallel_loop3A_112 = tpu.vector_load %arg11[%parallel_loop3A_110, %parallel_loop3A_111] {strides = array<i32>} : memref<32x768xf32, #tpu.memory_space<vmem>>, vector<16xf32>,
      tpu.vector_store %arg11[%parallel_loop3A_110, %parallel_loop3A_111], %parallel_loop3A_109 {add = true, strides = array<i32>} : memref<32x768xf32, #tpu.memory_space<vmem>>, vector<16xf32>,
      %parallel_loop3A_113 = arith.index_cast %parallel_loop3A_64 : i32 to index
      %parallel_loop3A_114 = arith.constant 128 : index
      %parallel_loop3A_115 = tpu.vector_load %arg13[%parallel_loop3A_113, %parallel_loop3A_114] {strides = array<i32>} : memref<32x768xf32, #tpu.memory_space<vmem>>, vector<16xf32>,
      %parallel_loop3A_116 = arith.index_cast %parallel_loop3A_64 : i32 to index
      %parallel_loop3A_117 = arith.constant 128 : index
      %parallel_loop3A_118 = tpu.vector_load %arg11[%parallel_loop3A_116, %parallel_loop3A_117] {strides = array<i32>} : memref<32x768xf32, #tpu.memory_space<vmem>>, vector<16xf32>,
      tpu.vector_store %arg11[%parallel_loop3A_116, %parallel_loop3A_117], %parallel_loop3A_115 {add = true, strides = array<i32>} : memref<32x768xf32, #tpu.memory_space<vmem>>, vector<16xf32>,
      %parallel_loop3A_119 = arith.index_cast %parallel_loop3A_64 : i32 to index
      %parallel_loop3A_120 = arith.constant 144 : index
      %parallel_loop3A_121 = tpu.vector_load %arg13[%parallel_loop3A_119, %parallel_loop3A_120] {strides = array<i32>} : memref<32x768xf32, #tpu.memory_space<vmem>>, vector<16xf32>,
      %parallel_loop3A_122 = arith.index_cast %parallel_loop3A_64 : i32 to index
      %parallel_loop3A_123 = arith.constant 144 : index
      %parallel_loop3A_124 = tpu.vector_load %arg11[%parallel_loop3A_122, %parallel_loop3A_123] {strides = array<i32>} : memref<32x768xf32, #tpu.memory_space<vmem>>, vector<16xf32>,
      tpu.vector_store %arg11[%parallel_loop3A_122, %parallel_loop3A_123], %parallel_loop3A_121 {add = true, strides = array<i32>} : memref<32x768xf32, #tpu.memory_space<vmem>>, vector<16xf32>,
      %parallel_loop3A_125 = arith.index_cast %parallel_loop3A_64 : i32 to index
      %parallel_loop3A_126 = arith.constant 160 : index
      %parallel_loop3A_127 = tpu.vector_load %arg13[%parallel_loop3A_125, %parallel_loop3A_126] {strides = array<i32>} : memref<32x768xf32, #tpu.memory_space<vmem>>, vector<16xf32>,
      %parallel_loop3A_128 = arith.index_cast %parallel_loop3A_64 : i32 to index
      %parallel_loop3A_129 = arith.constant 160 : index
      %parallel_loop3A_130 = tpu.vector_load %arg11[%parallel_loop3A_128, %parallel_loop3A_129] {strides = array<i32>} : memref<32x768xf32, #tpu.memory_space<vmem>>, vector<16xf32>,
      tpu.vector_store %arg11[%parallel_loop3A_128, %parallel_loop3A_129], %parallel_loop3A_127 {add = true, strides = array<i32>} : memref<32x768xf32, #tpu.memory_space<vmem>>, vector<16xf32>,
      %parallel_loop3A_131 = arith.index_cast %parallel_loop3A_64 : i32 to index
      %parallel_loop3A_132 = arith.constant 176 : index
      %parallel_loop3A_133 = tpu.vector_load %arg13[%parallel_loop3A_131, %parallel_loop3A_132] {strides = array<i32>} : memref<32x768xf32, #tpu.memory_space<vmem>>, vector<16xf32>,
      %parallel_loop3A_134 = arith.index_cast %parallel_loop3A_64 : i32 to index
      %parallel_loop3A_135 = arith.constant 176 : index
      %parallel_loop3A_136 = tpu.vector_load %arg11[%parallel_loop3A_134, %parallel_loop3A_135] {strides = array<i32>} : memref<32x768xf32, #tpu.memory_space<vmem>>, vector<16xf32>,
      tpu.vector_store %arg11[%parallel_loop3A_134, %parallel_loop3A_135], %parallel_loop3A_133 {add = true, strides = array<i32>} : memref<32x768xf32, #tpu.memory_space<vmem>>, vector<16xf32>,
      %parallel_loop3A_137 = arith.index_cast %parallel_loop3A_64 : i32 to index
      %parallel_loop3A_138 = arith.constant 192 : index
      %parallel_loop3A_139 = tpu.vector_load %arg13[%parallel_loop3A_137, %parallel_loop3A_138] {strides = array<i32>} : memref<32x768xf32, #tpu.memory_space<vmem>>, vector<16xf32>,
      %parallel_loop3A_140 = arith.index_cast %parallel_loop3A_64 : i32 to index
      %parallel_loop3A_141 = arith.constant 192 : index
      %parallel_loop3A_142 = tpu.vector_load %arg11[%parallel_loop3A_140, %parallel_loop3A_141] {strides = array<i32>} : memref<32x768xf32, #tpu.memory_space<vmem>>, vector<16xf32>,
      tpu.vector_store %arg11[%parallel_loop3A_140, %parallel_loop3A_141], %parallel_loop3A_139 {add = true, strides = array<i32>} : memref<32x768xf32, #tpu.memory_space<vmem>>, vector<16xf32>,
      %parallel_loop3A_143 = arith.index_cast %parallel_loop3A_64 : i32 to index
      %parallel_loop3A_144 = arith.constant 208 : index
      %parallel_loop3A_145 = tpu.vector_load %arg13[%parallel_loop3A_143, %parallel_loop3A_144] {strides = array<i32>} : memref<32x768xf32, #tpu.memory_space<vmem>>, vector<16xf32>,
      %parallel_loop3A_146 = arith.index_cast %parallel_loop3A_64 : i32 to index
      %parallel_loop3A_147 = arith.constant 208 : index
      %parallel_loop3A_148 = tpu.vector_load %arg11[%parallel_loop3A_146, %parallel_loop3A_147] {strides = array<i32>} : memref<32x768xf32, #tpu.memory_space<vmem>>, vector<16xf32>,
      tpu.vector_store %arg11[%parallel_loop3A_146, %parallel_loop3A_147], %parallel_loop3A_145 {add = true, strides = array<i32>} : memref<32x768xf32, #tpu.memory_space<vmem>>, vector<16xf32>,
      %parallel_loop3A_149 = arith.index_cast %parallel_loop3A_64 : i32 to index
      %parallel_loop3A_150 = arith.constant 224 : index
      %parallel_loop3A_151 = tpu.vector_load %arg13[%parallel_loop3A_149, %parallel_loop3A_150] {strides = array<i32>} : memref<32x768xf32, #tpu.memory_space<vmem>>, vector<16xf32>,
      %parallel_loop3A_152 = arith.index_cast %parallel_loop3A_64 : i32 to index
      %parallel_loop3A_153 = arith.constant 224 : index
      %parallel_loop3A_154 = tpu.vector_load %arg11[%parallel_loop3A_152, %parallel_loop3A_153] {strides = array<i32>} : memref<32x768xf32, #tpu.memory_space<vmem>>, vector<16xf32>,
      tpu.vector_store %arg11[%parallel_loop3A_152, %parallel_loop3A_153], %parallel_loop3A_151 {add = true, strides = array<i32>} : memref<32x768xf32, #tpu.memory_space<vmem>>, vector<16xf32>,
      %parallel_loop3A_155 = arith.index_cast %parallel_loop3A_64 : i32 to index
      %parallel_loop3A_156 = arith.constant 240 : index
      %parallel_loop3A_157 = tpu.vector_load %arg13[%parallel_loop3A_155, %parallel_loop3A_156] {strides = array<i32>} : memref<32x768xf32, #tpu.memory_space<vmem>>, vector<16xf32>,
      %parallel_loop3A_158 = arith.index_cast %parallel_loop3A_64 : i32 to index
      %parallel_loop3A_159 = arith.constant 240 : index
      %parallel_loop3A_160 = tpu.vector_load %arg11[%parallel_loop3A_158, %parallel_loop3A_159] {strides = array<i32>} : memref<32x768xf32, #tpu.memory_space<vmem>>, vector<16xf32>,
      tpu.vector_store %arg11[%parallel_loop3A_158, %parallel_loop3A_159], %parallel_loop3A_157 {add = true, strides = array<i32>} : memref<32x768xf32, #tpu.memory_space<vmem>>, vector<16xf32>,
      %parallel_loop3A_161 = arith.index_cast %parallel_loop3A_64 : i32 to index
      %parallel_loop3A_162 = arith.constant 256 : index
      %parallel_loop3A_163 = tpu.vector_load %arg13[%parallel_loop3A_161, %parallel_loop3A_162] {strides = array<i32>} : memref<32x768xf32, #tpu.memory_space<vmem>>, vector<16xf32>,
      %parallel_loop3A_164 = arith.index_cast %parallel_loop3A_64 : i32 to index
      %parallel_loop3A_165 = arith.constant 256 : index
      %parallel_loop3A_166 = tpu.vector_load %arg11[%parallel_loop3A_164, %parallel_loop3A_165] {strides = array<i32>} : memref<32x768xf32, #tpu.memory_space<vmem>>, vector<16xf32>,
      tpu.vector_store %arg11[%parallel_loop3A_164, %parallel_loop3A_165], %parallel_loop3A_163 {add = true, strides = array<i32>} : memref<32x768xf32, #tpu.memory_space<vmem>>, vector<16xf32>,
      %parallel_loop3A_167 = arith.index_cast %parallel_loop3A_64 : i32 to index
      %parallel_loop3A_168 = arith.constant 272 : index
      %parallel_loop3A_169 = tpu.vector_load %arg13[%parallel_loop3A_167, %parallel_loop3A_168] {strides = array<i32>} : memref<32x768xf32, #tpu.memory_space<vmem>>, vector<16xf32>,
      %parallel_loop3A_170 = arith.index_cast %parallel_loop3A_64 : i32 to index
      %parallel_loop3A_171 = arith.constant 272 : index
      %parallel_loop3A_172 = tpu.vector_load %arg11[%parallel_loop3A_170, %parallel_loop3A_171] {strides = array<i32>} : memref<32x768xf32, #tpu.memory_space<vmem>>, vector<16xf32>,
      tpu.vector_store %arg11[%parallel_loop3A_170, %parallel_loop3A_171], %parallel_loop3A_169 {add = true, strides = array<i32>} : memref<32x768xf32, #tpu.memory_space<vmem>>, vector<16xf32>,
      %parallel_loop3A_173 = arith.index_cast %parallel_loop3A_64 : i32 to index
      %parallel_loop3A_174 = arith.constant 288 : index
      %parallel_loop3A_175 = tpu.vector_load %arg13[%parallel_loop3A_173, %parallel_loop3A_174] {strides = array<i32>} : memref<32x768xf32, #tpu.memory_space<vmem>>, vector<16xf32>,
      %parallel_loop3A_176 = arith.index_cast %parallel_loop3A_64 : i32 to index
      %parallel_loop3A_177 = arith.constant 288 : index
      %parallel_loop3A_178 = tpu.vector_load %arg11[%parallel_loop3A_176, %parallel_loop3A_177] {strides = array<i32>} : memref<32x768xf32, #tpu.memory_space<vmem>>, vector<16xf32>,
      tpu.vector_store %arg11[%parallel_loop3A_176, %parallel_loop3A_177], %parallel_loop3A_175 {add = true, strides = array<i32>} : memref<32x768xf32, #tpu.memory_space<vmem>>, vector<16xf32>,
      %parallel_loop3A_179 = arith.index_cast %parallel_loop3A_64 : i32 to index
      %parallel_loop3A_180 = arith.constant 304 : index
      %parallel_loop3A_181 = tpu.vector_load %arg13[%parallel_loop3A_179, %parallel_loop3A_180] {strides = array<i32>} : memref<32x768xf32, #tpu.memory_space<vmem>>, vector<16xf32>,
      %parallel_loop3A_182 = arith.index_cast %parallel_loop3A_64 : i32 to index
      %parallel_loop3A_183 = arith.constant 304 : index
      %parallel_loop3A_184 = tpu.vector_load %arg11[%parallel_loop3A_182, %parallel_loop3A_183] {strides = array<i32>} : memref<32x768xf32, #tpu.memory_space<vmem>>, vector<16xf32>,
      tpu.vector_store %arg11[%parallel_loop3A_182, %parallel_loop3A_183], %parallel_loop3A_181 {add = true, strides = array<i32>} : memref<32x768xf32, #tpu.memory_space<vmem>>, vector<16xf32>,
      %parallel_loop3A_185 = arith.index_cast %parallel_loop3A_64 : i32 to index
      %parallel_loop3A_186 = arith.constant 320 : index
      %parallel_loop3A_187 = tpu.vector_load %arg13[%parallel_loop3A_185, %parallel_loop3A_186] {strides = array<i32>} : memref<32x768xf32, #tpu.memory_space<vmem>>, vector<16xf32>,
      %parallel_loop3A_188 = arith.index_cast %parallel_loop3A_64 : i32 to index
      %parallel_loop3A_189 = arith.constant 320 : index
      %parallel_loop3A_190 = tpu.vector_load %arg11[%parallel_loop3A_188, %parallel_loop3A_189] {strides = array<i32>} : memref<32x768xf32, #tpu.memory_space<vmem>>, vector<16xf32>,
      tpu.vector_store %arg11[%parallel_loop3A_188, %parallel_loop3A_189], %parallel_loop3A_187 {add = true, strides = array<i32>} : memref<32x768xf32, #tpu.memory_space<vmem>>, vector<16xf32>,
      %parallel_loop3A_191 = arith.index_cast %parallel_loop3A_64 : i32 to index
      %parallel_loop3A_192 = arith.constant 336 : index
      %parallel_loop3A_193 = tpu.vector_load %arg13[%parallel_loop3A_191, %parallel_loop3A_192] {strides = array<i32>} : memref<32x768xf32, #tpu.memory_space<vmem>>, vector<16xf32>,
      %parallel_loop3A_194 = arith.index_cast %parallel_loop3A_64 : i32 to index
      %parallel_loop3A_195 = arith.constant 336 : index
      %parallel_loop3A_196 = tpu.vector_load %arg11[%parallel_loop3A_194, %parallel_loop3A_195] {strides = array<i32>} : memref<32x768xf32, #tpu.memory_space<vmem>>, vector<16xf32>,
      tpu.vector_store %arg11[%parallel_loop3A_194, %parallel_loop3A_195], %parallel_loop3A_193 {add = true, strides = array<i32>} : memref<32x768xf32, #tpu.memory_space<vmem>>, vector<16xf32>,
      %parallel_loop3A_197 = arith.index_cast %parallel_loop3A_64 : i32 to index
      %parallel_loop3A_198 = arith.constant 352 : index
      %parallel_loop3A_199 = tpu.vector_load %arg13[%parallel_loop3A_197, %parallel_loop3A_198] {strides = array<i32>} : memref<32x768xf32, #tpu.memory_space<vmem>>, vector<16xf32>,
      %parallel_loop3A_200 = arith.index_cast %parallel_loop3A_64 : i32 to index
      %parallel_loop3A_201 = arith.constant 352 : index
      %parallel_loop3A_202 = tpu.vector_load %arg11[%parallel_loop3A_200, %parallel_loop3A_201] {strides = array<i32>} : memref<32x768xf32, #tpu.memory_space<vmem>>, vector<16xf32>,
      tpu.vector_store %arg11[%parallel_loop3A_200, %parallel_loop3A_201], %parallel_loop3A_199 {add = true, strides = array<i32>} : memref<32x768xf32, #tpu.memory_space<vmem>>, vector<16xf32>,
      %parallel_loop3A_203 = arith.index_cast %parallel_loop3A_64 : i32 to index
      %parallel_loop3A_204 = arith.constant 368 : index
      %parallel_loop3A_205 = tpu.vector_load %arg13[%parallel_loop3A_203, %parallel_loop3A_204] {strides = array<i32>} : memref<32x768xf32, #tpu.memory_space<vmem>>, vector<16xf32>,
      %parallel_loop3A_206 = arith.index_cast %parallel_loop3A_64 : i32 to index
      %parallel_loop3A_207 = arith.constant 368 : index
      %parallel_loop3A_208 = tpu.vector_load %arg11[%parallel_loop3A_206, %parallel_loop3A_207] {strides = array<i32>} : memref<32x768xf32, #tpu.memory_space<vmem>>, vector<16xf32>,
      tpu.vector_store %arg11[%parallel_loop3A_206, %parallel_loop3A_207], %parallel_loop3A_205 {add = true, strides = array<i32>} : memref<32x768xf32, #tpu.memory_space<vmem>>, vector<16xf32>,
      %parallel_loop3A_209 = arith.index_cast %parallel_loop3A_64 : i32 to index
      %parallel_loop3A_210 = arith.constant 384 : index
      %parallel_loop3A_211 = tpu.vector_load %arg13[%parallel_loop3A_209, %parallel_loop3A_210] {strides = array<i32>} : memref<32x768xf32, #tpu.memory_space<vmem>>, vector<16xf32>,
      %parallel_loop3A_212 = arith.index_cast %parallel_loop3A_64 : i32 to index
      %parallel_loop3A_213 = arith.constant 384 : index
      %parallel_loop3A_214 = tpu.vector_load %arg11[%parallel_loop3A_212, %parallel_loop3A_213] {strides = array<i32>} : memref<32x768xf32, #tpu.memory_space<vmem>>, vector<16xf32>,
      tpu.vector_store %arg11[%parallel_loop3A_212, %parallel_loop3A_213], %parallel_loop3A_211 {add = true, strides = array<i32>} : memref<32x768xf32, #tpu.memory_space<vmem>>, vector<16xf32>,
      %parallel_loop3A_215 = arith.index_cast %parallel_loop3A_64 : i32 to index
      %parallel_loop3A_216 = arith.constant 400 : index
      %parallel_loop3A_217 = tpu.vector_load %arg13[%parallel_loop3A_215, %parallel_loop3A_216] {strides = array<i32>} : memref<32x768xf32, #tpu.memory_space<vmem>>, vector<16xf32>,
      %parallel_loop3A_218 = arith.index_cast %parallel_loop3A_64 : i32 to index
      %parallel_loop3A_219 = arith.constant 400 : index
      %parallel_loop3A_220 = tpu.vector_load %arg11[%parallel_loop3A_218, %parallel_loop3A_219] {strides = array<i32>} : memref<32x768xf32, #tpu.memory_space<vmem>>, vector<16xf32>,
      tpu.vector_store %arg11[%parallel_loop3A_218, %parallel_loop3A_219], %parallel_loop3A_217 {add = true, strides = array<i32>} : memref<32x768xf32, #tpu.memory_space<vmem>>, vector<16xf32>,
      %parallel_loop3A_221 = arith.index_cast %parallel_loop3A_64 : i32 to index
      %parallel_loop3A_222 = arith.constant 416 : index
      %parallel_loop3A_223 = tpu.vector_load %arg13[%parallel_loop3A_221, %parallel_loop3A_222] {strides = array<i32>} : memref<32x768xf32, #tpu.memory_space<vmem>>, vector<16xf32>,
      %parallel_loop3A_224 = arith.index_cast %parallel_loop3A_64 : i32 to index
      %parallel_loop3A_225 = arith.constant 416 : index
      %parallel_loop3A_226 = tpu.vector_load %arg11[%parallel_loop3A_224, %parallel_loop3A_225] {strides = array<i32>} : memref<32x768xf32, #tpu.memory_space<vmem>>, vector<16xf32>,
      tpu.vector_store %arg11[%parallel_loop3A_224, %parallel_loop3A_225], %parallel_loop3A_223 {add = true, strides = array<i32>} : memref<32x768xf32, #tpu.memory_space<vmem>>, vector<16xf32>,
      %parallel_loop3A_227 = arith.index_cast %parallel_loop3A_64 : i32 to index
      %parallel_loop3A_228 = arith.constant 432 : index
      %parallel_loop3A_229 = tpu.vector_load %arg13[%parallel_loop3A_227, %parallel_loop3A_228] {strides = array<i32>} : memref<32x768xf32, #tpu.memory_space<vmem>>, vector<16xf32>,
      %parallel_loop3A_230 = arith.index_cast %parallel_loop3A_64 : i32 to index
      %parallel_loop3A_231 = arith.constant 432 : index
      %parallel_loop3A_232 = tpu.vector_load %arg11[%parallel_loop3A_230, %parallel_loop3A_231] {strides = array<i32>} : memref<32x768xf32, #tpu.memory_space<vmem>>, vector<16xf32>,
      tpu.vector_store %arg11[%parallel_loop3A_230, %parallel_loop3A_231], %parallel_loop3A_229 {add = true, strides = array<i32>} : memref<32x768xf32, #tpu.memory_space<vmem>>, vector<16xf32>,
      %parallel_loop3A_233 = arith.index_cast %parallel_loop3A_64 : i32 to index
      %parallel_loop3A_234 = arith.constant 448 : index
      %parallel_loop3A_235 = tpu.vector_load %arg13[%parallel_loop3A_233, %parallel_loop3A_234] {strides = array<i32>} : memref<32x768xf32, #tpu.memory_space<vmem>>, vector<16xf32>,
      %parallel_loop3A_236 = arith.index_cast %parallel_loop3A_64 : i32 to index
      %parallel_loop3A_237 = arith.constant 448 : index
      %parallel_loop3A_238 = tpu.vector_load %arg11[%parallel_loop3A_236, %parallel_loop3A_237] {strides = array<i32>} : memref<32x768xf32, #tpu.memory_space<vmem>>, vector<16xf32>,
      tpu.vector_store %arg11[%parallel_loop3A_236, %parallel_loop3A_237], %parallel_loop3A_235 {add = true, strides = array<i32>} : memref<32x768xf32, #tpu.memory_space<vmem>>, vector<16xf32>,
      %parallel_loop3A_239 = arith.index_cast %parallel_loop3A_64 : i32 to index
      %parallel_loop3A_240 = arith.constant 464 : index
      %parallel_loop3A_241 = tpu.vector_load %arg13[%parallel_loop3A_239, %parallel_loop3A_240] {strides = array<i32>} : memref<32x768xf32, #tpu.memory_space<vmem>>, vector<16xf32>,
      %parallel_loop3A_242 = arith.index_cast %parallel_loop3A_64 : i32 to index
      %parallel_loop3A_243 = arith.constant 464 : index
      %parallel_loop3A_244 = tpu.vector_load %arg11[%parallel_loop3A_242, %parallel_loop3A_243] {strides = array<i32>} : memref<32x768xf32, #tpu.memory_space<vmem>>, vector<16xf32>,
      tpu.vector_store %arg11[%parallel_loop3A_242, %parallel_loop3A_243], %parallel_loop3A_241 {add = true, strides = array<i32>} : memref<32x768xf32, #tpu.memory_space<vmem>>, vector<16xf32>,
      %parallel_loop3A_245 = arith.index_cast %parallel_loop3A_64 : i32 to index
      %parallel_loop3A_246 = arith.constant 480 : index
      %parallel_loop3A_247 = tpu.vector_load %arg13[%parallel_loop3A_245, %parallel_loop3A_246] {strides = array<i32>} : memref<32x768xf32, #tpu.memory_space<vmem>>, vector<16xf32>,
      %parallel_loop3A_248 = arith.index_cast %parallel_loop3A_64 : i32 to index
      %parallel_loop3A_249 = arith.constant 480 : index
      %parallel_loop3A_250 = tpu.vector_load %arg11[%parallel_loop3A_248, %parallel_loop3A_249] {strides = array<i32>} : memref<32x768xf32, #tpu.memory_space<vmem>>, vector<16xf32>,
      tpu.vector_store %arg11[%parallel_loop3A_248, %parallel_loop3A_249], %parallel_loop3A_247 {add = true, strides = array<i32>} : memref<32x768xf32, #tpu.memory_space<vmem>>, vector<16xf32>,
      %parallel_loop3A_251 = arith.index_cast %parallel_loop3A_64 : i32 to index
      %parallel_loop3A_252 = arith.constant 496 : index
      %parallel_loop3A_253 = tpu.vector_load %arg13[%parallel_loop3A_251, %parallel_loop3A_252] {strides = array<i32>} : memref<32x768xf32, #tpu.memory_space<vmem>>, vector<16xf32>,
      %parallel_loop3A_254 = arith.index_cast %parallel_loop3A_64 : i32 to index
      %parallel_loop3A_255 = arith.constant 496 : index
      %parallel_loop3A_256 = tpu.vector_load %arg11[%parallel_loop3A_254, %parallel_loop3A_255] {strides = array<i32>} : memref<32x768xf32, #tpu.memory_space<vmem>>, vector<16xf32>,
      tpu.vector_store %arg11[%parallel_loop3A_254, %parallel_loop3A_255], %parallel_loop3A_253 {add = true, strides = array<i32>} : memref<32x768xf32, #tpu.memory_space<vmem>>, vector<16xf32>,
      %parallel_loop3A_257 = arith.index_cast %parallel_loop3A_64 : i32 to index
      %parallel_loop3A_258 = arith.constant 512 : index
      %parallel_loop3A_259 = tpu.vector_load %arg13[%parallel_loop3A_257, %parallel_loop3A_258] {strides = array<i32>} : memref<32x768xf32, #tpu.memory_space<vmem>>, vector<16xf32>,
      %parallel_loop3A_260 = arith.index_cast %parallel_loop3A_64 : i32 to index
      %parallel_loop3A_261 = arith.constant 512 : index
      %parallel_loop3A_262 = tpu.vector_load %arg11[%parallel_loop3A_260, %parallel_loop3A_261] {strides = array<i32>} : memref<32x768xf32, #tpu.memory_space<vmem>>, vector<16xf32>,
      tpu.vector_store %arg11[%parallel_loop3A_260, %parallel_loop3A_261], %parallel_loop3A_259 {add = true, strides = array<i32>} : memref<32x768xf32, #tpu.memory_space<vmem>>, vector<16xf32>,
      %parallel_loop3A_263 = arith.index_cast %parallel_loop3A_64 : i32 to index
      %parallel_loop3A_264 = arith.constant 528 : index
      %parallel_loop3A_265 = tpu.vector_load %arg13[%parallel_loop3A_263, %parallel_loop3A_264] {strides = array<i32>} : memref<32x768xf32, #tpu.memory_space<vmem>>, vector<16xf32>,
      %parallel_loop3A_266 = arith.index_cast %parallel_loop3A_64 : i32 to index
      %parallel_loop3A_267 = arith.constant 528 : index
      %parallel_loop3A_268 = tpu.vector_load %arg11[%parallel_loop3A_266, %parallel_loop3A_267] {strides = array<i32>} : memref<32x768xf32, #tpu.memory_space<vmem>>, vector<16xf32>,
      tpu.vector_store %arg11[%parallel_loop3A_266, %parallel_loop3A_267], %parallel_loop3A_265 {add = true, strides = array<i32>} : memref<32x768xf32, #tpu.memory_space<vmem>>, vector<16xf32>,
      %parallel_loop3A_269 = arith.index_cast %parallel_loop3A_64 : i32 to index
      %parallel_loop3A_270 = arith.constant 544 : index
      %parallel_loop3A_271 = tpu.vector_load %arg13[%parallel_loop3A_269, %parallel_loop3A_270] {strides = array<i32>} : memref<32x768xf32, #tpu.memory_space<vmem>>, vector<16xf32>,
      %parallel_loop3A_272 = arith.index_cast %parallel_loop3A_64 : i32 to index
      %parallel_loop3A_273 = arith.constant 544 : index
      %parallel_loop3A_274 = tpu.vector_load %arg11[%parallel_loop3A_272, %parallel_loop3A_273] {strides = array<i32>} : memref<32x768xf32, #tpu.memory_space<vmem>>, vector<16xf32>,
      tpu.vector_store %arg11[%parallel_loop3A_272, %parallel_loop3A_273], %parallel_loop3A_271 {add = true, strides = array<i32>} : memref<32x768xf32, #tpu.memory_space<vmem>>, vector<16xf32>,
      %parallel_loop3A_275 = arith.index_cast %parallel_loop3A_64 : i32 to index
      %parallel_loop3A_276 = arith.constant 560 : index
      %parallel_loop3A_277 = tpu.vector_load %arg13[%parallel_loop3A_275, %parallel_loop3A_276] {strides = array<i32>} : memref<32x768xf32, #tpu.memory_space<vmem>>, vector<16xf32>,
      %parallel_loop3A_278 = arith.index_cast %parallel_loop3A_64 : i32 to index
      %parallel_loop3A_279 = arith.constant 560 : index
      %parallel_loop3A_280 = tpu.vector_load %arg11[%parallel_loop3A_278, %parallel_loop3A_279] {strides = array<i32>} : memref<32x768xf32, #tpu.memory_space<vmem>>, vector<16xf32>,
      tpu.vector_store %arg11[%parallel_loop3A_278, %parallel_loop3A_279], %parallel_loop3A_277 {add = true, strides = array<i32>} : memref<32x768xf32, #tpu.memory_space<vmem>>, vector<16xf32>,
      %parallel_loop3A_281 = arith.index_cast %parallel_loop3A_64 : i32 to index
      %parallel_loop3A_282 = arith.constant 576 : index
      %parallel_loop3A_283 = tpu.vector_load %arg13[%parallel_loop3A_281, %parallel_loop3A_282] {strides = array<i32>} : memref<32x768xf32, #tpu.memory_space<vmem>>, vector<16xf32>,
      %parallel_loop3A_284 = arith.index_cast %parallel_loop3A_64 : i32 to index
      %parallel_loop3A_285 = arith.constant 576 : index
      %parallel_loop3A_286 = tpu.vector_load %arg11[%parallel_loop3A_284, %parallel_loop3A_285] {strides = array<i32>} : memref<32x768xf32, #tpu.memory_space<vmem>>, vector<16xf32>,
      tpu.vector_store %arg11[%parallel_loop3A_284, %parallel_loop3A_285], %parallel_loop3A_283 {add = true, strides = array<i32>} : memref<32x768xf32, #tpu.memory_space<vmem>>, vector<16xf32>,
      %parallel_loop3A_287 = arith.index_cast %parallel_loop3A_64 : i32 to index
      %parallel_loop3A_288 = arith.constant 592 : index
      %parallel_loop3A_289 = tpu.vector_load %arg13[%parallel_loop3A_287, %parallel_loop3A_288] {strides = array<i32>} : memref<32x768xf32, #tpu.memory_space<vmem>>, vector<16xf32>,
      %parallel_loop3A_290 = arith.index_cast %parallel_loop3A_64 : i32 to index
      %parallel_loop3A_291 = arith.constant 592 : index
      %parallel_loop3A_292 = tpu.vector_load %arg11[%parallel_loop3A_290, %parallel_loop3A_291] {strides = array<i32>} : memref<32x768xf32, #tpu.memory_space<vmem>>, vector<16xf32>,
      tpu.vector_store %arg11[%parallel_loop3A_290, %parallel_loop3A_291], %parallel_loop3A_289 {add = true, strides = array<i32>} : memref<32x768xf32, #tpu.memory_space<vmem>>, vector<16xf32>,
      %parallel_loop3A_293 = arith.index_cast %parallel_loop3A_64 : i32 to index
      %parallel_loop3A_294 = arith.constant 608 : index
      %parallel_loop3A_295 = tpu.vector_load %arg13[%parallel_loop3A_293, %parallel_loop3A_294] {strides = array<i32>} : memref<32x768xf32, #tpu.memory_space<vmem>>, vector<16xf32>,
      %parallel_loop3A_296 = arith.index_cast %parallel_loop3A_64 : i32 to index
      %parallel_loop3A_297 = arith.constant 608 : index
      %parallel_loop3A_298 = tpu.vector_load %arg11[%parallel_loop3A_296, %parallel_loop3A_297] {strides = array<i32>} : memref<32x768xf32, #tpu.memory_space<vmem>>, vector<16xf32>,
      tpu.vector_store %arg11[%parallel_loop3A_296, %parallel_loop3A_297], %parallel_loop3A_295 {add = true, strides = array<i32>} : memref<32x768xf32, #tpu.memory_space<vmem>>, vector<16xf32>,
      %parallel_loop3A_299 = arith.index_cast %parallel_loop3A_64 : i32 to index
      %parallel_loop3A_300 = arith.constant 624 : index
      %parallel_loop3A_301 = tpu.vector_load %arg13[%parallel_loop3A_299, %parallel_loop3A_300] {strides = array<i32>} : memref<32x768xf32, #tpu.memory_space<vmem>>, vector<16xf32>,
      %parallel_loop3A_302 = arith.index_cast %parallel_loop3A_64 : i32 to index
      %parallel_loop3A_303 = arith.constant 624 : index
      %parallel_loop3A_304 = tpu.vector_load %arg11[%parallel_loop3A_302, %parallel_loop3A_303] {strides = array<i32>} : memref<32x768xf32, #tpu.memory_space<vmem>>, vector<16xf32>,
      tpu.vector_store %arg11[%parallel_loop3A_302, %parallel_loop3A_303], %parallel_loop3A_301 {add = true, strides = array<i32>} : memref<32x768xf32, #tpu.memory_space<vmem>>, vector<16xf32>,
      %parallel_loop3A_305 = arith.index_cast %parallel_loop3A_64 : i32 to index
      %parallel_loop3A_306 = arith.constant 640 : index
      %parallel_loop3A_307 = tpu.vector_load %arg13[%parallel_loop3A_305, %parallel_loop3A_306] {strides = array<i32>} : memref<32x768xf32, #tpu.memory_space<vmem>>, vector<16xf32>,
      %parallel_loop3A_308 = arith.index_cast %parallel_loop3A_64 : i32 to index
      %parallel_loop3A_309 = arith.constant 640 : index
      %parallel_loop3A_310 = tpu.vector_load %arg11[%parallel_loop3A_308, %parallel_loop3A_309] {strides = array<i32>} : memref<32x768xf32, #tpu.memory_space<vmem>>, vector<16xf32>,
      tpu.vector_store %arg11[%parallel_loop3A_308, %parallel_loop3A_309], %parallel_loop3A_307 {add = true, strides = array<i32>} : memref<32x768xf32, #tpu.memory_space<vmem>>, vector<16xf32>,
      %parallel_loop3A_311 = arith.index_cast %parallel_loop3A_64 : i32 to index
      %parallel_loop3A_312 = arith.constant 656 : index
      %parallel_loop3A_313 = tpu.vector_load %arg13[%parallel_loop3A_311, %parallel_loop3A_312] {strides = array<i32>} : memref<32x768xf32, #tpu.memory_space<vmem>>, vector<16xf32>,
      %parallel_loop3A_314 = arith.index_cast %parallel_loop3A_64 : i32 to index
      %parallel_loop3A_315 = arith.constant 656 : index
      %parallel_loop3A_316 = tpu.vector_load %arg11[%parallel_loop3A_314, %parallel_loop3A_315] {strides = array<i32>} : memref<32x768xf32, #tpu.memory_space<vmem>>, vector<16xf32>,
      tpu.vector_store %arg11[%parallel_loop3A_314, %parallel_loop3A_315], %parallel_loop3A_313 {add = true, strides = array<i32>} : memref<32x768xf32, #tpu.memory_space<vmem>>, vector<16xf32>,
      %parallel_loop3A_317 = arith.index_cast %parallel_loop3A_64 : i32 to index
      %parallel_loop3A_318 = arith.constant 672 : index
      %parallel_loop3A_319 = tpu.vector_load %arg13[%parallel_loop3A_317, %parallel_loop3A_318] {strides = array<i32>} : memref<32x768xf32, #tpu.memory_space<vmem>>, vector<16xf32>,
      %parallel_loop3A_320 = arith.index_cast %parallel_loop3A_64 : i32 to index
      %parallel_loop3A_321 = arith.constant 672 : index
      %parallel_loop3A_322 = tpu.vector_load %arg11[%parallel_loop3A_320, %parallel_loop3A_321] {strides = array<i32>} : memref<32x768xf32, #tpu.memory_space<vmem>>, vector<16xf32>,
      tpu.vector_store %arg11[%parallel_loop3A_320, %parallel_loop3A_321], %parallel_loop3A_319 {add = true, strides = array<i32>} : memref<32x768xf32, #tpu.memory_space<vmem>>, vector<16xf32>,
      %parallel_loop3A_323 = arith.index_cast %parallel_loop3A_64 : i32 to index
      %parallel_loop3A_324 = arith.constant 688 : index
      %parallel_loop3A_325 = tpu.vector_load %arg13[%parallel_loop3A_323, %parallel_loop3A_324] {strides = array<i32>} : memref<32x768xf32, #tpu.memory_space<vmem>>, vector<16xf32>,
      %parallel_loop3A_326 = arith.index_cast %parallel_loop3A_64 : i32 to index
      %parallel_loop3A_327 = arith.constant 688 : index
      %parallel_loop3A_328 = tpu.vector_load %arg11[%parallel_loop3A_326, %parallel_loop3A_327] {strides = array<i32>} : memref<32x768xf32, #tpu.memory_space<vmem>>, vector<16xf32>,
      tpu.vector_store %arg11[%parallel_loop3A_326, %parallel_loop3A_327], %parallel_loop3A_325 {add = true, strides = array<i32>} : memref<32x768xf32, #tpu.memory_space<vmem>>, vector<16xf32>,
      %parallel_loop3A_329 = arith.index_cast %parallel_loop3A_64 : i32 to index
      %parallel_loop3A_330 = arith.constant 704 : index
      %parallel_loop3A_331 = tpu.vector_load %arg13[%parallel_loop3A_329, %parallel_loop3A_330] {strides = array<i32>} : memref<32x768xf32, #tpu.memory_space<vmem>>, vector<16xf32>,
      %parallel_loop3A_332 = arith.index_cast %parallel_loop3A_64 : i32 to index
      %parallel_loop3A_333 = arith.constant 704 : index
      %parallel_loop3A_334 = tpu.vector_load %arg11[%parallel_loop3A_332, %parallel_loop3A_333] {strides = array<i32>} : memref<32x768xf32, #tpu.memory_space<vmem>>, vector<16xf32>,
      tpu.vector_store %arg11[%parallel_loop3A_332, %parallel_loop3A_333], %parallel_loop3A_331 {add = true, strides = array<i32>} : memref<32x768xf32, #tpu.memory_space<vmem>>, vector<16xf32>,
      %parallel_loop3A_335 = arith.index_cast %parallel_loop3A_64 : i32 to index
      %parallel_loop3A_336 = arith.constant 720 : index
      %parallel_loop3A_337 = tpu.vector_load %arg13[%parallel_loop3A_335, %parallel_loop3A_336] {strides = array<i32>} : memref<32x768xf32, #tpu.memory_space<vmem>>, vector<16xf32>,
      %parallel_loop3A_338 = arith.index_cast %parallel_loop3A_64 : i32 to index
      %parallel_loop3A_339 = arith.constant 720 : index
      %parallel_loop3A_340 = tpu.vector_load %arg11[%parallel_loop3A_338, %parallel_loop3A_339] {strides = array<i32>} : memref<32x768xf32, #tpu.memory_space<vmem>>, vector<16xf32>,
      tpu.vector_store %arg11[%parallel_loop3A_338, %parallel_loop3A_339], %parallel_loop3A_337 {add = true, strides = array<i32>} : memref<32x768xf32, #tpu.memory_space<vmem>>, vector<16xf32>,
      %parallel_loop3A_341 = arith.index_cast %parallel_loop3A_64 : i32 to index
      %parallel_loop3A_342 = arith.constant 736 : index
      %parallel_loop3A_343 = tpu.vector_load %arg13[%parallel_loop3A_341, %parallel_loop3A_342] {strides = array<i32>} : memref<32x768xf32, #tpu.memory_space<vmem>>, vector<16xf32>,
      %parallel_loop3A_344 = arith.index_cast %parallel_loop3A_64 : i32 to index
      %parallel_loop3A_345 = arith.constant 736 : index
      %parallel_loop3A_346 = tpu.vector_load %arg11[%parallel_loop3A_344, %parallel_loop3A_345] {strides = array<i32>} : memref<32x768xf32, #tpu.memory_space<vmem>>, vector<16xf32>,
      tpu.vector_store %arg11[%parallel_loop3A_344, %parallel_loop3A_345], %parallel_loop3A_343 {add = true, strides = array<i32>} : memref<32x768xf32, #tpu.memory_space<vmem>>, vector<16xf32>,
      %parallel_loop3A_347 = arith.index_cast %parallel_loop3A_64 : i32 to index
      %parallel_loop3A_348 = arith.constant 752 : index
      %parallel_loop3A_349 = tpu.vector_load %arg13[%parallel_loop3A_347, %parallel_loop3A_348] {strides = array<i32>} : memref<32x768xf32, #tpu.memory_space<vmem>>, vector<16xf32>,
      %parallel_loop3A_350 = arith.index_cast %parallel_loop3A_64 : i32 to index
      %parallel_loop3A_351 = arith.constant 752 : index
      %parallel_loop3A_352 = tpu.vector_load %arg11[%parallel_loop3A_350, %parallel_loop3A_351] {strides = array<i32>} : memref<32x768xf32, #tpu.memory_space<vmem>>, vector<16xf32>,
      tpu.vector_store %arg11[%parallel_loop3A_350, %parallel_loop3A_351], %parallel_loop3A_349 {add = true, strides = array<i32>} : memref<32x768xf32, #tpu.memory_space<vmem>>, vector<16xf32>,
    } {sc.loop_unroll_factor = 1 : i64, sc.parallel_access}
    %add3A_25 = arith.constant 0 : i32
    %add3A_26 = arith.addi %mul3A_2, %add3A_25 : i32
    %dma_start3A_27 = arith.constant 0 : i32
    %dma_start3A_28 = tpu.memref_slice %arg6[%add3A_26, %dma_start3A_27] : memref<8192x768xf32, #tpu.memory_space<hbm>> -> memref<32x768xf32, #tpu.memory_space<hbm>>
    %dma_start3A_29 = arith.constant 0 : i32
    %dma_start3A_30 = tpu.memref_slice %arg6[%add3A_26, %dma_start3A_29] : memref<8192x768xf32, #tpu.memory_space<hbm>> -> memref<32x768xf32, #tpu.memory_space<hbm>>
    tpu.enqueue_dma source(%arg11 : memref<32x768xf32, #tpu.memory_space<vmem>>) target(%dma_start3A_30 : memref<32x768xf32, #tpu.memory_space<hbm>>) target_semaphore(%arg17 : memref<!tpu.dma_semaphore, #tpu.memory_space<semaphore_mem>>)
    %scan3A = arith.constant 0 : i32
    %scan3A_31 = arith.constant 0 : i32
    %scan3A_32 = arith.constant 3 : i32
    %scan3A_33 = arith.addi %scan3A_31, %scan3A_32 : i32
    %scan3A_34 = arith.constant 1 : i32
    %scan3A_35 = scf.for %scan3A_64 = %scan3A_31 to %scan3A_33 step %scan3A_34 iter_args(%scan3A_65 = %scan3A) -> (i32)  : i32 {
      %mul3A_66 = arith.constant 2 : i32
      %mul3A_67 = arith.muli %scan3A_64, %mul3A_66 : i32
      %add3A_68 = arith.constant 1 : i32
      %add3A_69 = arith.addi %add3A_68, %mul3A_67 : i32
      %add3A_70 = arith.constant 0 : i32
      %add3A_71 = arith.addi %add3A_69, %add3A_70 : i32
      %dma_wait3A_72 = arith.constant 0 : i32
      %dma_wait3A_73 = arith.constant 0 : i32
      %dma_wait3A_74 = tpu.memref_slice %arg2[%dma_wait3A_72, %dma_wait3A_73] : memref<100000x768xf32, #tpu.memory_space<hbm>> -> memref<100000x768xf32, #tpu.memory_space<hbm>>
      tpu.wait_indirect_dma semaphore(%arg16 : memref<!tpu.dma_semaphore, #tpu.memory_space<semaphore_mem>>) src(%dma_wait3A_74 : memref<100000x768xf32, #tpu.memory_space<hbm>>) dst(%arg12 : memref<32x768xf32, #tpu.memory_space<vmem>>)
      %dma_wait3A_75 = arith.constant 0 : i32
      %dma_wait3A_76 = arith.constant 0 : i32
      %dma_wait3A_77 = tpu.memref_slice %arg3[%dma_wait3A_75, %dma_wait3A_76] : memref<2048x768xf32, #tpu.memory_space<hbm>> -> memref<2048x768xf32, #tpu.memory_space<hbm>>
      tpu.wait_indirect_dma semaphore(%arg16 : memref<!tpu.dma_semaphore, #tpu.memory_space<semaphore_mem>>) src(%dma_wait3A_77 : memref<2048x768xf32, #tpu.memory_space<hbm>>) dst(%arg14 : memref<32x768xf32, #tpu.memory_space<vmem>>)
      %sub3A = arith.constant 1 : i32
      %sub3A_78 = arith.subi %add3A_71, %sub3A : i32
      %mul3A_79 = arith.constant 32 : i32
      %mul3A_80 = arith.muli %sub3A_78, %mul3A_79 : i32
      %add3A_81 = arith.addi %mul3A_2, %mul3A_80 : i32
      %dma_wait3A_82 = arith.constant 0 : i32
      %dma_wait3A_83 = tpu.memref_slice %arg6[%add3A_81, %dma_wait3A_82] : memref<8192x768xf32, #tpu.memory_space<hbm>> -> memref<32x768xf32, #tpu.memory_space<hbm>>
      %dma_wait3A_84 = arith.constant 0 : i32
      %dma_wait3A_85 = tpu.memref_slice %arg6[%add3A_81, %dma_wait3A_84] : memref<8192x768xf32, #tpu.memory_space<hbm>> -> memref<32x768xf32, #tpu.memory_space<hbm>>
      tpu.wait_dma2 semaphore(%arg17 : memref<!tpu.dma_semaphore, #tpu.memory_space<semaphore_mem>>) src(%arg11 : memref<32x768xf32, #tpu.memory_space<vmem>>) dst(%dma_wait3A_85 : memref<32x768xf32, #tpu.memory_space<hbm>>)
      %add3A_86 = arith.constant 1 : i32
      %add3A_87 = arith.addi %add3A_71, %add3A_86 : i32
      %mul3A_88 = arith.constant 32 : i32
      %mul3A_89 = arith.muli %add3A_87, %mul3A_88 : i32
      %add3A_90 = arith.addi %mul3A_2, %mul3A_89 : i32
      "tpu.region"() ({
        %run_scoped3A = tpu.sem_alloc : memref<!tpu.dma_semaphore, #tpu.memory_space<semaphore_mem>>
        %dma_start3A_150 = tpu.memref_slice %arg4[%add3A_90] : memref<8192xi32, #tpu.memory_space<hbm>> -> memref<32xi32, #tpu.memory_space<hbm>>
        %dma_start3A_151 = tpu.memref_slice %arg4[%add3A_90] : memref<8192xi32, #tpu.memory_space<hbm>> -> memref<32xi32, #tpu.memory_space<hbm>>
        tpu.enqueue_dma source(%dma_start3A_151 : memref<32xi32, #tpu.memory_space<hbm>>) target(%arg7 : memref<32xi32, #tpu.memory_space<vmem>>) target_semaphore(%run_scoped3A : memref<!tpu.dma_semaphore, #tpu.memory_space<semaphore_mem>>)
        %dma_wait3A_152 = tpu.memref_slice %arg4[%add3A_90] : memref<8192xi32, #tpu.memory_space<hbm>> -> memref<32xi32, #tpu.memory_space<hbm>>
        %dma_wait3A_153 = tpu.memref_slice %arg4[%add3A_90] : memref<8192xi32, #tpu.memory_space<hbm>> -> memref<32xi32, #tpu.memory_space<hbm>>
        tpu.wait_dma2 semaphore(%run_scoped3A : memref<!tpu.dma_semaphore, #tpu.memory_space<semaphore_mem>>) src(%dma_wait3A_153 : memref<32xi32, #tpu.memory_space<hbm>>) dst(%arg7 : memref<32xi32, #tpu.memory_space<vmem>>)
        tpu.yield
      }) : () -> ()
      "tpu.region"() ({
        %run_scoped3A = tpu.sem_alloc : memref<!tpu.dma_semaphore, #tpu.memory_space<semaphore_mem>>
        %dma_start3A_150 = tpu.memref_slice %arg5[%add3A_90] : memref<8192xi32, #tpu.memory_space<hbm>> -> memref<32xi32, #tpu.memory_space<hbm>>
        %dma_start3A_151 = tpu.memref_slice %arg5[%add3A_90] : memref<8192xi32, #tpu.memory_space<hbm>> -> memref<32xi32, #tpu.memory_space<hbm>>
        tpu.enqueue_dma source(%dma_start3A_151 : memref<32xi32, #tpu.memory_space<hbm>>) target(%arg9 : memref<32xi32, #tpu.memory_space<vmem>>) target_semaphore(%run_scoped3A : memref<!tpu.dma_semaphore, #tpu.memory_space<semaphore_mem>>)
        %dma_wait3A_152 = tpu.memref_slice %arg5[%add3A_90] : memref<8192xi32, #tpu.memory_space<hbm>> -> memref<32xi32, #tpu.memory_space<hbm>>
        %dma_wait3A_153 = tpu.memref_slice %arg5[%add3A_90] : memref<8192xi32, #tpu.memory_space<hbm>> -> memref<32xi32, #tpu.memory_space<hbm>>
        tpu.wait_dma2 semaphore(%run_scoped3A : memref<!tpu.dma_semaphore, #tpu.memory_space<semaphore_mem>>) src(%dma_wait3A_153 : memref<32xi32, #tpu.memory_space<hbm>>) dst(%arg9 : memref<32xi32, #tpu.memory_space<vmem>>)
        tpu.yield
      }) : () -> ()
      %dma_start3A_91 = arith.constant 0 : i32
      %dma_start3A_92 = arith.constant 0 : i32
      %dma_start3A_93 = tpu.memref_slice %arg2[%dma_start3A_91, %dma_start3A_92] : memref<100000x768xf32, #tpu.memory_space<hbm>> -> memref<100000x768xf32, #tpu.memory_space<hbm>>
      tpu.enqueue_indirect_dma source(%dma_start3A_93 : memref<100000x768xf32, #tpu.memory_space<hbm>>) target(%arg11 : memref<32x768xf32, #tpu.memory_space<vmem>>) offsets(%arg7 : memref<32xi32, #tpu.memory_space<vmem>>) semaphore(%arg15 : memref<!tpu.dma_semaphore, #tpu.memory_space<semaphore_mem>>)
      %dma_start3A_94 = arith.constant 0 : i32
      %dma_start3A_95 = arith.constant 0 : i32
      %dma_start3A_96 = tpu.memref_slice %arg3[%dma_start3A_94, %dma_start3A_95] : memref<2048x768xf32, #tpu.memory_space<hbm>> -> memref<2048x768xf32, #tpu.memory_space<hbm>>
      tpu.enqueue_indirect_dma source(%dma_start3A_96 : memref<2048x768xf32, #tpu.memory_space<hbm>>) target(%arg13 : memref<32x768xf32, #tpu.memory_space<vmem>>) offsets(%arg9 : memref<32xi32, #tpu.memory_space<vmem>>) semaphore(%arg15 : memref<!tpu.dma_semaphore, #tpu.memory_space<semaphore_mem>>)
      %parallel_loop3A_97 = arith.constant 0 : i32
      %parallel_loop3A_98 = arith.constant 32 : i32
      %parallel_loop3A_99 = arith.constant 1 : i32
      scf.for %parallel_loop3A_150 = %parallel_loop3A_97 to %parallel_loop3A_98 step %parallel_loop3A_99  : i32 {
        %parallel_loop3A_151 = arith.index_cast %parallel_loop3A_150 : i32 to index
        %parallel_loop3A_152 = arith.constant 0 : index
        %parallel_loop3A_153 = tpu.vector_load %arg14[%parallel_loop3A_151, %parallel_loop3A_152] {strides = array<i32>} : memref<32x768xf32, #tpu.memory_space<vmem>>, vector<16xf32>,
        %parallel_loop3A_154 = arith.index_cast %parallel_loop3A_150 : i32 to index
        %parallel_loop3A_155 = arith.constant 0 : index
        %parallel_loop3A_156 = tpu.vector_load %arg12[%parallel_loop3A_154, %parallel_loop3A_155] {strides = array<i32>} : memref<32x768xf32, #tpu.memory_space<vmem>>, vector<16xf32>,
        tpu.vector_store %arg12[%parallel_loop3A_154, %parallel_loop3A_155], %parallel_loop3A_153 {add = true, strides = array<i32>} : memref<32x768xf32, #tpu.memory_space<vmem>>, vector<16xf32>,
        %parallel_loop3A_157 = arith.index_cast %parallel_loop3A_150 : i32 to index
        %parallel_loop3A_158 = arith.constant 16 : index
        %parallel_loop3A_159 = tpu.vector_load %arg14[%parallel_loop3A_157, %parallel_loop3A_158] {strides = array<i32>} : memref<32x768xf32, #tpu.memory_space<vmem>>, vector<16xf32>,
        %parallel_loop3A_160 = arith.index_cast %parallel_loop3A_150 : i32 to index
        %parallel_loop3A_161 = arith.constant 16 : index
        %parallel_loop3A_162 = tpu.vector_load %arg12[%parallel_loop3A_160, %parallel_loop3A_161] {strides = array<i32>} : memref<32x768xf32, #tpu.memory_space<vmem>>, vector<16xf32>,
        tpu.vector_store %arg12[%parallel_loop3A_160, %parallel_loop3A_161], %parallel_loop3A_159 {add = true, strides = array<i32>} : memref<32x768xf32, #tpu.memory_space<vmem>>, vector<16xf32>,
        %parallel_loop3A_163 = arith.index_cast %parallel_loop3A_150 : i32 to index
        %parallel_loop3A_164 = arith.constant 32 : index
        %parallel_loop3A_165 = tpu.vector_load %arg14[%parallel_loop3A_163, %parallel_loop3A_164] {strides = array<i32>} : memref<32x768xf32, #tpu.memory_space<vmem>>, vector<16xf32>,
        %parallel_loop3A_166 = arith.index_cast %parallel_loop3A_150 : i32 to index
        %parallel_loop3A_167 = arith.constant 32 : index
        %parallel_loop3A_168 = tpu.vector_load %arg12[%parallel_loop3A_166, %parallel_loop3A_167] {strides = array<i32>} : memref<32x768xf32, #tpu.memory_space<vmem>>, vector<16xf32>,
        tpu.vector_store %arg12[%parallel_loop3A_166, %parallel_loop3A_167], %parallel_loop3A_165 {add = true, strides = array<i32>} : memref<32x768xf32, #tpu.memory_space<vmem>>, vector<16xf32>,
        %parallel_loop3A_169 = arith.index_cast %parallel_loop3A_150 : i32 to index
        %parallel_loop3A_170 = arith.constant 48 : index
        %parallel_loop3A_171 = tpu.vector_load %arg14[%parallel_loop3A_169, %parallel_loop3A_170] {strides = array<i32>} : memref<32x768xf32, #tpu.memory_space<vmem>>, vector<16xf32>,
        %parallel_loop3A_172 = arith.index_cast %parallel_loop3A_150 : i32 to index
        %parallel_loop3A_173 = arith.constant 48 : index
        %parallel_loop3A_174 = tpu.vector_load %arg12[%parallel_loop3A_172, %parallel_loop3A_173] {strides = array<i32>} : memref<32x768xf32, #tpu.memory_space<vmem>>, vector<16xf32>,
        tpu.vector_store %arg12[%parallel_loop3A_172, %parallel_loop3A_173], %parallel_loop3A_171 {add = true, strides = array<i32>} : memref<32x768xf32, #tpu.memory_space<vmem>>, vector<16xf32>,
        %parallel_loop3A_175 = arith.index_cast %parallel_loop3A_150 : i32 to index
        %parallel_loop3A_176 = arith.constant 64 : index
        %parallel_loop3A_177 = tpu.vector_load %arg14[%parallel_loop3A_175, %parallel_loop3A_176] {strides = array<i32>} : memref<32x768xf32, #tpu.memory_space<vmem>>, vector<16xf32>,
        %parallel_loop3A_178 = arith.index_cast %parallel_loop3A_150 : i32 to index
        %parallel_loop3A_179 = arith.constant 64 : index
        %parallel_loop3A_180 = tpu.vector_load %arg12[%parallel_loop3A_178, %parallel_loop3A_179] {strides = array<i32>} : memref<32x768xf32, #tpu.memory_space<vmem>>, vector<16xf32>,
        tpu.vector_store %arg12[%parallel_loop3A_178, %parallel_loop3A_179], %parallel_loop3A_177 {add = true, strides = array<i32>} : memref<32x768xf32, #tpu.memory_space<vmem>>, vector<16xf32>,
        %parallel_loop3A_181 = arith.index_cast %parallel_loop3A_150 : i32 to index
        %parallel_loop3A_182 = arith.constant 80 : index
        %parallel_loop3A_183 = tpu.vector_load %arg14[%parallel_loop3A_181, %parallel_loop3A_182] {strides = array<i32>} : memref<32x768xf32, #tpu.memory_space<vmem>>, vector<16xf32>,
        %parallel_loop3A_184 = arith.index_cast %parallel_loop3A_150 : i32 to index
        %parallel_loop3A_185 = arith.constant 80 : index
        %parallel_loop3A_186 = tpu.vector_load %arg12[%parallel_loop3A_184, %parallel_loop3A_185] {strides = array<i32>} : memref<32x768xf32, #tpu.memory_space<vmem>>, vector<16xf32>,
        tpu.vector_store %arg12[%parallel_loop3A_184, %parallel_loop3A_185], %parallel_loop3A_183 {add = true, strides = array<i32>} : memref<32x768xf32, #tpu.memory_space<vmem>>, vector<16xf32>,
        %parallel_loop3A_187 = arith.index_cast %parallel_loop3A_150 : i32 to index
        %parallel_loop3A_188 = arith.constant 96 : index
        %parallel_loop3A_189 = tpu.vector_load %arg14[%parallel_loop3A_187, %parallel_loop3A_188] {strides = array<i32>} : memref<32x768xf32, #tpu.memory_space<vmem>>, vector<16xf32>,
        %parallel_loop3A_190 = arith.index_cast %parallel_loop3A_150 : i32 to index
        %parallel_loop3A_191 = arith.constant 96 : index
        %parallel_loop3A_192 = tpu.vector_load %arg12[%parallel_loop3A_190, %parallel_loop3A_191] {strides = array<i32>} : memref<32x768xf32, #tpu.memory_space<vmem>>, vector<16xf32>,
        tpu.vector_store %arg12[%parallel_loop3A_190, %parallel_loop3A_191], %parallel_loop3A_189 {add = true, strides = array<i32>} : memref<32x768xf32, #tpu.memory_space<vmem>>, vector<16xf32>,
        %parallel_loop3A_193 = arith.index_cast %parallel_loop3A_150 : i32 to index
        %parallel_loop3A_194 = arith.constant 112 : index
        %parallel_loop3A_195 = tpu.vector_load %arg14[%parallel_loop3A_193, %parallel_loop3A_194] {strides = array<i32>} : memref<32x768xf32, #tpu.memory_space<vmem>>, vector<16xf32>,
        %parallel_loop3A_196 = arith.index_cast %parallel_loop3A_150 : i32 to index
        %parallel_loop3A_197 = arith.constant 112 : index
        %parallel_loop3A_198 = tpu.vector_load %arg12[%parallel_loop3A_196, %parallel_loop3A_197] {strides = array<i32>} : memref<32x768xf32, #tpu.memory_space<vmem>>, vector<16xf32>,
        tpu.vector_store %arg12[%parallel_loop3A_196, %parallel_loop3A_197], %parallel_loop3A_195 {add = true, strides = array<i32>} : memref<32x768xf32, #tpu.memory_space<vmem>>, vector<16xf32>,
        %parallel_loop3A_199 = arith.index_cast %parallel_loop3A_150 : i32 to index
        %parallel_loop3A_200 = arith.constant 128 : index
        %parallel_loop3A_201 = tpu.vector_load %arg14[%parallel_loop3A_199, %parallel_loop3A_200] {strides = array<i32>} : memref<32x768xf32, #tpu.memory_space<vmem>>, vector<16xf32>,
        %parallel_loop3A_202 = arith.index_cast %parallel_loop3A_150 : i32 to index
        %parallel_loop3A_203 = arith.constant 128 : index
        %parallel_loop3A_204 = tpu.vector_load %arg12[%parallel_loop3A_202, %parallel_loop3A_203] {strides = array<i32>} : memref<32x768xf32, #tpu.memory_space<vmem>>, vector<16xf32>,
        tpu.vector_store %arg12[%parallel_loop3A_202, %parallel_loop3A_203], %parallel_loop3A_201 {add = true, strides = array<i32>} : memref<32x768xf32, #tpu.memory_space<vmem>>, vector<16xf32>,
        %parallel_loop3A_205 = arith.index_cast %parallel_loop3A_150 : i32 to index
        %parallel_loop3A_206 = arith.constant 144 : index
        %parallel_loop3A_207 = tpu.vector_load %arg14[%parallel_loop3A_205, %parallel_loop3A_206] {strides = array<i32>} : memref<32x768xf32, #tpu.memory_space<vmem>>, vector<16xf32>,
        %parallel_loop3A_208 = arith.index_cast %parallel_loop3A_150 : i32 to index
        %parallel_loop3A_209 = arith.constant 144 : index
        %parallel_loop3A_210 = tpu.vector_load %arg12[%parallel_loop3A_208, %parallel_loop3A_209] {strides = array<i32>} : memref<32x768xf32, #tpu.memory_space<vmem>>, vector<16xf32>,
        tpu.vector_store %arg12[%parallel_loop3A_208, %parallel_loop3A_209], %parallel_loop3A_207 {add = true, strides = array<i32>} : memref<32x768xf32, #tpu.memory_space<vmem>>, vector<16xf32>,
        %parallel_loop3A_211 = arith.index_cast %parallel_loop3A_150 : i32 to index
        %parallel_loop3A_212 = arith.constant 160 : index
        %parallel_loop3A_213 = tpu.vector_load %arg14[%parallel_loop3A_211, %parallel_loop3A_212] {strides = array<i32>} : memref<32x768xf32, #tpu.memory_space<vmem>>, vector<16xf32>,
        %parallel_loop3A_214 = arith.index_cast %parallel_loop3A_150 : i32 to index
        %parallel_loop3A_215 = arith.constant 160 : index
        %parallel_loop3A_216 = tpu.vector_load %arg12[%parallel_loop3A_214, %parallel_loop3A_215] {strides = array<i32>} : memref<32x768xf32, #tpu.memory_space<vmem>>, vector<16xf32>,
        tpu.vector_store %arg12[%parallel_loop3A_214, %parallel_loop3A_215], %parallel_loop3A_213 {add = true, strides = array<i32>} : memref<32x768xf32, #tpu.memory_space<vmem>>, vector<16xf32>,
        %parallel_loop3A_217 = arith.index_cast %parallel_loop3A_150 : i32 to index
        %parallel_loop3A_218 = arith.constant 176 : index
        %parallel_loop3A_219 = tpu.vector_load %arg14[%parallel_loop3A_217, %parallel_loop3A_218] {strides = array<i32>} : memref<32x768xf32, #tpu.memory_space<vmem>>, vector<16xf32>,
        %parallel_loop3A_220 = arith.index_cast %parallel_loop3A_150 : i32 to index
        %parallel_loop3A_221 = arith.constant 176 : index
        %parallel_loop3A_222 = tpu.vector_load %arg12[%parallel_loop3A_220, %parallel_loop3A_221] {strides = array<i32>} : memref<32x768xf32, #tpu.memory_space<vmem>>, vector<16xf32>,
        tpu.vector_store %arg12[%parallel_loop3A_220, %parallel_loop3A_221], %parallel_loop3A_219 {add = true, strides = array<i32>} : memref<32x768xf32, #tpu.memory_space<vmem>>, vector<16xf32>,
        %parallel_loop3A_223 = arith.index_cast %parallel_loop3A_150 : i32 to index
        %parallel_loop3A_224 = arith.constant 192 : index
        %parallel_loop3A_225 = tpu.vector_load %arg14[%parallel_loop3A_223, %parallel_loop3A_224] {strides = array<i32>} : memref<32x768xf32, #tpu.memory_space<vmem>>, vector<16xf32>,
        %parallel_loop3A_226 = arith.index_cast %parallel_loop3A_150 : i32 to index
        %parallel_loop3A_227 = arith.constant 192 : index
        %parallel_loop3A_228 = tpu.vector_load %arg12[%parallel_loop3A_226, %parallel_loop3A_227] {strides = array<i32>} : memref<32x768xf32, #tpu.memory_space<vmem>>, vector<16xf32>,
        tpu.vector_store %arg12[%parallel_loop3A_226, %parallel_loop3A_227], %parallel_loop3A_225 {add = true, strides = array<i32>} : memref<32x768xf32, #tpu.memory_space<vmem>>, vector<16xf32>,
        %parallel_loop3A_229 = arith.index_cast %parallel_loop3A_150 : i32 to index
        %parallel_loop3A_230 = arith.constant 208 : index
        %parallel_loop3A_231 = tpu.vector_load %arg14[%parallel_loop3A_229, %parallel_loop3A_230] {strides = array<i32>} : memref<32x768xf32, #tpu.memory_space<vmem>>, vector<16xf32>,
        %parallel_loop3A_232 = arith.index_cast %parallel_loop3A_150 : i32 to index
        %parallel_loop3A_233 = arith.constant 208 : index
        %parallel_loop3A_234 = tpu.vector_load %arg12[%parallel_loop3A_232, %parallel_loop3A_233] {strides = array<i32>} : memref<32x768xf32, #tpu.memory_space<vmem>>, vector<16xf32>,
        tpu.vector_store %arg12[%parallel_loop3A_232, %parallel_loop3A_233], %parallel_loop3A_231 {add = true, strides = array<i32>} : memref<32x768xf32, #tpu.memory_space<vmem>>, vector<16xf32>,
        %parallel_loop3A_235 = arith.index_cast %parallel_loop3A_150 : i32 to index
        %parallel_loop3A_236 = arith.constant 224 : index
        %parallel_loop3A_237 = tpu.vector_load %arg14[%parallel_loop3A_235, %parallel_loop3A_236] {strides = array<i32>} : memref<32x768xf32, #tpu.memory_space<vmem>>, vector<16xf32>,
        %parallel_loop3A_238 = arith.index_cast %parallel_loop3A_150 : i32 to index
        %parallel_loop3A_239 = arith.constant 224 : index
        %parallel_loop3A_240 = tpu.vector_load %arg12[%parallel_loop3A_238, %parallel_loop3A_239] {strides = array<i32>} : memref<32x768xf32, #tpu.memory_space<vmem>>, vector<16xf32>,
        tpu.vector_store %arg12[%parallel_loop3A_238, %parallel_loop3A_239], %parallel_loop3A_237 {add = true, strides = array<i32>} : memref<32x768xf32, #tpu.memory_space<vmem>>, vector<16xf32>,
        %parallel_loop3A_241 = arith.index_cast %parallel_loop3A_150 : i32 to index
        %parallel_loop3A_242 = arith.constant 240 : index
        %parallel_loop3A_243 = tpu.vector_load %arg14[%parallel_loop3A_241, %parallel_loop3A_242] {strides = array<i32>} : memref<32x768xf32, #tpu.memory_space<vmem>>, vector<16xf32>,
        %parallel_loop3A_244 = arith.index_cast %parallel_loop3A_150 : i32 to index
        %parallel_loop3A_245 = arith.constant 240 : index
        %parallel_loop3A_246 = tpu.vector_load %arg12[%parallel_loop3A_244, %parallel_loop3A_245] {strides = array<i32>} : memref<32x768xf32, #tpu.memory_space<vmem>>, vector<16xf32>,
        tpu.vector_store %arg12[%parallel_loop3A_244, %parallel_loop3A_245], %parallel_loop3A_243 {add = true, strides = array<i32>} : memref<32x768xf32, #tpu.memory_space<vmem>>, vector<16xf32>,
        %parallel_loop3A_247 = arith.index_cast %parallel_loop3A_150 : i32 to index
        %parallel_loop3A_248 = arith.constant 256 : index
        %parallel_loop3A_249 = tpu.vector_load %arg14[%parallel_loop3A_247, %parallel_loop3A_248] {strides = array<i32>} : memref<32x768xf32, #tpu.memory_space<vmem>>, vector<16xf32>,
        %parallel_loop3A_250 = arith.index_cast %parallel_loop3A_150 : i32 to index
        %parallel_loop3A_251 = arith.constant 256 : index
        %parallel_loop3A_252 = tpu.vector_load %arg12[%parallel_loop3A_250, %parallel_loop3A_251] {strides = array<i32>} : memref<32x768xf32, #tpu.memory_space<vmem>>, vector<16xf32>,
        tpu.vector_store %arg12[%parallel_loop3A_250, %parallel_loop3A_251], %parallel_loop3A_249 {add = true, strides = array<i32>} : memref<32x768xf32, #tpu.memory_space<vmem>>, vector<16xf32>,
        %parallel_loop3A_253 = arith.index_cast %parallel_loop3A_150 : i32 to index
        %parallel_loop3A_254 = arith.constant 272 : index
        %parallel_loop3A_255 = tpu.vector_load %arg14[%parallel_loop3A_253, %parallel_loop3A_254] {strides = array<i32>} : memref<32x768xf32, #tpu.memory_space<vmem>>, vector<16xf32>,
        %parallel_loop3A_256 = arith.index_cast %parallel_loop3A_150 : i32 to index
        %parallel_loop3A_257 = arith.constant 272 : index
        %parallel_loop3A_258 = tpu.vector_load %arg12[%parallel_loop3A_256, %parallel_loop3A_257] {strides = array<i32>} : memref<32x768xf32, #tpu.memory_space<vmem>>, vector<16xf32>,
        tpu.vector_store %arg12[%parallel_loop3A_256, %parallel_loop3A_257], %parallel_loop3A_255 {add = true, strides = array<i32>} : memref<32x768xf32, #tpu.memory_space<vmem>>, vector<16xf32>,
        %parallel_loop3A_259 = arith.index_cast %parallel_loop3A_150 : i32 to index
        %parallel_loop3A_260 = arith.constant 288 : index
        %parallel_loop3A_261 = tpu.vector_load %arg14[%parallel_loop3A_259, %parallel_loop3A_260] {strides = array<i32>} : memref<32x768xf32, #tpu.memory_space<vmem>>, vector<16xf32>,
        %parallel_loop3A_262 = arith.index_cast %parallel_loop3A_150 : i32 to index
        %parallel_loop3A_263 = arith.constant 288 : index
        %parallel_loop3A_264 = tpu.vector_load %arg12[%parallel_loop3A_262, %parallel_loop3A_263] {strides = array<i32>} : memref<32x768xf32, #tpu.memory_space<vmem>>, vector<16xf32>,
        tpu.vector_store %arg12[%parallel_loop3A_262, %parallel_loop3A_263], %parallel_loop3A_261 {add = true, strides = array<i32>} : memref<32x768xf32, #tpu.memory_space<vmem>>, vector<16xf32>,
        %parallel_loop3A_265 = arith.index_cast %parallel_loop3A_150 : i32 to index
        %parallel_loop3A_266 = arith.constant 304 : index
        %parallel_loop3A_267 = tpu.vector_load %arg14[%parallel_loop3A_265, %parallel_loop3A_266] {strides = array<i32>} : memref<32x768xf32, #tpu.memory_space<vmem>>, vector<16xf32>,
        %parallel_loop3A_268 = arith.index_cast %parallel_loop3A_150 : i32 to index
        %parallel_loop3A_269 = arith.constant 304 : index
        %parallel_loop3A_270 = tpu.vector_load %arg12[%parallel_loop3A_268, %parallel_loop3A_269] {strides = array<i32>} : memref<32x768xf32, #tpu.memory_space<vmem>>, vector<16xf32>,
        tpu.vector_store %arg12[%parallel_loop3A_268, %parallel_loop3A_269], %parallel_loop3A_267 {add = true, strides = array<i32>} : memref<32x768xf32, #tpu.memory_space<vmem>>, vector<16xf32>,
        %parallel_loop3A_271 = arith.index_cast %parallel_loop3A_150 : i32 to index
        %parallel_loop3A_272 = arith.constant 320 : index
        %parallel_loop3A_273 = tpu.vector_load %arg14[%parallel_loop3A_271, %parallel_loop3A_272] {strides = array<i32>} : memref<32x768xf32, #tpu.memory_space<vmem>>, vector<16xf32>,
        %parallel_loop3A_274 = arith.index_cast %parallel_loop3A_150 : i32 to index
        %parallel_loop3A_275 = arith.constant 320 : index
        %parallel_loop3A_276 = tpu.vector_load %arg12[%parallel_loop3A_274, %parallel_loop3A_275] {strides = array<i32>} : memref<32x768xf32, #tpu.memory_space<vmem>>, vector<16xf32>,
        tpu.vector_store %arg12[%parallel_loop3A_274, %parallel_loop3A_275], %parallel_loop3A_273 {add = true, strides = array<i32>} : memref<32x768xf32, #tpu.memory_space<vmem>>, vector<16xf32>,
        %parallel_loop3A_277 = arith.index_cast %parallel_loop3A_150 : i32 to index
        %parallel_loop3A_278 = arith.constant 336 : index
        %parallel_loop3A_279 = tpu.vector_load %arg14[%parallel_loop3A_277, %parallel_loop3A_278] {strides = array<i32>} : memref<32x768xf32, #tpu.memory_space<vmem>>, vector<16xf32>,
        %parallel_loop3A_280 = arith.index_cast %parallel_loop3A_150 : i32 to index
        %parallel_loop3A_281 = arith.constant 336 : index
        %parallel_loop3A_282 = tpu.vector_load %arg12[%parallel_loop3A_280, %parallel_loop3A_281] {strides = array<i32>} : memref<32x768xf32, #tpu.memory_space<vmem>>, vector<16xf32>,
        tpu.vector_store %arg12[%parallel_loop3A_280, %parallel_loop3A_281], %parallel_loop3A_279 {add = true, strides = array<i32>} : memref<32x768xf32, #tpu.memory_space<vmem>>, vector<16xf32>,
        %parallel_loop3A_283 = arith.index_cast %parallel_loop3A_150 : i32 to index
        %parallel_loop3A_284 = arith.constant 352 : index
        %parallel_loop3A_285 = tpu.vector_load %arg14[%parallel_loop3A_283, %parallel_loop3A_284] {strides = array<i32>} : memref<32x768xf32, #tpu.memory_space<vmem>>, vector<16xf32>,
        %parallel_loop3A_286 = arith.index_cast %parallel_loop3A_150 : i32 to index
        %parallel_loop3A_287 = arith.constant 352 : index
        %parallel_loop3A_288 = tpu.vector_load %arg12[%parallel_loop3A_286, %parallel_loop3A_287] {strides = array<i32>} : memref<32x768xf32, #tpu.memory_space<vmem>>, vector<16xf32>,
        tpu.vector_store %arg12[%parallel_loop3A_286, %parallel_loop3A_287], %parallel_loop3A_285 {add = true, strides = array<i32>} : memref<32x768xf32, #tpu.memory_space<vmem>>, vector<16xf32>,
        %parallel_loop3A_289 = arith.index_cast %parallel_loop3A_150 : i32 to index
        %parallel_loop3A_290 = arith.constant 368 : index
        %parallel_loop3A_291 = tpu.vector_load %arg14[%parallel_loop3A_289, %parallel_loop3A_290] {strides = array<i32>} : memref<32x768xf32, #tpu.memory_space<vmem>>, vector<16xf32>,
        %parallel_loop3A_292 = arith.index_cast %parallel_loop3A_150 : i32 to index
        %parallel_loop3A_293 = arith.constant 368 : index
        %parallel_loop3A_294 = tpu.vector_load %arg12[%parallel_loop3A_292, %parallel_loop3A_293] {strides = array<i32>} : memref<32x768xf32, #tpu.memory_space<vmem>>, vector<16xf32>,
        tpu.vector_store %arg12[%parallel_loop3A_292, %parallel_loop3A_293], %parallel_loop3A_291 {add = true, strides = array<i32>} : memref<32x768xf32, #tpu.memory_space<vmem>>, vector<16xf32>,
        %parallel_loop3A_295 = arith.index_cast %parallel_loop3A_150 : i32 to index
        %parallel_loop3A_296 = arith.constant 384 : index
        %parallel_loop3A_297 = tpu.vector_load %arg14[%parallel_loop3A_295, %parallel_loop3A_296] {strides = array<i32>} : memref<32x768xf32, #tpu.memory_space<vmem>>, vector<16xf32>,
        %parallel_loop3A_298 = arith.index_cast %parallel_loop3A_150 : i32 to index
        %parallel_loop3A_299 = arith.constant 384 : index
        %parallel_loop3A_300 = tpu.vector_load %arg12[%parallel_loop3A_298, %parallel_loop3A_299] {strides = array<i32>} : memref<32x768xf32, #tpu.memory_space<vmem>>, vector<16xf32>,
        tpu.vector_store %arg12[%parallel_loop3A_298, %parallel_loop3A_299], %parallel_loop3A_297 {add = true, strides = array<i32>} : memref<32x768xf32, #tpu.memory_space<vmem>>, vector<16xf32>,
        %parallel_loop3A_301 = arith.index_cast %parallel_loop3A_150 : i32 to index
        %parallel_loop3A_302 = arith.constant 400 : index
        %parallel_loop3A_303 = tpu.vector_load %arg14[%parallel_loop3A_301, %parallel_loop3A_302] {strides = array<i32>} : memref<32x768xf32, #tpu.memory_space<vmem>>, vector<16xf32>,
        %parallel_loop3A_304 = arith.index_cast %parallel_loop3A_150 : i32 to index
        %parallel_loop3A_305 = arith.constant 400 : index
        %parallel_loop3A_306 = tpu.vector_load %arg12[%parallel_loop3A_304, %parallel_loop3A_305] {strides = array<i32>} : memref<32x768xf32, #tpu.memory_space<vmem>>, vector<16xf32>,
        tpu.vector_store %arg12[%parallel_loop3A_304, %parallel_loop3A_305], %parallel_loop3A_303 {add = true, strides = array<i32>} : memref<32x768xf32, #tpu.memory_space<vmem>>, vector<16xf32>,
        %parallel_loop3A_307 = arith.index_cast %parallel_loop3A_150 : i32 to index
        %parallel_loop3A_308 = arith.constant 416 : index
        %parallel_loop3A_309 = tpu.vector_load %arg14[%parallel_loop3A_307, %parallel_loop3A_308] {strides = array<i32>} : memref<32x768xf32, #tpu.memory_space<vmem>>, vector<16xf32>,
        %parallel_loop3A_310 = arith.index_cast %parallel_loop3A_150 : i32 to index
        %parallel_loop3A_311 = arith.constant 416 : index
        %parallel_loop3A_312 = tpu.vector_load %arg12[%parallel_loop3A_310, %parallel_loop3A_311] {strides = array<i32>} : memref<32x768xf32, #tpu.memory_space<vmem>>, vector<16xf32>,
        tpu.vector_store %arg12[%parallel_loop3A_310, %parallel_loop3A_311], %parallel_loop3A_309 {add = true, strides = array<i32>} : memref<32x768xf32, #tpu.memory_space<vmem>>, vector<16xf32>,
        %parallel_loop3A_313 = arith.index_cast %parallel_loop3A_150 : i32 to index
        %parallel_loop3A_314 = arith.constant 432 : index
        %parallel_loop3A_315 = tpu.vector_load %arg14[%parallel_loop3A_313, %parallel_loop3A_314] {strides = array<i32>} : memref<32x768xf32, #tpu.memory_space<vmem>>, vector<16xf32>,
        %parallel_loop3A_316 = arith.index_cast %parallel_loop3A_150 : i32 to index
        %parallel_loop3A_317 = arith.constant 432 : index
        %parallel_loop3A_318 = tpu.vector_load %arg12[%parallel_loop3A_316, %parallel_loop3A_317] {strides = array<i32>} : memref<32x768xf32, #tpu.memory_space<vmem>>, vector<16xf32>,
        tpu.vector_store %arg12[%parallel_loop3A_316, %parallel_loop3A_317], %parallel_loop3A_315 {add = true, strides = array<i32>} : memref<32x768xf32, #tpu.memory_space<vmem>>, vector<16xf32>,
        %parallel_loop3A_319 = arith.index_cast %parallel_loop3A_150 : i32 to index
        %parallel_loop3A_320 = arith.constant 448 : index
        %parallel_loop3A_321 = tpu.vector_load %arg14[%parallel_loop3A_319, %parallel_loop3A_320] {strides = array<i32>} : memref<32x768xf32, #tpu.memory_space<vmem>>, vector<16xf32>,
        %parallel_loop3A_322 = arith.index_cast %parallel_loop3A_150 : i32 to index
        %parallel_loop3A_323 = arith.constant 448 : index
        %parallel_loop3A_324 = tpu.vector_load %arg12[%parallel_loop3A_322, %parallel_loop3A_323] {strides = array<i32>} : memref<32x768xf32, #tpu.memory_space<vmem>>, vector<16xf32>,
        tpu.vector_store %arg12[%parallel_loop3A_322, %parallel_loop3A_323], %parallel_loop3A_321 {add = true, strides = array<i32>} : memref<32x768xf32, #tpu.memory_space<vmem>>, vector<16xf32>,
        %parallel_loop3A_325 = arith.index_cast %parallel_loop3A_150 : i32 to index
        %parallel_loop3A_326 = arith.constant 464 : index
        %parallel_loop3A_327 = tpu.vector_load %arg14[%parallel_loop3A_325, %parallel_loop3A_326] {strides = array<i32>} : memref<32x768xf32, #tpu.memory_space<vmem>>, vector<16xf32>,
        %parallel_loop3A_328 = arith.index_cast %parallel_loop3A_150 : i32 to index
        %parallel_loop3A_329 = arith.constant 464 : index
        %parallel_loop3A_330 = tpu.vector_load %arg12[%parallel_loop3A_328, %parallel_loop3A_329] {strides = array<i32>} : memref<32x768xf32, #tpu.memory_space<vmem>>, vector<16xf32>,
        tpu.vector_store %arg12[%parallel_loop3A_328, %parallel_loop3A_329], %parallel_loop3A_327 {add = true, strides = array<i32>} : memref<32x768xf32, #tpu.memory_space<vmem>>, vector<16xf32>,
        %parallel_loop3A_331 = arith.index_cast %parallel_loop3A_150 : i32 to index
        %parallel_loop3A_332 = arith.constant 480 : index
        %parallel_loop3A_333 = tpu.vector_load %arg14[%parallel_loop3A_331, %parallel_loop3A_332] {strides = array<i32>} : memref<32x768xf32, #tpu.memory_space<vmem>>, vector<16xf32>,
        %parallel_loop3A_334 = arith.index_cast %parallel_loop3A_150 : i32 to index
        %parallel_loop3A_335 = arith.constant 480 : index
        %parallel_loop3A_336 = tpu.vector_load %arg12[%parallel_loop3A_334, %parallel_loop3A_335] {strides = array<i32>} : memref<32x768xf32, #tpu.memory_space<vmem>>, vector<16xf32>,
        tpu.vector_store %arg12[%parallel_loop3A_334, %parallel_loop3A_335], %parallel_loop3A_333 {add = true, strides = array<i32>} : memref<32x768xf32, #tpu.memory_space<vmem>>, vector<16xf32>,
        %parallel_loop3A_337 = arith.index_cast %parallel_loop3A_150 : i32 to index
        %parallel_loop3A_338 = arith.constant 496 : index
        %parallel_loop3A_339 = tpu.vector_load %arg14[%parallel_loop3A_337, %parallel_loop3A_338] {strides = array<i32>} : memref<32x768xf32, #tpu.memory_space<vmem>>, vector<16xf32>,
        %parallel_loop3A_340 = arith.index_cast %parallel_loop3A_150 : i32 to index
        %parallel_loop3A_341 = arith.constant 496 : index
        %parallel_loop3A_342 = tpu.vector_load %arg12[%parallel_loop3A_340, %parallel_loop3A_341] {strides = array<i32>} : memref<32x768xf32, #tpu.memory_space<vmem>>, vector<16xf32>,
        tpu.vector_store %arg12[%parallel_loop3A_340, %parallel_loop3A_341], %parallel_loop3A_339 {add = true, strides = array<i32>} : memref<32x768xf32, #tpu.memory_space<vmem>>, vector<16xf32>,
        %parallel_loop3A_343 = arith.index_cast %parallel_loop3A_150 : i32 to index
        %parallel_loop3A_344 = arith.constant 512 : index
        %parallel_loop3A_345 = tpu.vector_load %arg14[%parallel_loop3A_343, %parallel_loop3A_344] {strides = array<i32>} : memref<32x768xf32, #tpu.memory_space<vmem>>, vector<16xf32>,
        %parallel_loop3A_346 = arith.index_cast %parallel_loop3A_150 : i32 to index
        %parallel_loop3A_347 = arith.constant 512 : index
        %parallel_loop3A_348 = tpu.vector_load %arg12[%parallel_loop3A_346, %parallel_loop3A_347] {strides = array<i32>} : memref<32x768xf32, #tpu.memory_space<vmem>>, vector<16xf32>,
        tpu.vector_store %arg12[%parallel_loop3A_346, %parallel_loop3A_347], %parallel_loop3A_345 {add = true, strides = array<i32>} : memref<32x768xf32, #tpu.memory_space<vmem>>, vector<16xf32>,
        %parallel_loop3A_349 = arith.index_cast %parallel_loop3A_150 : i32 to index
        %parallel_loop3A_350 = arith.constant 528 : index
        %parallel_loop3A_351 = tpu.vector_load %arg14[%parallel_loop3A_349, %parallel_loop3A_350] {strides = array<i32>} : memref<32x768xf32, #tpu.memory_space<vmem>>, vector<16xf32>,
        %parallel_loop3A_352 = arith.index_cast %parallel_loop3A_150 : i32 to index
        %parallel_loop3A_353 = arith.constant 528 : index
        %parallel_loop3A_354 = tpu.vector_load %arg12[%parallel_loop3A_352, %parallel_loop3A_353] {strides = array<i32>} : memref<32x768xf32, #tpu.memory_space<vmem>>, vector<16xf32>,
        tpu.vector_store %arg12[%parallel_loop3A_352, %parallel_loop3A_353], %parallel_loop3A_351 {add = true, strides = array<i32>} : memref<32x768xf32, #tpu.memory_space<vmem>>, vector<16xf32>,
        %parallel_loop3A_355 = arith.index_cast %parallel_loop3A_150 : i32 to index
        %parallel_loop3A_356 = arith.constant 544 : index
        %parallel_loop3A_357 = tpu.vector_load %arg14[%parallel_loop3A_355, %parallel_loop3A_356] {strides = array<i32>} : memref<32x768xf32, #tpu.memory_space<vmem>>, vector<16xf32>,
        %parallel_loop3A_358 = arith.index_cast %parallel_loop3A_150 : i32 to index
        %parallel_loop3A_359 = arith.constant 544 : index
        %parallel_loop3A_360 = tpu.vector_load %arg12[%parallel_loop3A_358, %parallel_loop3A_359] {strides = array<i32>} : memref<32x768xf32, #tpu.memory_space<vmem>>, vector<16xf32>,
        tpu.vector_store %arg12[%parallel_loop3A_358, %parallel_loop3A_359], %parallel_loop3A_357 {add = true, strides = array<i32>} : memref<32x768xf32, #tpu.memory_space<vmem>>, vector<16xf32>,
        %parallel_loop3A_361 = arith.index_cast %parallel_loop3A_150 : i32 to index
        %parallel_loop3A_362 = arith.constant 560 : index
        %parallel_loop3A_363 = tpu.vector_load %arg14[%parallel_loop3A_361, %parallel_loop3A_362] {strides = array<i32>} : memref<32x768xf32, #tpu.memory_space<vmem>>, vector<16xf32>,
        %parallel_loop3A_364 = arith.index_cast %parallel_loop3A_150 : i32 to index
        %parallel_loop3A_365 = arith.constant 560 : index
        %parallel_loop3A_366 = tpu.vector_load %arg12[%parallel_loop3A_364, %parallel_loop3A_365] {strides = array<i32>} : memref<32x768xf32, #tpu.memory_space<vmem>>, vector<16xf32>,
        tpu.vector_store %arg12[%parallel_loop3A_364, %parallel_loop3A_365], %parallel_loop3A_363 {add = true, strides = array<i32>} : memref<32x768xf32, #tpu.memory_space<vmem>>, vector<16xf32>,
        %parallel_loop3A_367 = arith.index_cast %parallel_loop3A_150 : i32 to index
        %parallel_loop3A_368 = arith.constant 576 : index
        %parallel_loop3A_369 = tpu.vector_load %arg14[%parallel_loop3A_367, %parallel_loop3A_368] {strides = array<i32>} : memref<32x768xf32, #tpu.memory_space<vmem>>, vector<16xf32>,
        %parallel_loop3A_370 = arith.index_cast %parallel_loop3A_150 : i32 to index
        %parallel_loop3A_371 = arith.constant 576 : index
        %parallel_loop3A_372 = tpu.vector_load %arg12[%parallel_loop3A_370, %parallel_loop3A_371] {strides = array<i32>} : memref<32x768xf32, #tpu.memory_space<vmem>>, vector<16xf32>,
        tpu.vector_store %arg12[%parallel_loop3A_370, %parallel_loop3A_371], %parallel_loop3A_369 {add = true, strides = array<i32>} : memref<32x768xf32, #tpu.memory_space<vmem>>, vector<16xf32>,
        %parallel_loop3A_373 = arith.index_cast %parallel_loop3A_150 : i32 to index
        %parallel_loop3A_374 = arith.constant 592 : index
        %parallel_loop3A_375 = tpu.vector_load %arg14[%parallel_loop3A_373, %parallel_loop3A_374] {strides = array<i32>} : memref<32x768xf32, #tpu.memory_space<vmem>>, vector<16xf32>,
        %parallel_loop3A_376 = arith.index_cast %parallel_loop3A_150 : i32 to index
        %parallel_loop3A_377 = arith.constant 592 : index
        %parallel_loop3A_378 = tpu.vector_load %arg12[%parallel_loop3A_376, %parallel_loop3A_377] {strides = array<i32>} : memref<32x768xf32, #tpu.memory_space<vmem>>, vector<16xf32>,
        tpu.vector_store %arg12[%parallel_loop3A_376, %parallel_loop3A_377], %parallel_loop3A_375 {add = true, strides = array<i32>} : memref<32x768xf32, #tpu.memory_space<vmem>>, vector<16xf32>,
        %parallel_loop3A_379 = arith.index_cast %parallel_loop3A_150 : i32 to index
        %parallel_loop3A_380 = arith.constant 608 : index
        %parallel_loop3A_381 = tpu.vector_load %arg14[%parallel_loop3A_379, %parallel_loop3A_380] {strides = array<i32>} : memref<32x768xf32, #tpu.memory_space<vmem>>, vector<16xf32>,
        %parallel_loop3A_382 = arith.index_cast %parallel_loop3A_150 : i32 to index
        %parallel_loop3A_383 = arith.constant 608 : index
        %parallel_loop3A_384 = tpu.vector_load %arg12[%parallel_loop3A_382, %parallel_loop3A_383] {strides = array<i32>} : memref<32x768xf32, #tpu.memory_space<vmem>>, vector<16xf32>,
        tpu.vector_store %arg12[%parallel_loop3A_382, %parallel_loop3A_383], %parallel_loop3A_381 {add = true, strides = array<i32>} : memref<32x768xf32, #tpu.memory_space<vmem>>, vector<16xf32>,
        %parallel_loop3A_385 = arith.index_cast %parallel_loop3A_150 : i32 to index
        %parallel_loop3A_386 = arith.constant 624 : index
        %parallel_loop3A_387 = tpu.vector_load %arg14[%parallel_loop3A_385, %parallel_loop3A_386] {strides = array<i32>} : memref<32x768xf32, #tpu.memory_space<vmem>>, vector<16xf32>,
        %parallel_loop3A_388 = arith.index_cast %parallel_loop3A_150 : i32 to index
        %parallel_loop3A_389 = arith.constant 624 : index
        %parallel_loop3A_390 = tpu.vector_load %arg12[%parallel_loop3A_388, %parallel_loop3A_389] {strides = array<i32>} : memref<32x768xf32, #tpu.memory_space<vmem>>, vector<16xf32>,
        tpu.vector_store %arg12[%parallel_loop3A_388, %parallel_loop3A_389], %parallel_loop3A_387 {add = true, strides = array<i32>} : memref<32x768xf32, #tpu.memory_space<vmem>>, vector<16xf32>,
        %parallel_loop3A_391 = arith.index_cast %parallel_loop3A_150 : i32 to index
        %parallel_loop3A_392 = arith.constant 640 : index
        %parallel_loop3A_393 = tpu.vector_load %arg14[%parallel_loop3A_391, %parallel_loop3A_392] {strides = array<i32>} : memref<32x768xf32, #tpu.memory_space<vmem>>, vector<16xf32>,
        %parallel_loop3A_394 = arith.index_cast %parallel_loop3A_150 : i32 to index
        %parallel_loop3A_395 = arith.constant 640 : index
        %parallel_loop3A_396 = tpu.vector_load %arg12[%parallel_loop3A_394, %parallel_loop3A_395] {strides = array<i32>} : memref<32x768xf32, #tpu.memory_space<vmem>>, vector<16xf32>,
        tpu.vector_store %arg12[%parallel_loop3A_394, %parallel_loop3A_395], %parallel_loop3A_393 {add = true, strides = array<i32>} : memref<32x768xf32, #tpu.memory_space<vmem>>, vector<16xf32>,
        %parallel_loop3A_397 = arith.index_cast %parallel_loop3A_150 : i32 to index
        %parallel_loop3A_398 = arith.constant 656 : index
        %parallel_loop3A_399 = tpu.vector_load %arg14[%parallel_loop3A_397, %parallel_loop3A_398] {strides = array<i32>} : memref<32x768xf32, #tpu.memory_space<vmem>>, vector<16xf32>,
        %parallel_loop3A_400 = arith.index_cast %parallel_loop3A_150 : i32 to index
        %parallel_loop3A_401 = arith.constant 656 : index
        %parallel_loop3A_402 = tpu.vector_load %arg12[%parallel_loop3A_400, %parallel_loop3A_401] {strides = array<i32>} : memref<32x768xf32, #tpu.memory_space<vmem>>, vector<16xf32>,
        tpu.vector_store %arg12[%parallel_loop3A_400, %parallel_loop3A_401], %parallel_loop3A_399 {add = true, strides = array<i32>} : memref<32x768xf32, #tpu.memory_space<vmem>>, vector<16xf32>,
        %parallel_loop3A_403 = arith.index_cast %parallel_loop3A_150 : i32 to index
        %parallel_loop3A_404 = arith.constant 672 : index
        %parallel_loop3A_405 = tpu.vector_load %arg14[%parallel_loop3A_403, %parallel_loop3A_404] {strides = array<i32>} : memref<32x768xf32, #tpu.memory_space<vmem>>, vector<16xf32>,
        %parallel_loop3A_406 = arith.index_cast %parallel_loop3A_150 : i32 to index
        %parallel_loop3A_407 = arith.constant 672 : index
        %parallel_loop3A_408 = tpu.vector_load %arg12[%parallel_loop3A_406, %parallel_loop3A_407] {strides = array<i32>} : memref<32x768xf32, #tpu.memory_space<vmem>>, vector<16xf32>,
        tpu.vector_store %arg12[%parallel_loop3A_406, %parallel_loop3A_407], %parallel_loop3A_405 {add = true, strides = array<i32>} : memref<32x768xf32, #tpu.memory_space<vmem>>, vector<16xf32>,
        %parallel_loop3A_409 = arith.index_cast %parallel_loop3A_150 : i32 to index
        %parallel_loop3A_410 = arith.constant 688 : index
        %parallel_loop3A_411 = tpu.vector_load %arg14[%parallel_loop3A_409, %parallel_loop3A_410] {strides = array<i32>} : memref<32x768xf32, #tpu.memory_space<vmem>>, vector<16xf32>,
        %parallel_loop3A_412 = arith.index_cast %parallel_loop3A_150 : i32 to index
        %parallel_loop3A_413 = arith.constant 688 : index
        %parallel_loop3A_414 = tpu.vector_load %arg12[%parallel_loop3A_412, %parallel_loop3A_413] {strides = array<i32>} : memref<32x768xf32, #tpu.memory_space<vmem>>, vector<16xf32>,
        tpu.vector_store %arg12[%parallel_loop3A_412, %parallel_loop3A_413], %parallel_loop3A_411 {add = true, strides = array<i32>} : memref<32x768xf32, #tpu.memory_space<vmem>>, vector<16xf32>,
        %parallel_loop3A_415 = arith.index_cast %parallel_loop3A_150 : i32 to index
        %parallel_loop3A_416 = arith.constant 704 : index
        %parallel_loop3A_417 = tpu.vector_load %arg14[%parallel_loop3A_415, %parallel_loop3A_416] {strides = array<i32>} : memref<32x768xf32, #tpu.memory_space<vmem>>, vector<16xf32>,
        %parallel_loop3A_418 = arith.index_cast %parallel_loop3A_150 : i32 to index
        %parallel_loop3A_419 = arith.constant 704 : index
        %parallel_loop3A_420 = tpu.vector_load %arg12[%parallel_loop3A_418, %parallel_loop3A_419] {strides = array<i32>} : memref<32x768xf32, #tpu.memory_space<vmem>>, vector<16xf32>,
        tpu.vector_store %arg12[%parallel_loop3A_418, %parallel_loop3A_419], %parallel_loop3A_417 {add = true, strides = array<i32>} : memref<32x768xf32, #tpu.memory_space<vmem>>, vector<16xf32>,
        %parallel_loop3A_421 = arith.index_cast %parallel_loop3A_150 : i32 to index
        %parallel_loop3A_422 = arith.constant 720 : index
        %parallel_loop3A_423 = tpu.vector_load %arg14[%parallel_loop3A_421, %parallel_loop3A_422] {strides = array<i32>} : memref<32x768xf32, #tpu.memory_space<vmem>>, vector<16xf32>,
        %parallel_loop3A_424 = arith.index_cast %parallel_loop3A_150 : i32 to index
        %parallel_loop3A_425 = arith.constant 720 : index
        %parallel_loop3A_426 = tpu.vector_load %arg12[%parallel_loop3A_424, %parallel_loop3A_425] {strides = array<i32>} : memref<32x768xf32, #tpu.memory_space<vmem>>, vector<16xf32>,
        tpu.vector_store %arg12[%parallel_loop3A_424, %parallel_loop3A_425], %parallel_loop3A_423 {add = true, strides = array<i32>} : memref<32x768xf32, #tpu.memory_space<vmem>>, vector<16xf32>,
        %parallel_loop3A_427 = arith.index_cast %parallel_loop3A_150 : i32 to index
        %parallel_loop3A_428 = arith.constant 736 : index
        %parallel_loop3A_429 = tpu.vector_load %arg14[%parallel_loop3A_427, %parallel_loop3A_428] {strides = array<i32>} : memref<32x768xf32, #tpu.memory_space<vmem>>, vector<16xf32>,
        %parallel_loop3A_430 = arith.index_cast %parallel_loop3A_150 : i32 to index
        %parallel_loop3A_431 = arith.constant 736 : index
        %parallel_loop3A_432 = tpu.vector_load %arg12[%parallel_loop3A_430, %parallel_loop3A_431] {strides = array<i32>} : memref<32x768xf32, #tpu.memory_space<vmem>>, vector<16xf32>,
        tpu.vector_store %arg12[%parallel_loop3A_430, %parallel_loop3A_431], %parallel_loop3A_429 {add = true, strides = array<i32>} : memref<32x768xf32, #tpu.memory_space<vmem>>, vector<16xf32>,
        %parallel_loop3A_433 = arith.index_cast %parallel_loop3A_150 : i32 to index
        %parallel_loop3A_434 = arith.constant 752 : index
        %parallel_loop3A_435 = tpu.vector_load %arg14[%parallel_loop3A_433, %parallel_loop3A_434] {strides = array<i32>} : memref<32x768xf32, #tpu.memory_space<vmem>>, vector<16xf32>,
        %parallel_loop3A_436 = arith.index_cast %parallel_loop3A_150 : i32 to index
        %parallel_loop3A_437 = arith.constant 752 : index
        %parallel_loop3A_438 = tpu.vector_load %arg12[%parallel_loop3A_436, %parallel_loop3A_437] {strides = array<i32>} : memref<32x768xf32, #tpu.memory_space<vmem>>, vector<16xf32>,
        tpu.vector_store %arg12[%parallel_loop3A_436, %parallel_loop3A_437], %parallel_loop3A_435 {add = true, strides = array<i32>} : memref<32x768xf32, #tpu.memory_space<vmem>>, vector<16xf32>,
      } {sc.loop_unroll_factor = 1 : i64, sc.parallel_access}
      %mul3A_100 = arith.constant 32 : i32
      %mul3A_101 = arith.muli %add3A_71, %mul3A_100 : i32
      %add3A_102 = arith.addi %mul3A_2, %mul3A_101 : i32
      %dma_start3A_103 = arith.constant 0 : i32
      %dma_start3A_104 = tpu.memref_slice %arg6[%add3A_102, %dma_start3A_103] : memref<8192x768xf32, #tpu.memory_space<hbm>> -> memref<32x768xf32, #tpu.memory_space<hbm>>
      %dma_start3A_105 = arith.constant 0 : i32
      %dma_start3A_106 = tpu.memref_slice %arg6[%add3A_102, %dma_start3A_105] : memref<8192x768xf32, #tpu.memory_space<hbm>> -> memref<32x768xf32, #tpu.memory_space<hbm>>
      tpu.enqueue_dma source(%arg12 : memref<32x768xf32, #tpu.memory_space<vmem>>) target(%dma_start3A_106 : memref<32x768xf32, #tpu.memory_space<hbm>>) target_semaphore(%arg18 : memref<!tpu.dma_semaphore, #tpu.memory_space<semaphore_mem>>)
      %mul3A_107 = arith.constant 2 : i32
      %mul3A_108 = arith.muli %scan3A_64, %mul3A_107 : i32
      %add3A_109 = arith.constant 1 : i32
      %add3A_110 = arith.addi %add3A_109, %mul3A_108 : i32
      %add3A_111 = arith.constant 1 : i32
      %add3A_112 = arith.addi %add3A_110, %add3A_111 : i32
      %dma_wait3A_113 = arith.constant 0 : i32
      %dma_wait3A_114 = arith.constant 0 : i32
      %dma_wait3A_115 = tpu.memref_slice %arg2[%dma_wait3A_113, %dma_wait3A_114] : memref<100000x768xf32, #tpu.memory_space<hbm>> -> memref<100000x768xf32, #tpu.memory_space<hbm>>
      tpu.wait_indirect_dma semaphore(%arg15 : memref<!tpu.dma_semaphore, #tpu.memory_space<semaphore_mem>>) src(%dma_wait3A_115 : memref<100000x768xf32, #tpu.memory_space<hbm>>) dst(%arg11 : memref<32x768xf32, #tpu.memory_space<vmem>>)
      %dma_wait3A_116 = arith.constant 0 : i32
      %dma_wait3A_117 = arith.constant 0 : i32
      %dma_wait3A_118 = tpu.memref_slice %arg3[%dma_wait3A_116, %dma_wait3A_117] : memref<2048x768xf32, #tpu.memory_space<hbm>> -> memref<2048x768xf32, #tpu.memory_space<hbm>>
      tpu.wait_indirect_dma semaphore(%arg15 : memref<!tpu.dma_semaphore, #tpu.memory_space<semaphore_mem>>) src(%dma_wait3A_118 : memref<2048x768xf32, #tpu.memory_space<hbm>>) dst(%arg13 : memref<32x768xf32, #tpu.memory_space<vmem>>)
      %sub3A_119 = arith.constant 1 : i32
      %sub3A_120 = arith.subi %add3A_112, %sub3A_119 : i32
      %mul3A_121 = arith.constant 32 : i32
      %mul3A_122 = arith.muli %sub3A_120, %mul3A_121 : i32
      %add3A_123 = arith.addi %mul3A_2, %mul3A_122 : i32
      %dma_wait3A_124 = arith.constant 0 : i32
      %dma_wait3A_125 = tpu.memref_slice %arg6[%add3A_123, %dma_wait3A_124] : memref<8192x768xf32, #tpu.memory_space<hbm>> -> memref<32x768xf32, #tpu.memory_space<hbm>>
      %dma_wait3A_126 = arith.constant 0 : i32
      %dma_wait3A_127 = tpu.memref_slice %arg6[%add3A_123, %dma_wait3A_126] : memref<8192x768xf32, #tpu.memory_space<hbm>> -> memref<32x768xf32, #tpu.memory_space<hbm>>
      tpu.wait_dma2 semaphore(%arg18 : memref<!tpu.dma_semaphore, #tpu.memory_space<semaphore_mem>>) src(%arg12 : memref<32x768xf32, #tpu.memory_space<vmem>>) dst(%dma_wait3A_127 : memref<32x768xf32, #tpu.memory_space<hbm>>)
      %add3A_128 = arith.constant 1 : i32
      %add3A_129 = arith.addi %add3A_112, %add3A_128 : i32
      %mul3A_130 = arith.constant 32 : i32
      %mul3A_131 = arith.muli %add3A_129, %mul3A_130 : i32
      %add3A_132 = arith.addi %mul3A_2, %mul3A_131 : i32
      "tpu.region"() ({
        %run_scoped3A = tpu.sem_alloc : memref<!tpu.dma_semaphore, #tpu.memory_space<semaphore_mem>>
        %dma_start3A_150 = tpu.memref_slice %arg4[%add3A_132] : memref<8192xi32, #tpu.memory_space<hbm>> -> memref<32xi32, #tpu.memory_space<hbm>>
        %dma_start3A_151 = tpu.memref_slice %arg4[%add3A_132] : memref<8192xi32, #tpu.memory_space<hbm>> -> memref<32xi32, #tpu.memory_space<hbm>>
        tpu.enqueue_dma source(%dma_start3A_151 : memref<32xi32, #tpu.memory_space<hbm>>) target(%arg8 : memref<32xi32, #tpu.memory_space<vmem>>) target_semaphore(%run_scoped3A : memref<!tpu.dma_semaphore, #tpu.memory_space<semaphore_mem>>)
        %dma_wait3A_152 = tpu.memref_slice %arg4[%add3A_132] : memref<8192xi32, #tpu.memory_space<hbm>> -> memref<32xi32, #tpu.memory_space<hbm>>
        %dma_wait3A_153 = tpu.memref_slice %arg4[%add3A_132] : memref<8192xi32, #tpu.memory_space<hbm>> -> memref<32xi32, #tpu.memory_space<hbm>>
        tpu.wait_dma2 semaphore(%run_scoped3A : memref<!tpu.dma_semaphore, #tpu.memory_space<semaphore_mem>>) src(%dma_wait3A_153 : memref<32xi32, #tpu.memory_space<hbm>>) dst(%arg8 : memref<32xi32, #tpu.memory_space<vmem>>)
        tpu.yield
      }) : () -> ()
      "tpu.region"() ({
        %run_scoped3A = tpu.sem_alloc : memref<!tpu.dma_semaphore, #tpu.memory_space<semaphore_mem>>
        %dma_start3A_150 = tpu.memref_slice %arg5[%add3A_132] : memref<8192xi32, #tpu.memory_space<hbm>> -> memref<32xi32, #tpu.memory_space<hbm>>
        %dma_start3A_151 = tpu.memref_slice %arg5[%add3A_132] : memref<8192xi32, #tpu.memory_space<hbm>> -> memref<32xi32, #tpu.memory_space<hbm>>
        tpu.enqueue_dma source(%dma_start3A_151 : memref<32xi32, #tpu.memory_space<hbm>>) target(%arg10 : memref<32xi32, #tpu.memory_space<vmem>>) target_semaphore(%run_scoped3A : memref<!tpu.dma_semaphore, #tpu.memory_space<semaphore_mem>>)
        %dma_wait3A_152 = tpu.memref_slice %arg5[%add3A_132] : memref<8192xi32, #tpu.memory_space<hbm>> -> memref<32xi32, #tpu.memory_space<hbm>>
        %dma_wait3A_153 = tpu.memref_slice %arg5[%add3A_132] : memref<8192xi32, #tpu.memory_space<hbm>> -> memref<32xi32, #tpu.memory_space<hbm>>
        tpu.wait_dma2 semaphore(%run_scoped3A : memref<!tpu.dma_semaphore, #tpu.memory_space<semaphore_mem>>) src(%dma_wait3A_153 : memref<32xi32, #tpu.memory_space<hbm>>) dst(%arg10 : memref<32xi32, #tpu.memory_space<vmem>>)
        tpu.yield
      }) : () -> ()
      %dma_start3A_133 = arith.constant 0 : i32
      %dma_start3A_134 = arith.constant 0 : i32
      %dma_start3A_135 = tpu.memref_slice %arg2[%dma_start3A_133, %dma_start3A_134] : memref<100000x768xf32, #tpu.memory_space<hbm>> -> memref<100000x768xf32, #tpu.memory_space<hbm>>
      tpu.enqueue_indirect_dma source(%dma_start3A_135 : memref<100000x768xf32, #tpu.memory_space<hbm>>) target(%arg12 : memref<32x768xf32, #tpu.memory_space<vmem>>) offsets(%arg8 : memref<32xi32, #tpu.memory_space<vmem>>) semaphore(%arg16 : memref<!tpu.dma_semaphore, #tpu.memory_space<semaphore_mem>>)
      %dma_start3A_136 = arith.constant 0 : i32
      %dma_start3A_137 = arith.constant 0 : i32
      %dma_start3A_138 = tpu.memref_slice %arg3[%dma_start3A_136, %dma_start3A_137] : memref<2048x768xf32, #tpu.memory_space<hbm>> -> memref<2048x768xf32, #tpu.memory_space<hbm>>
      tpu.enqueue_indirect_dma source(%dma_start3A_138 : memref<2048x768xf32, #tpu.memory_space<hbm>>) target(%arg14 : memref<32x768xf32, #tpu.memory_space<vmem>>) offsets(%arg10 : memref<32xi32, #tpu.memory_space<vmem>>) semaphore(%arg16 : memref<!tpu.dma_semaphore, #tpu.memory_space<semaphore_mem>>)
      %parallel_loop3A_139 = arith.constant 0 : i32
      %parallel_loop3A_140 = arith.constant 32 : i32
      %parallel_loop3A_141 = arith.constant 1 : i32
      scf.for %parallel_loop3A_150 = %parallel_loop3A_139 to %parallel_loop3A_140 step %parallel_loop3A_141  : i32 {
        %parallel_loop3A_151 = arith.index_cast %parallel_loop3A_150 : i32 to index
        %parallel_loop3A_152 = arith.constant 0 : index
        %parallel_loop3A_153 = tpu.vector_load %arg13[%parallel_loop3A_151, %parallel_loop3A_152] {strides = array<i32>} : memref<32x768xf32, #tpu.memory_space<vmem>>, vector<16xf32>,
        %parallel_loop3A_154 = arith.index_cast %parallel_loop3A_150 : i32 to index
        %parallel_loop3A_155 = arith.constant 0 : index
        %parallel_loop3A_156 = tpu.vector_load %arg11[%parallel_loop3A_154, %parallel_loop3A_155] {strides = array<i32>} : memref<32x768xf32, #tpu.memory_space<vmem>>, vector<16xf32>,
        tpu.vector_store %arg11[%parallel_loop3A_154, %parallel_loop3A_155], %parallel_loop3A_153 {add = true, strides = array<i32>} : memref<32x768xf32, #tpu.memory_space<vmem>>, vector<16xf32>,
        %parallel_loop3A_157 = arith.index_cast %parallel_loop3A_150 : i32 to index
        %parallel_loop3A_158 = arith.constant 16 : index
        %parallel_loop3A_159 = tpu.vector_load %arg13[%parallel_loop3A_157, %parallel_loop3A_158] {strides = array<i32>} : memref<32x768xf32, #tpu.memory_space<vmem>>, vector<16xf32>,
        %parallel_loop3A_160 = arith.index_cast %parallel_loop3A_150 : i32 to index
        %parallel_loop3A_161 = arith.constant 16 : index
        %parallel_loop3A_162 = tpu.vector_load %arg11[%parallel_loop3A_160, %parallel_loop3A_161] {strides = array<i32>} : memref<32x768xf32, #tpu.memory_space<vmem>>, vector<16xf32>,
        tpu.vector_store %arg11[%parallel_loop3A_160, %parallel_loop3A_161], %parallel_loop3A_159 {add = true, strides = array<i32>} : memref<32x768xf32, #tpu.memory_space<vmem>>, vector<16xf32>,
        %parallel_loop3A_163 = arith.index_cast %parallel_loop3A_150 : i32 to index
        %parallel_loop3A_164 = arith.constant 32 : index
        %parallel_loop3A_165 = tpu.vector_load %arg13[%parallel_loop3A_163, %parallel_loop3A_164] {strides = array<i32>} : memref<32x768xf32, #tpu.memory_space<vmem>>, vector<16xf32>,
        %parallel_loop3A_166 = arith.index_cast %parallel_loop3A_150 : i32 to index
        %parallel_loop3A_167 = arith.constant 32 : index
        %parallel_loop3A_168 = tpu.vector_load %arg11[%parallel_loop3A_166, %parallel_loop3A_167] {strides = array<i32>} : memref<32x768xf32, #tpu.memory_space<vmem>>, vector<16xf32>,
        tpu.vector_store %arg11[%parallel_loop3A_166, %parallel_loop3A_167], %parallel_loop3A_165 {add = true, strides = array<i32>} : memref<32x768xf32, #tpu.memory_space<vmem>>, vector<16xf32>,
        %parallel_loop3A_169 = arith.index_cast %parallel_loop3A_150 : i32 to index
        %parallel_loop3A_170 = arith.constant 48 : index
        %parallel_loop3A_171 = tpu.vector_load %arg13[%parallel_loop3A_169, %parallel_loop3A_170] {strides = array<i32>} : memref<32x768xf32, #tpu.memory_space<vmem>>, vector<16xf32>,
        %parallel_loop3A_172 = arith.index_cast %parallel_loop3A_150 : i32 to index
        %parallel_loop3A_173 = arith.constant 48 : index
        %parallel_loop3A_174 = tpu.vector_load %arg11[%parallel_loop3A_172, %parallel_loop3A_173] {strides = array<i32>} : memref<32x768xf32, #tpu.memory_space<vmem>>, vector<16xf32>,
        tpu.vector_store %arg11[%parallel_loop3A_172, %parallel_loop3A_173], %parallel_loop3A_171 {add = true, strides = array<i32>} : memref<32x768xf32, #tpu.memory_space<vmem>>, vector<16xf32>,
        %parallel_loop3A_175 = arith.index_cast %parallel_loop3A_150 : i32 to index
        %parallel_loop3A_176 = arith.constant 64 : index
        %parallel_loop3A_177 = tpu.vector_load %arg13[%parallel_loop3A_175, %parallel_loop3A_176] {strides = array<i32>} : memref<32x768xf32, #tpu.memory_space<vmem>>, vector<16xf32>,
        %parallel_loop3A_178 = arith.index_cast %parallel_loop3A_150 : i32 to index
        %parallel_loop3A_179 = arith.constant 64 : index
        %parallel_loop3A_180 = tpu.vector_load %arg11[%parallel_loop3A_178, %parallel_loop3A_179] {strides = array<i32>} : memref<32x768xf32, #tpu.memory_space<vmem>>, vector<16xf32>,
        tpu.vector_store %arg11[%parallel_loop3A_178, %parallel_loop3A_179], %parallel_loop3A_177 {add = true, strides = array<i32>} : memref<32x768xf32, #tpu.memory_space<vmem>>, vector<16xf32>,
        %parallel_loop3A_181 = arith.index_cast %parallel_loop3A_150 : i32 to index
        %parallel_loop3A_182 = arith.constant 80 : index
        %parallel_loop3A_183 = tpu.vector_load %arg13[%parallel_loop3A_181, %parallel_loop3A_182] {strides = array<i32>} : memref<32x768xf32, #tpu.memory_space<vmem>>, vector<16xf32>,
        %parallel_loop3A_184 = arith.index_cast %parallel_loop3A_150 : i32 to index
        %parallel_loop3A_185 = arith.constant 80 : index
        %parallel_loop3A_186 = tpu.vector_load %arg11[%parallel_loop3A_184, %parallel_loop3A_185] {strides = array<i32>} : memref<32x768xf32, #tpu.memory_space<vmem>>, vector<16xf32>,
        tpu.vector_store %arg11[%parallel_loop3A_184, %parallel_loop3A_185], %parallel_loop3A_183 {add = true, strides = array<i32>} : memref<32x768xf32, #tpu.memory_space<vmem>>, vector<16xf32>,
        %parallel_loop3A_187 = arith.index_cast %parallel_loop3A_150 : i32 to index
        %parallel_loop3A_188 = arith.constant 96 : index
        %parallel_loop3A_189 = tpu.vector_load %arg13[%parallel_loop3A_187, %parallel_loop3A_188] {strides = array<i32>} : memref<32x768xf32, #tpu.memory_space<vmem>>, vector<16xf32>,
        %parallel_loop3A_190 = arith.index_cast %parallel_loop3A_150 : i32 to index
        %parallel_loop3A_191 = arith.constant 96 : index
        %parallel_loop3A_192 = tpu.vector_load %arg11[%parallel_loop3A_190, %parallel_loop3A_191] {strides = array<i32>} : memref<32x768xf32, #tpu.memory_space<vmem>>, vector<16xf32>,
        tpu.vector_store %arg11[%parallel_loop3A_190, %parallel_loop3A_191], %parallel_loop3A_189 {add = true, strides = array<i32>} : memref<32x768xf32, #tpu.memory_space<vmem>>, vector<16xf32>,
        %parallel_loop3A_193 = arith.index_cast %parallel_loop3A_150 : i32 to index
        %parallel_loop3A_194 = arith.constant 112 : index
        %parallel_loop3A_195 = tpu.vector_load %arg13[%parallel_loop3A_193, %parallel_loop3A_194] {strides = array<i32>} : memref<32x768xf32, #tpu.memory_space<vmem>>, vector<16xf32>,
        %parallel_loop3A_196 = arith.index_cast %parallel_loop3A_150 : i32 to index
        %parallel_loop3A_197 = arith.constant 112 : index
        %parallel_loop3A_198 = tpu.vector_load %arg11[%parallel_loop3A_196, %parallel_loop3A_197] {strides = array<i32>} : memref<32x768xf32, #tpu.memory_space<vmem>>, vector<16xf32>,
        tpu.vector_store %arg11[%parallel_loop3A_196, %parallel_loop3A_197], %parallel_loop3A_195 {add = true, strides = array<i32>} : memref<32x768xf32, #tpu.memory_space<vmem>>, vector<16xf32>,
        %parallel_loop3A_199 = arith.index_cast %parallel_loop3A_150 : i32 to index
        %parallel_loop3A_200 = arith.constant 128 : index
        %parallel_loop3A_201 = tpu.vector_load %arg13[%parallel_loop3A_199, %parallel_loop3A_200] {strides = array<i32>} : memref<32x768xf32, #tpu.memory_space<vmem>>, vector<16xf32>,
        %parallel_loop3A_202 = arith.index_cast %parallel_loop3A_150 : i32 to index
        %parallel_loop3A_203 = arith.constant 128 : index
        %parallel_loop3A_204 = tpu.vector_load %arg11[%parallel_loop3A_202, %parallel_loop3A_203] {strides = array<i32>} : memref<32x768xf32, #tpu.memory_space<vmem>>, vector<16xf32>,
        tpu.vector_store %arg11[%parallel_loop3A_202, %parallel_loop3A_203], %parallel_loop3A_201 {add = true, strides = array<i32>} : memref<32x768xf32, #tpu.memory_space<vmem>>, vector<16xf32>,
        %parallel_loop3A_205 = arith.index_cast %parallel_loop3A_150 : i32 to index
        %parallel_loop3A_206 = arith.constant 144 : index
        %parallel_loop3A_207 = tpu.vector_load %arg13[%parallel_loop3A_205, %parallel_loop3A_206] {strides = array<i32>} : memref<32x768xf32, #tpu.memory_space<vmem>>, vector<16xf32>,
        %parallel_loop3A_208 = arith.index_cast %parallel_loop3A_150 : i32 to index
        %parallel_loop3A_209 = arith.constant 144 : index
        %parallel_loop3A_210 = tpu.vector_load %arg11[%parallel_loop3A_208, %parallel_loop3A_209] {strides = array<i32>} : memref<32x768xf32, #tpu.memory_space<vmem>>, vector<16xf32>,
        tpu.vector_store %arg11[%parallel_loop3A_208, %parallel_loop3A_209], %parallel_loop3A_207 {add = true, strides = array<i32>} : memref<32x768xf32, #tpu.memory_space<vmem>>, vector<16xf32>,
        %parallel_loop3A_211 = arith.index_cast %parallel_loop3A_150 : i32 to index
        %parallel_loop3A_212 = arith.constant 160 : index
        %parallel_loop3A_213 = tpu.vector_load %arg13[%parallel_loop3A_211, %parallel_loop3A_212] {strides = array<i32>} : memref<32x768xf32, #tpu.memory_space<vmem>>, vector<16xf32>,
        %parallel_loop3A_214 = arith.index_cast %parallel_loop3A_150 : i32 to index
        %parallel_loop3A_215 = arith.constant 160 : index
        %parallel_loop3A_216 = tpu.vector_load %arg11[%parallel_loop3A_214, %parallel_loop3A_215] {strides = array<i32>} : memref<32x768xf32, #tpu.memory_space<vmem>>, vector<16xf32>,
        tpu.vector_store %arg11[%parallel_loop3A_214, %parallel_loop3A_215], %parallel_loop3A_213 {add = true, strides = array<i32>} : memref<32x768xf32, #tpu.memory_space<vmem>>, vector<16xf32>,
        %parallel_loop3A_217 = arith.index_cast %parallel_loop3A_150 : i32 to index
        %parallel_loop3A_218 = arith.constant 176 : index
        %parallel_loop3A_219 = tpu.vector_load %arg13[%parallel_loop3A_217, %parallel_loop3A_218] {strides = array<i32>} : memref<32x768xf32, #tpu.memory_space<vmem>>, vector<16xf32>,
        %parallel_loop3A_220 = arith.index_cast %parallel_loop3A_150 : i32 to index
        %parallel_loop3A_221 = arith.constant 176 : index
        %parallel_loop3A_222 = tpu.vector_load %arg11[%parallel_loop3A_220, %parallel_loop3A_221] {strides = array<i32>} : memref<32x768xf32, #tpu.memory_space<vmem>>, vector<16xf32>,
        tpu.vector_store %arg11[%parallel_loop3A_220, %parallel_loop3A_221], %parallel_loop3A_219 {add = true, strides = array<i32>} : memref<32x768xf32, #tpu.memory_space<vmem>>, vector<16xf32>,
        %parallel_loop3A_223 = arith.index_cast %parallel_loop3A_150 : i32 to index
        %parallel_loop3A_224 = arith.constant 192 : index
        %parallel_loop3A_225 = tpu.vector_load %arg13[%parallel_loop3A_223, %parallel_loop3A_224] {strides = array<i32>} : memref<32x768xf32, #tpu.memory_space<vmem>>, vector<16xf32>,
        %parallel_loop3A_226 = arith.index_cast %parallel_loop3A_150 : i32 to index
        %parallel_loop3A_227 = arith.constant 192 : index
        %parallel_loop3A_228 = tpu.vector_load %arg11[%parallel_loop3A_226, %parallel_loop3A_227] {strides = array<i32>} : memref<32x768xf32, #tpu.memory_space<vmem>>, vector<16xf32>,
        tpu.vector_store %arg11[%parallel_loop3A_226, %parallel_loop3A_227], %parallel_loop3A_225 {add = true, strides = array<i32>} : memref<32x768xf32, #tpu.memory_space<vmem>>, vector<16xf32>,
        %parallel_loop3A_229 = arith.index_cast %parallel_loop3A_150 : i32 to index
        %parallel_loop3A_230 = arith.constant 208 : index
        %parallel_loop3A_231 = tpu.vector_load %arg13[%parallel_loop3A_229, %parallel_loop3A_230] {strides = array<i32>} : memref<32x768xf32, #tpu.memory_space<vmem>>, vector<16xf32>,
        %parallel_loop3A_232 = arith.index_cast %parallel_loop3A_150 : i32 to index
        %parallel_loop3A_233 = arith.constant 208 : index
        %parallel_loop3A_234 = tpu.vector_load %arg11[%parallel_loop3A_232, %parallel_loop3A_233] {strides = array<i32>} : memref<32x768xf32, #tpu.memory_space<vmem>>, vector<16xf32>,
        tpu.vector_store %arg11[%parallel_loop3A_232, %parallel_loop3A_233], %parallel_loop3A_231 {add = true, strides = array<i32>} : memref<32x768xf32, #tpu.memory_space<vmem>>, vector<16xf32>,
        %parallel_loop3A_235 = arith.index_cast %parallel_loop3A_150 : i32 to index
        %parallel_loop3A_236 = arith.constant 224 : index
        %parallel_loop3A_237 = tpu.vector_load %arg13[%parallel_loop3A_235, %parallel_loop3A_236] {strides = array<i32>} : memref<32x768xf32, #tpu.memory_space<vmem>>, vector<16xf32>,
        %parallel_loop3A_238 = arith.index_cast %parallel_loop3A_150 : i32 to index
        %parallel_loop3A_239 = arith.constant 224 : index
        %parallel_loop3A_240 = tpu.vector_load %arg11[%parallel_loop3A_238, %parallel_loop3A_239] {strides = array<i32>} : memref<32x768xf32, #tpu.memory_space<vmem>>, vector<16xf32>,
        tpu.vector_store %arg11[%parallel_loop3A_238, %parallel_loop3A_239], %parallel_loop3A_237 {add = true, strides = array<i32>} : memref<32x768xf32, #tpu.memory_space<vmem>>, vector<16xf32>,
        %parallel_loop3A_241 = arith.index_cast %parallel_loop3A_150 : i32 to index
        %parallel_loop3A_242 = arith.constant 240 : index
        %parallel_loop3A_243 = tpu.vector_load %arg13[%parallel_loop3A_241, %parallel_loop3A_242] {strides = array<i32>} : memref<32x768xf32, #tpu.memory_space<vmem>>, vector<16xf32>,
        %parallel_loop3A_244 = arith.index_cast %parallel_loop3A_150 : i32 to index
        %parallel_loop3A_245 = arith.constant 240 : index
        %parallel_loop3A_246 = tpu.vector_load %arg11[%parallel_loop3A_244, %parallel_loop3A_245] {strides = array<i32>} : memref<32x768xf32, #tpu.memory_space<vmem>>, vector<16xf32>,
        tpu.vector_store %arg11[%parallel_loop3A_244, %parallel_loop3A_245], %parallel_loop3A_243 {add = true, strides = array<i32>} : memref<32x768xf32, #tpu.memory_space<vmem>>, vector<16xf32>,
        %parallel_loop3A_247 = arith.index_cast %parallel_loop3A_150 : i32 to index
        %parallel_loop3A_248 = arith.constant 256 : index
        %parallel_loop3A_249 = tpu.vector_load %arg13[%parallel_loop3A_247, %parallel_loop3A_248] {strides = array<i32>} : memref<32x768xf32, #tpu.memory_space<vmem>>, vector<16xf32>,
        %parallel_loop3A_250 = arith.index_cast %parallel_loop3A_150 : i32 to index
        %parallel_loop3A_251 = arith.constant 256 : index
        %parallel_loop3A_252 = tpu.vector_load %arg11[%parallel_loop3A_250, %parallel_loop3A_251] {strides = array<i32>} : memref<32x768xf32, #tpu.memory_space<vmem>>, vector<16xf32>,
        tpu.vector_store %arg11[%parallel_loop3A_250, %parallel_loop3A_251], %parallel_loop3A_249 {add = true, strides = array<i32>} : memref<32x768xf32, #tpu.memory_space<vmem>>, vector<16xf32>,
        %parallel_loop3A_253 = arith.index_cast %parallel_loop3A_150 : i32 to index
        %parallel_loop3A_254 = arith.constant 272 : index
        %parallel_loop3A_255 = tpu.vector_load %arg13[%parallel_loop3A_253, %parallel_loop3A_254] {strides = array<i32>} : memref<32x768xf32, #tpu.memory_space<vmem>>, vector<16xf32>,
        %parallel_loop3A_256 = arith.index_cast %parallel_loop3A_150 : i32 to index
        %parallel_loop3A_257 = arith.constant 272 : index
        %parallel_loop3A_258 = tpu.vector_load %arg11[%parallel_loop3A_256, %parallel_loop3A_257] {strides = array<i32>} : memref<32x768xf32, #tpu.memory_space<vmem>>, vector<16xf32>,
        tpu.vector_store %arg11[%parallel_loop3A_256, %parallel_loop3A_257], %parallel_loop3A_255 {add = true, strides = array<i32>} : memref<32x768xf32, #tpu.memory_space<vmem>>, vector<16xf32>,
        %parallel_loop3A_259 = arith.index_cast %parallel_loop3A_150 : i32 to index
        %parallel_loop3A_260 = arith.constant 288 : index
        %parallel_loop3A_261 = tpu.vector_load %arg13[%parallel_loop3A_259, %parallel_loop3A_260] {strides = array<i32>} : memref<32x768xf32, #tpu.memory_space<vmem>>, vector<16xf32>,
        %parallel_loop3A_262 = arith.index_cast %parallel_loop3A_150 : i32 to index
        %parallel_loop3A_263 = arith.constant 288 : index
        %parallel_loop3A_264 = tpu.vector_load %arg11[%parallel_loop3A_262, %parallel_loop3A_263] {strides = array<i32>} : memref<32x768xf32, #tpu.memory_space<vmem>>, vector<16xf32>,
        tpu.vector_store %arg11[%parallel_loop3A_262, %parallel_loop3A_263], %parallel_loop3A_261 {add = true, strides = array<i32>} : memref<32x768xf32, #tpu.memory_space<vmem>>, vector<16xf32>,
        %parallel_loop3A_265 = arith.index_cast %parallel_loop3A_150 : i32 to index
        %parallel_loop3A_266 = arith.constant 304 : index
        %parallel_loop3A_267 = tpu.vector_load %arg13[%parallel_loop3A_265, %parallel_loop3A_266] {strides = array<i32>} : memref<32x768xf32, #tpu.memory_space<vmem>>, vector<16xf32>,
        %parallel_loop3A_268 = arith.index_cast %parallel_loop3A_150 : i32 to index
        %parallel_loop3A_269 = arith.constant 304 : index
        %parallel_loop3A_270 = tpu.vector_load %arg11[%parallel_loop3A_268, %parallel_loop3A_269] {strides = array<i32>} : memref<32x768xf32, #tpu.memory_space<vmem>>, vector<16xf32>,
        tpu.vector_store %arg11[%parallel_loop3A_268, %parallel_loop3A_269], %parallel_loop3A_267 {add = true, strides = array<i32>} : memref<32x768xf32, #tpu.memory_space<vmem>>, vector<16xf32>,
        %parallel_loop3A_271 = arith.index_cast %parallel_loop3A_150 : i32 to index
        %parallel_loop3A_272 = arith.constant 320 : index
        %parallel_loop3A_273 = tpu.vector_load %arg13[%parallel_loop3A_271, %parallel_loop3A_272] {strides = array<i32>} : memref<32x768xf32, #tpu.memory_space<vmem>>, vector<16xf32>,
        %parallel_loop3A_274 = arith.index_cast %parallel_loop3A_150 : i32 to index
        %parallel_loop3A_275 = arith.constant 320 : index
        %parallel_loop3A_276 = tpu.vector_load %arg11[%parallel_loop3A_274, %parallel_loop3A_275] {strides = array<i32>} : memref<32x768xf32, #tpu.memory_space<vmem>>, vector<16xf32>,
        tpu.vector_store %arg11[%parallel_loop3A_274, %parallel_loop3A_275], %parallel_loop3A_273 {add = true, strides = array<i32>} : memref<32x768xf32, #tpu.memory_space<vmem>>, vector<16xf32>,
        %parallel_loop3A_277 = arith.index_cast %parallel_loop3A_150 : i32 to index
        %parallel_loop3A_278 = arith.constant 336 : index
        %parallel_loop3A_279 = tpu.vector_load %arg13[%parallel_loop3A_277, %parallel_loop3A_278] {strides = array<i32>} : memref<32x768xf32, #tpu.memory_space<vmem>>, vector<16xf32>,
        %parallel_loop3A_280 = arith.index_cast %parallel_loop3A_150 : i32 to index
        %parallel_loop3A_281 = arith.constant 336 : index
        %parallel_loop3A_282 = tpu.vector_load %arg11[%parallel_loop3A_280, %parallel_loop3A_281] {strides = array<i32>} : memref<32x768xf32, #tpu.memory_space<vmem>>, vector<16xf32>,
        tpu.vector_store %arg11[%parallel_loop3A_280, %parallel_loop3A_281], %parallel_loop3A_279 {add = true, strides = array<i32>} : memref<32x768xf32, #tpu.memory_space<vmem>>, vector<16xf32>,
        %parallel_loop3A_283 = arith.index_cast %parallel_loop3A_150 : i32 to index
        %parallel_loop3A_284 = arith.constant 352 : index
        %parallel_loop3A_285 = tpu.vector_load %arg13[%parallel_loop3A_283, %parallel_loop3A_284] {strides = array<i32>} : memref<32x768xf32, #tpu.memory_space<vmem>>, vector<16xf32>,
        %parallel_loop3A_286 = arith.index_cast %parallel_loop3A_150 : i32 to index
        %parallel_loop3A_287 = arith.constant 352 : index
        %parallel_loop3A_288 = tpu.vector_load %arg11[%parallel_loop3A_286, %parallel_loop3A_287] {strides = array<i32>} : memref<32x768xf32, #tpu.memory_space<vmem>>, vector<16xf32>,
        tpu.vector_store %arg11[%parallel_loop3A_286, %parallel_loop3A_287], %parallel_loop3A_285 {add = true, strides = array<i32>} : memref<32x768xf32, #tpu.memory_space<vmem>>, vector<16xf32>,
        %parallel_loop3A_289 = arith.index_cast %parallel_loop3A_150 : i32 to index
        %parallel_loop3A_290 = arith.constant 368 : index
        %parallel_loop3A_291 = tpu.vector_load %arg13[%parallel_loop3A_289, %parallel_loop3A_290] {strides = array<i32>} : memref<32x768xf32, #tpu.memory_space<vmem>>, vector<16xf32>,
        %parallel_loop3A_292 = arith.index_cast %parallel_loop3A_150 : i32 to index
        %parallel_loop3A_293 = arith.constant 368 : index
        %parallel_loop3A_294 = tpu.vector_load %arg11[%parallel_loop3A_292, %parallel_loop3A_293] {strides = array<i32>} : memref<32x768xf32, #tpu.memory_space<vmem>>, vector<16xf32>,
        tpu.vector_store %arg11[%parallel_loop3A_292, %parallel_loop3A_293], %parallel_loop3A_291 {add = true, strides = array<i32>} : memref<32x768xf32, #tpu.memory_space<vmem>>, vector<16xf32>,
        %parallel_loop3A_295 = arith.index_cast %parallel_loop3A_150 : i32 to index
        %parallel_loop3A_296 = arith.constant 384 : index
        %parallel_loop3A_297 = tpu.vector_load %arg13[%parallel_loop3A_295, %parallel_loop3A_296] {strides = array<i32>} : memref<32x768xf32, #tpu.memory_space<vmem>>, vector<16xf32>,
        %parallel_loop3A_298 = arith.index_cast %parallel_loop3A_150 : i32 to index
        %parallel_loop3A_299 = arith.constant 384 : index
        %parallel_loop3A_300 = tpu.vector_load %arg11[%parallel_loop3A_298, %parallel_loop3A_299] {strides = array<i32>} : memref<32x768xf32, #tpu.memory_space<vmem>>, vector<16xf32>,
        tpu.vector_store %arg11[%parallel_loop3A_298, %parallel_loop3A_299], %parallel_loop3A_297 {add = true, strides = array<i32>} : memref<32x768xf32, #tpu.memory_space<vmem>>, vector<16xf32>,
        %parallel_loop3A_301 = arith.index_cast %parallel_loop3A_150 : i32 to index
        %parallel_loop3A_302 = arith.constant 400 : index
        %parallel_loop3A_303 = tpu.vector_load %arg13[%parallel_loop3A_301, %parallel_loop3A_302] {strides = array<i32>} : memref<32x768xf32, #tpu.memory_space<vmem>>, vector<16xf32>,
        %parallel_loop3A_304 = arith.index_cast %parallel_loop3A_150 : i32 to index
        %parallel_loop3A_305 = arith.constant 400 : index
        %parallel_loop3A_306 = tpu.vector_load %arg11[%parallel_loop3A_304, %parallel_loop3A_305] {strides = array<i32>} : memref<32x768xf32, #tpu.memory_space<vmem>>, vector<16xf32>,
        tpu.vector_store %arg11[%parallel_loop3A_304, %parallel_loop3A_305], %parallel_loop3A_303 {add = true, strides = array<i32>} : memref<32x768xf32, #tpu.memory_space<vmem>>, vector<16xf32>,
        %parallel_loop3A_307 = arith.index_cast %parallel_loop3A_150 : i32 to index
        %parallel_loop3A_308 = arith.constant 416 : index
        %parallel_loop3A_309 = tpu.vector_load %arg13[%parallel_loop3A_307, %parallel_loop3A_308] {strides = array<i32>} : memref<32x768xf32, #tpu.memory_space<vmem>>, vector<16xf32>,
        %parallel_loop3A_310 = arith.index_cast %parallel_loop3A_150 : i32 to index
        %parallel_loop3A_311 = arith.constant 416 : index
        %parallel_loop3A_312 = tpu.vector_load %arg11[%parallel_loop3A_310, %parallel_loop3A_311] {strides = array<i32>} : memref<32x768xf32, #tpu.memory_space<vmem>>, vector<16xf32>,
        tpu.vector_store %arg11[%parallel_loop3A_310, %parallel_loop3A_311], %parallel_loop3A_309 {add = true, strides = array<i32>} : memref<32x768xf32, #tpu.memory_space<vmem>>, vector<16xf32>,
        %parallel_loop3A_313 = arith.index_cast %parallel_loop3A_150 : i32 to index
        %parallel_loop3A_314 = arith.constant 432 : index
        %parallel_loop3A_315 = tpu.vector_load %arg13[%parallel_loop3A_313, %parallel_loop3A_314] {strides = array<i32>} : memref<32x768xf32, #tpu.memory_space<vmem>>, vector<16xf32>,
        %parallel_loop3A_316 = arith.index_cast %parallel_loop3A_150 : i32 to index
        %parallel_loop3A_317 = arith.constant 432 : index
        %parallel_loop3A_318 = tpu.vector_load %arg11[%parallel_loop3A_316, %parallel_loop3A_317] {strides = array<i32>} : memref<32x768xf32, #tpu.memory_space<vmem>>, vector<16xf32>,
        tpu.vector_store %arg11[%parallel_loop3A_316, %parallel_loop3A_317], %parallel_loop3A_315 {add = true, strides = array<i32>} : memref<32x768xf32, #tpu.memory_space<vmem>>, vector<16xf32>,
        %parallel_loop3A_319 = arith.index_cast %parallel_loop3A_150 : i32 to index
        %parallel_loop3A_320 = arith.constant 448 : index
        %parallel_loop3A_321 = tpu.vector_load %arg13[%parallel_loop3A_319, %parallel_loop3A_320] {strides = array<i32>} : memref<32x768xf32, #tpu.memory_space<vmem>>, vector<16xf32>,
        %parallel_loop3A_322 = arith.index_cast %parallel_loop3A_150 : i32 to index
        %parallel_loop3A_323 = arith.constant 448 : index
        %parallel_loop3A_324 = tpu.vector_load %arg11[%parallel_loop3A_322, %parallel_loop3A_323] {strides = array<i32>} : memref<32x768xf32, #tpu.memory_space<vmem>>, vector<16xf32>,
        tpu.vector_store %arg11[%parallel_loop3A_322, %parallel_loop3A_323], %parallel_loop3A_321 {add = true, strides = array<i32>} : memref<32x768xf32, #tpu.memory_space<vmem>>, vector<16xf32>,
        %parallel_loop3A_325 = arith.index_cast %parallel_loop3A_150 : i32 to index
        %parallel_loop3A_326 = arith.constant 464 : index
        %parallel_loop3A_327 = tpu.vector_load %arg13[%parallel_loop3A_325, %parallel_loop3A_326] {strides = array<i32>} : memref<32x768xf32, #tpu.memory_space<vmem>>, vector<16xf32>,
        %parallel_loop3A_328 = arith.index_cast %parallel_loop3A_150 : i32 to index
        %parallel_loop3A_329 = arith.constant 464 : index
        %parallel_loop3A_330 = tpu.vector_load %arg11[%parallel_loop3A_328, %parallel_loop3A_329] {strides = array<i32>} : memref<32x768xf32, #tpu.memory_space<vmem>>, vector<16xf32>,
        tpu.vector_store %arg11[%parallel_loop3A_328, %parallel_loop3A_329], %parallel_loop3A_327 {add = true, strides = array<i32>} : memref<32x768xf32, #tpu.memory_space<vmem>>, vector<16xf32>,
        %parallel_loop3A_331 = arith.index_cast %parallel_loop3A_150 : i32 to index
        %parallel_loop3A_332 = arith.constant 480 : index
        %parallel_loop3A_333 = tpu.vector_load %arg13[%parallel_loop3A_331, %parallel_loop3A_332] {strides = array<i32>} : memref<32x768xf32, #tpu.memory_space<vmem>>, vector<16xf32>,
        %parallel_loop3A_334 = arith.index_cast %parallel_loop3A_150 : i32 to index
        %parallel_loop3A_335 = arith.constant 480 : index
        %parallel_loop3A_336 = tpu.vector_load %arg11[%parallel_loop3A_334, %parallel_loop3A_335] {strides = array<i32>} : memref<32x768xf32, #tpu.memory_space<vmem>>, vector<16xf32>,
        tpu.vector_store %arg11[%parallel_loop3A_334, %parallel_loop3A_335], %parallel_loop3A_333 {add = true, strides = array<i32>} : memref<32x768xf32, #tpu.memory_space<vmem>>, vector<16xf32>,
        %parallel_loop3A_337 = arith.index_cast %parallel_loop3A_150 : i32 to index
        %parallel_loop3A_338 = arith.constant 496 : index
        %parallel_loop3A_339 = tpu.vector_load %arg13[%parallel_loop3A_337, %parallel_loop3A_338] {strides = array<i32>} : memref<32x768xf32, #tpu.memory_space<vmem>>, vector<16xf32>,
        %parallel_loop3A_340 = arith.index_cast %parallel_loop3A_150 : i32 to index
        %parallel_loop3A_341 = arith.constant 496 : index
        %parallel_loop3A_342 = tpu.vector_load %arg11[%parallel_loop3A_340, %parallel_loop3A_341] {strides = array<i32>} : memref<32x768xf32, #tpu.memory_space<vmem>>, vector<16xf32>,
        tpu.vector_store %arg11[%parallel_loop3A_340, %parallel_loop3A_341], %parallel_loop3A_339 {add = true, strides = array<i32>} : memref<32x768xf32, #tpu.memory_space<vmem>>, vector<16xf32>,
        %parallel_loop3A_343 = arith.index_cast %parallel_loop3A_150 : i32 to index
        %parallel_loop3A_344 = arith.constant 512 : index
        %parallel_loop3A_345 = tpu.vector_load %arg13[%parallel_loop3A_343, %parallel_loop3A_344] {strides = array<i32>} : memref<32x768xf32, #tpu.memory_space<vmem>>, vector<16xf32>,
        %parallel_loop3A_346 = arith.index_cast %parallel_loop3A_150 : i32 to index
        %parallel_loop3A_347 = arith.constant 512 : index
        %parallel_loop3A_348 = tpu.vector_load %arg11[%parallel_loop3A_346, %parallel_loop3A_347] {strides = array<i32>} : memref<32x768xf32, #tpu.memory_space<vmem>>, vector<16xf32>,
        tpu.vector_store %arg11[%parallel_loop3A_346, %parallel_loop3A_347], %parallel_loop3A_345 {add = true, strides = array<i32>} : memref<32x768xf32, #tpu.memory_space<vmem>>, vector<16xf32>,
        %parallel_loop3A_349 = arith.index_cast %parallel_loop3A_150 : i32 to index
        %parallel_loop3A_350 = arith.constant 528 : index
        %parallel_loop3A_351 = tpu.vector_load %arg13[%parallel_loop3A_349, %parallel_loop3A_350] {strides = array<i32>} : memref<32x768xf32, #tpu.memory_space<vmem>>, vector<16xf32>,
        %parallel_loop3A_352 = arith.index_cast %parallel_loop3A_150 : i32 to index
        %parallel_loop3A_353 = arith.constant 528 : index
        %parallel_loop3A_354 = tpu.vector_load %arg11[%parallel_loop3A_352, %parallel_loop3A_353] {strides = array<i32>} : memref<32x768xf32, #tpu.memory_space<vmem>>, vector<16xf32>,
        tpu.vector_store %arg11[%parallel_loop3A_352, %parallel_loop3A_353], %parallel_loop3A_351 {add = true, strides = array<i32>} : memref<32x768xf32, #tpu.memory_space<vmem>>, vector<16xf32>,
        %parallel_loop3A_355 = arith.index_cast %parallel_loop3A_150 : i32 to index
        %parallel_loop3A_356 = arith.constant 544 : index
        %parallel_loop3A_357 = tpu.vector_load %arg13[%parallel_loop3A_355, %parallel_loop3A_356] {strides = array<i32>} : memref<32x768xf32, #tpu.memory_space<vmem>>, vector<16xf32>,
        %parallel_loop3A_358 = arith.index_cast %parallel_loop3A_150 : i32 to index
        %parallel_loop3A_359 = arith.constant 544 : index
        %parallel_loop3A_360 = tpu.vector_load %arg11[%parallel_loop3A_358, %parallel_loop3A_359] {strides = array<i32>} : memref<32x768xf32, #tpu.memory_space<vmem>>, vector<16xf32>,
        tpu.vector_store %arg11[%parallel_loop3A_358, %parallel_loop3A_359], %parallel_loop3A_357 {add = true, strides = array<i32>} : memref<32x768xf32, #tpu.memory_space<vmem>>, vector<16xf32>,
        %parallel_loop3A_361 = arith.index_cast %parallel_loop3A_150 : i32 to index
        %parallel_loop3A_362 = arith.constant 560 : index
        %parallel_loop3A_363 = tpu.vector_load %arg13[%parallel_loop3A_361, %parallel_loop3A_362] {strides = array<i32>} : memref<32x768xf32, #tpu.memory_space<vmem>>, vector<16xf32>,
        %parallel_loop3A_364 = arith.index_cast %parallel_loop3A_150 : i32 to index
        %parallel_loop3A_365 = arith.constant 560 : index
        %parallel_loop3A_366 = tpu.vector_load %arg11[%parallel_loop3A_364, %parallel_loop3A_365] {strides = array<i32>} : memref<32x768xf32, #tpu.memory_space<vmem>>, vector<16xf32>,
        tpu.vector_store %arg11[%parallel_loop3A_364, %parallel_loop3A_365], %parallel_loop3A_363 {add = true, strides = array<i32>} : memref<32x768xf32, #tpu.memory_space<vmem>>, vector<16xf32>,
        %parallel_loop3A_367 = arith.index_cast %parallel_loop3A_150 : i32 to index
        %parallel_loop3A_368 = arith.constant 576 : index
        %parallel_loop3A_369 = tpu.vector_load %arg13[%parallel_loop3A_367, %parallel_loop3A_368] {strides = array<i32>} : memref<32x768xf32, #tpu.memory_space<vmem>>, vector<16xf32>,
        %parallel_loop3A_370 = arith.index_cast %parallel_loop3A_150 : i32 to index
        %parallel_loop3A_371 = arith.constant 576 : index
        %parallel_loop3A_372 = tpu.vector_load %arg11[%parallel_loop3A_370, %parallel_loop3A_371] {strides = array<i32>} : memref<32x768xf32, #tpu.memory_space<vmem>>, vector<16xf32>,
        tpu.vector_store %arg11[%parallel_loop3A_370, %parallel_loop3A_371], %parallel_loop3A_369 {add = true, strides = array<i32>} : memref<32x768xf32, #tpu.memory_space<vmem>>, vector<16xf32>,
        %parallel_loop3A_373 = arith.index_cast %parallel_loop3A_150 : i32 to index
        %parallel_loop3A_374 = arith.constant 592 : index
        %parallel_loop3A_375 = tpu.vector_load %arg13[%parallel_loop3A_373, %parallel_loop3A_374] {strides = array<i32>} : memref<32x768xf32, #tpu.memory_space<vmem>>, vector<16xf32>,
        %parallel_loop3A_376 = arith.index_cast %parallel_loop3A_150 : i32 to index
        %parallel_loop3A_377 = arith.constant 592 : index
        %parallel_loop3A_378 = tpu.vector_load %arg11[%parallel_loop3A_376, %parallel_loop3A_377] {strides = array<i32>} : memref<32x768xf32, #tpu.memory_space<vmem>>, vector<16xf32>,
        tpu.vector_store %arg11[%parallel_loop3A_376, %parallel_loop3A_377], %parallel_loop3A_375 {add = true, strides = array<i32>} : memref<32x768xf32, #tpu.memory_space<vmem>>, vector<16xf32>,
        %parallel_loop3A_379 = arith.index_cast %parallel_loop3A_150 : i32 to index
        %parallel_loop3A_380 = arith.constant 608 : index
        %parallel_loop3A_381 = tpu.vector_load %arg13[%parallel_loop3A_379, %parallel_loop3A_380] {strides = array<i32>} : memref<32x768xf32, #tpu.memory_space<vmem>>, vector<16xf32>,
        %parallel_loop3A_382 = arith.index_cast %parallel_loop3A_150 : i32 to index
        %parallel_loop3A_383 = arith.constant 608 : index
        %parallel_loop3A_384 = tpu.vector_load %arg11[%parallel_loop3A_382, %parallel_loop3A_383] {strides = array<i32>} : memref<32x768xf32, #tpu.memory_space<vmem>>, vector<16xf32>,
        tpu.vector_store %arg11[%parallel_loop3A_382, %parallel_loop3A_383], %parallel_loop3A_381 {add = true, strides = array<i32>} : memref<32x768xf32, #tpu.memory_space<vmem>>, vector<16xf32>,
        %parallel_loop3A_385 = arith.index_cast %parallel_loop3A_150 : i32 to index
        %parallel_loop3A_386 = arith.constant 624 : index
        %parallel_loop3A_387 = tpu.vector_load %arg13[%parallel_loop3A_385, %parallel_loop3A_386] {strides = array<i32>} : memref<32x768xf32, #tpu.memory_space<vmem>>, vector<16xf32>,
        %parallel_loop3A_388 = arith.index_cast %parallel_loop3A_150 : i32 to index
        %parallel_loop3A_389 = arith.constant 624 : index
        %parallel_loop3A_390 = tpu.vector_load %arg11[%parallel_loop3A_388, %parallel_loop3A_389] {strides = array<i32>} : memref<32x768xf32, #tpu.memory_space<vmem>>, vector<16xf32>,
        tpu.vector_store %arg11[%parallel_loop3A_388, %parallel_loop3A_389], %parallel_loop3A_387 {add = true, strides = array<i32>} : memref<32x768xf32, #tpu.memory_space<vmem>>, vector<16xf32>,
        %parallel_loop3A_391 = arith.index_cast %parallel_loop3A_150 : i32 to index
        %parallel_loop3A_392 = arith.constant 640 : index
        %parallel_loop3A_393 = tpu.vector_load %arg13[%parallel_loop3A_391, %parallel_loop3A_392] {strides = array<i32>} : memref<32x768xf32, #tpu.memory_space<vmem>>, vector<16xf32>,
        %parallel_loop3A_394 = arith.index_cast %parallel_loop3A_150 : i32 to index
        %parallel_loop3A_395 = arith.constant 640 : index
        %parallel_loop3A_396 = tpu.vector_load %arg11[%parallel_loop3A_394, %parallel_loop3A_395] {strides = array<i32>} : memref<32x768xf32, #tpu.memory_space<vmem>>, vector<16xf32>,
        tpu.vector_store %arg11[%parallel_loop3A_394, %parallel_loop3A_395], %parallel_loop3A_393 {add = true, strides = array<i32>} : memref<32x768xf32, #tpu.memory_space<vmem>>, vector<16xf32>,
        %parallel_loop3A_397 = arith.index_cast %parallel_loop3A_150 : i32 to index
        %parallel_loop3A_398 = arith.constant 656 : index
        %parallel_loop3A_399 = tpu.vector_load %arg13[%parallel_loop3A_397, %parallel_loop3A_398] {strides = array<i32>} : memref<32x768xf32, #tpu.memory_space<vmem>>, vector<16xf32>,
        %parallel_loop3A_400 = arith.index_cast %parallel_loop3A_150 : i32 to index
        %parallel_loop3A_401 = arith.constant 656 : index
        %parallel_loop3A_402 = tpu.vector_load %arg11[%parallel_loop3A_400, %parallel_loop3A_401] {strides = array<i32>} : memref<32x768xf32, #tpu.memory_space<vmem>>, vector<16xf32>,
        tpu.vector_store %arg11[%parallel_loop3A_400, %parallel_loop3A_401], %parallel_loop3A_399 {add = true, strides = array<i32>} : memref<32x768xf32, #tpu.memory_space<vmem>>, vector<16xf32>,
        %parallel_loop3A_403 = arith.index_cast %parallel_loop3A_150 : i32 to index
        %parallel_loop3A_404 = arith.constant 672 : index
        %parallel_loop3A_405 = tpu.vector_load %arg13[%parallel_loop3A_403, %parallel_loop3A_404] {strides = array<i32>} : memref<32x768xf32, #tpu.memory_space<vmem>>, vector<16xf32>,
        %parallel_loop3A_406 = arith.index_cast %parallel_loop3A_150 : i32 to index
        %parallel_loop3A_407 = arith.constant 672 : index
        %parallel_loop3A_408 = tpu.vector_load %arg11[%parallel_loop3A_406, %parallel_loop3A_407] {strides = array<i32>} : memref<32x768xf32, #tpu.memory_space<vmem>>, vector<16xf32>,
        tpu.vector_store %arg11[%parallel_loop3A_406, %parallel_loop3A_407], %parallel_loop3A_405 {add = true, strides = array<i32>} : memref<32x768xf32, #tpu.memory_space<vmem>>, vector<16xf32>,
        %parallel_loop3A_409 = arith.index_cast %parallel_loop3A_150 : i32 to index
        %parallel_loop3A_410 = arith.constant 688 : index
        %parallel_loop3A_411 = tpu.vector_load %arg13[%parallel_loop3A_409, %parallel_loop3A_410] {strides = array<i32>} : memref<32x768xf32, #tpu.memory_space<vmem>>, vector<16xf32>,
        %parallel_loop3A_412 = arith.index_cast %parallel_loop3A_150 : i32 to index
        %parallel_loop3A_413 = arith.constant 688 : index
        %parallel_loop3A_414 = tpu.vector_load %arg11[%parallel_loop3A_412, %parallel_loop3A_413] {strides = array<i32>} : memref<32x768xf32, #tpu.memory_space<vmem>>, vector<16xf32>,
        tpu.vector_store %arg11[%parallel_loop3A_412, %parallel_loop3A_413], %parallel_loop3A_411 {add = true, strides = array<i32>} : memref<32x768xf32, #tpu.memory_space<vmem>>, vector<16xf32>,
        %parallel_loop3A_415 = arith.index_cast %parallel_loop3A_150 : i32 to index
        %parallel_loop3A_416 = arith.constant 704 : index
        %parallel_loop3A_417 = tpu.vector_load %arg13[%parallel_loop3A_415, %parallel_loop3A_416] {strides = array<i32>} : memref<32x768xf32, #tpu.memory_space<vmem>>, vector<16xf32>,
        %parallel_loop3A_418 = arith.index_cast %parallel_loop3A_150 : i32 to index
        %parallel_loop3A_419 = arith.constant 704 : index
        %parallel_loop3A_420 = tpu.vector_load %arg11[%parallel_loop3A_418, %parallel_loop3A_419] {strides = array<i32>} : memref<32x768xf32, #tpu.memory_space<vmem>>, vector<16xf32>,
        tpu.vector_store %arg11[%parallel_loop3A_418, %parallel_loop3A_419], %parallel_loop3A_417 {add = true, strides = array<i32>} : memref<32x768xf32, #tpu.memory_space<vmem>>, vector<16xf32>,
        %parallel_loop3A_421 = arith.index_cast %parallel_loop3A_150 : i32 to index
        %parallel_loop3A_422 = arith.constant 720 : index
        %parallel_loop3A_423 = tpu.vector_load %arg13[%parallel_loop3A_421, %parallel_loop3A_422] {strides = array<i32>} : memref<32x768xf32, #tpu.memory_space<vmem>>, vector<16xf32>,
        %parallel_loop3A_424 = arith.index_cast %parallel_loop3A_150 : i32 to index
        %parallel_loop3A_425 = arith.constant 720 : index
        %parallel_loop3A_426 = tpu.vector_load %arg11[%parallel_loop3A_424, %parallel_loop3A_425] {strides = array<i32>} : memref<32x768xf32, #tpu.memory_space<vmem>>, vector<16xf32>,
        tpu.vector_store %arg11[%parallel_loop3A_424, %parallel_loop3A_425], %parallel_loop3A_423 {add = true, strides = array<i32>} : memref<32x768xf32, #tpu.memory_space<vmem>>, vector<16xf32>,
        %parallel_loop3A_427 = arith.index_cast %parallel_loop3A_150 : i32 to index
        %parallel_loop3A_428 = arith.constant 736 : index
        %parallel_loop3A_429 = tpu.vector_load %arg13[%parallel_loop3A_427, %parallel_loop3A_428] {strides = array<i32>} : memref<32x768xf32, #tpu.memory_space<vmem>>, vector<16xf32>,
        %parallel_loop3A_430 = arith.index_cast %parallel_loop3A_150 : i32 to index
        %parallel_loop3A_431 = arith.constant 736 : index
        %parallel_loop3A_432 = tpu.vector_load %arg11[%parallel_loop3A_430, %parallel_loop3A_431] {strides = array<i32>} : memref<32x768xf32, #tpu.memory_space<vmem>>, vector<16xf32>,
        tpu.vector_store %arg11[%parallel_loop3A_430, %parallel_loop3A_431], %parallel_loop3A_429 {add = true, strides = array<i32>} : memref<32x768xf32, #tpu.memory_space<vmem>>, vector<16xf32>,
        %parallel_loop3A_433 = arith.index_cast %parallel_loop3A_150 : i32 to index
        %parallel_loop3A_434 = arith.constant 752 : index
        %parallel_loop3A_435 = tpu.vector_load %arg13[%parallel_loop3A_433, %parallel_loop3A_434] {strides = array<i32>} : memref<32x768xf32, #tpu.memory_space<vmem>>, vector<16xf32>,
        %parallel_loop3A_436 = arith.index_cast %parallel_loop3A_150 : i32 to index
        %parallel_loop3A_437 = arith.constant 752 : index
        %parallel_loop3A_438 = tpu.vector_load %arg11[%parallel_loop3A_436, %parallel_loop3A_437] {strides = array<i32>} : memref<32x768xf32, #tpu.memory_space<vmem>>, vector<16xf32>,
        tpu.vector_store %arg11[%parallel_loop3A_436, %parallel_loop3A_437], %parallel_loop3A_435 {add = true, strides = array<i32>} : memref<32x768xf32, #tpu.memory_space<vmem>>, vector<16xf32>,
      } {sc.loop_unroll_factor = 1 : i64, sc.parallel_access}
      %mul3A_142 = arith.constant 32 : i32
      %mul3A_143 = arith.muli %add3A_112, %mul3A_142 : i32
      %add3A_144 = arith.addi %mul3A_2, %mul3A_143 : i32
      %dma_start3A_145 = arith.constant 0 : i32
      %dma_start3A_146 = tpu.memref_slice %arg6[%add3A_144, %dma_start3A_145] : memref<8192x768xf32, #tpu.memory_space<hbm>> -> memref<32x768xf32, #tpu.memory_space<hbm>>
      %dma_start3A_147 = arith.constant 0 : i32
      %dma_start3A_148 = tpu.memref_slice %arg6[%add3A_144, %dma_start3A_147] : memref<8192x768xf32, #tpu.memory_space<hbm>> -> memref<32x768xf32, #tpu.memory_space<hbm>>
      tpu.enqueue_dma source(%arg11 : memref<32x768xf32, #tpu.memory_space<vmem>>) target(%dma_start3A_148 : memref<32x768xf32, #tpu.memory_space<hbm>>) target_semaphore(%arg17 : memref<!tpu.dma_semaphore, #tpu.memory_space<semaphore_mem>>)
      %scan3A_149 = arith.constant 0 : i32
      scf.yield %scan3A_149 : i32
    }
    %scan3A_36 = arith.constant 3 : i32
    %dma_wait3A_37 = arith.constant 0 : i32
    %dma_wait3A_38 = arith.constant 0 : i32
    %dma_wait3A_39 = tpu.memref_slice %arg2[%dma_wait3A_37, %dma_wait3A_38] : memref<100000x768xf32, #tpu.memory_space<hbm>> -> memref<100000x768xf32, #tpu.memory_space<hbm>>
    tpu.wait_indirect_dma semaphore(%arg16 : memref<!tpu.dma_semaphore, #tpu.memory_space<semaphore_mem>>) src(%dma_wait3A_39 : memref<100000x768xf32, #tpu.memory_space<hbm>>) dst(%arg12 : memref<32x768xf32, #tpu.memory_space<vmem>>)
    %dma_wait3A_40 = arith.constant 0 : i32
    %dma_wait3A_41 = arith.constant 0 : i32
    %dma_wait3A_42 = tpu.memref_slice %arg3[%dma_wait3A_40, %dma_wait3A_41] : memref<2048x768xf32, #tpu.memory_space<hbm>> -> memref<2048x768xf32, #tpu.memory_space<hbm>>
    tpu.wait_indirect_dma semaphore(%arg16 : memref<!tpu.dma_semaphore, #tpu.memory_space<semaphore_mem>>) src(%dma_wait3A_42 : memref<2048x768xf32, #tpu.memory_space<hbm>>) dst(%arg14 : memref<32x768xf32, #tpu.memory_space<vmem>>)
    %parallel_loop3A_43 = arith.constant 0 : i32
    %parallel_loop3A_44 = arith.constant 32 : i32
    %parallel_loop3A_45 = arith.constant 1 : i32
    scf.for %parallel_loop3A_64 = %parallel_loop3A_43 to %parallel_loop3A_44 step %parallel_loop3A_45  : i32 {
      %parallel_loop3A_65 = arith.index_cast %parallel_loop3A_64 : i32 to index
      %parallel_loop3A_66 = arith.constant 0 : index
      %parallel_loop3A_67 = tpu.vector_load %arg14[%parallel_loop3A_65, %parallel_loop3A_66] {strides = array<i32>} : memref<32x768xf32, #tpu.memory_space<vmem>>, vector<16xf32>,
      %parallel_loop3A_68 = arith.index_cast %parallel_loop3A_64 : i32 to index
      %parallel_loop3A_69 = arith.constant 0 : index
      %parallel_loop3A_70 = tpu.vector_load %arg12[%parallel_loop3A_68, %parallel_loop3A_69] {strides = array<i32>} : memref<32x768xf32, #tpu.memory_space<vmem>>, vector<16xf32>,
      tpu.vector_store %arg12[%parallel_loop3A_68, %parallel_loop3A_69], %parallel_loop3A_67 {add = true, strides = array<i32>} : memref<32x768xf32, #tpu.memory_space<vmem>>, vector<16xf32>,
      %parallel_loop3A_71 = arith.index_cast %parallel_loop3A_64 : i32 to index
      %parallel_loop3A_72 = arith.constant 16 : index
      %parallel_loop3A_73 = tpu.vector_load %arg14[%parallel_loop3A_71, %parallel_loop3A_72] {strides = array<i32>} : memref<32x768xf32, #tpu.memory_space<vmem>>, vector<16xf32>,
      %parallel_loop3A_74 = arith.index_cast %parallel_loop3A_64 : i32 to index
      %parallel_loop3A_75 = arith.constant 16 : index
      %parallel_loop3A_76 = tpu.vector_load %arg12[%parallel_loop3A_74, %parallel_loop3A_75] {strides = array<i32>} : memref<32x768xf32, #tpu.memory_space<vmem>>, vector<16xf32>,
      tpu.vector_store %arg12[%parallel_loop3A_74, %parallel_loop3A_75], %parallel_loop3A_73 {add = true, strides = array<i32>} : memref<32x768xf32, #tpu.memory_space<vmem>>, vector<16xf32>,
      %parallel_loop3A_77 = arith.index_cast %parallel_loop3A_64 : i32 to index
      %parallel_loop3A_78 = arith.constant 32 : index
      %parallel_loop3A_79 = tpu.vector_load %arg14[%parallel_loop3A_77, %parallel_loop3A_78] {strides = array<i32>} : memref<32x768xf32, #tpu.memory_space<vmem>>, vector<16xf32>,
      %parallel_loop3A_80 = arith.index_cast %parallel_loop3A_64 : i32 to index
      %parallel_loop3A_81 = arith.constant 32 : index
      %parallel_loop3A_82 = tpu.vector_load %arg12[%parallel_loop3A_80, %parallel_loop3A_81] {strides = array<i32>} : memref<32x768xf32, #tpu.memory_space<vmem>>, vector<16xf32>,
      tpu.vector_store %arg12[%parallel_loop3A_80, %parallel_loop3A_81], %parallel_loop3A_79 {add = true, strides = array<i32>} : memref<32x768xf32, #tpu.memory_space<vmem>>, vector<16xf32>,
      %parallel_loop3A_83 = arith.index_cast %parallel_loop3A_64 : i32 to index
      %parallel_loop3A_84 = arith.constant 48 : index
      %parallel_loop3A_85 = tpu.vector_load %arg14[%parallel_loop3A_83, %parallel_loop3A_84] {strides = array<i32>} : memref<32x768xf32, #tpu.memory_space<vmem>>, vector<16xf32>,
      %parallel_loop3A_86 = arith.index_cast %parallel_loop3A_64 : i32 to index
      %parallel_loop3A_87 = arith.constant 48 : index
      %parallel_loop3A_88 = tpu.vector_load %arg12[%parallel_loop3A_86, %parallel_loop3A_87] {strides = array<i32>} : memref<32x768xf32, #tpu.memory_space<vmem>>, vector<16xf32>,
      tpu.vector_store %arg12[%parallel_loop3A_86, %parallel_loop3A_87], %parallel_loop3A_85 {add = true, strides = array<i32>} : memref<32x768xf32, #tpu.memory_space<vmem>>, vector<16xf32>,
      %parallel_loop3A_89 = arith.index_cast %parallel_loop3A_64 : i32 to index
      %parallel_loop3A_90 = arith.constant 64 : index
      %parallel_loop3A_91 = tpu.vector_load %arg14[%parallel_loop3A_89, %parallel_loop3A_90] {strides = array<i32>} : memref<32x768xf32, #tpu.memory_space<vmem>>, vector<16xf32>,
      %parallel_loop3A_92 = arith.index_cast %parallel_loop3A_64 : i32 to index
      %parallel_loop3A_93 = arith.constant 64 : index
      %parallel_loop3A_94 = tpu.vector_load %arg12[%parallel_loop3A_92, %parallel_loop3A_93] {strides = array<i32>} : memref<32x768xf32, #tpu.memory_space<vmem>>, vector<16xf32>,
      tpu.vector_store %arg12[%parallel_loop3A_92, %parallel_loop3A_93], %parallel_loop3A_91 {add = true, strides = array<i32>} : memref<32x768xf32, #tpu.memory_space<vmem>>, vector<16xf32>,
      %parallel_loop3A_95 = arith.index_cast %parallel_loop3A_64 : i32 to index
      %parallel_loop3A_96 = arith.constant 80 : index
      %parallel_loop3A_97 = tpu.vector_load %arg14[%parallel_loop3A_95, %parallel_loop3A_96] {strides = array<i32>} : memref<32x768xf32, #tpu.memory_space<vmem>>, vector<16xf32>,
      %parallel_loop3A_98 = arith.index_cast %parallel_loop3A_64 : i32 to index
      %parallel_loop3A_99 = arith.constant 80 : index
      %parallel_loop3A_100 = tpu.vector_load %arg12[%parallel_loop3A_98, %parallel_loop3A_99] {strides = array<i32>} : memref<32x768xf32, #tpu.memory_space<vmem>>, vector<16xf32>,
      tpu.vector_store %arg12[%parallel_loop3A_98, %parallel_loop3A_99], %parallel_loop3A_97 {add = true, strides = array<i32>} : memref<32x768xf32, #tpu.memory_space<vmem>>, vector<16xf32>,
      %parallel_loop3A_101 = arith.index_cast %parallel_loop3A_64 : i32 to index
      %parallel_loop3A_102 = arith.constant 96 : index
      %parallel_loop3A_103 = tpu.vector_load %arg14[%parallel_loop3A_101, %parallel_loop3A_102] {strides = array<i32>} : memref<32x768xf32, #tpu.memory_space<vmem>>, vector<16xf32>,
      %parallel_loop3A_104 = arith.index_cast %parallel_loop3A_64 : i32 to index
      %parallel_loop3A_105 = arith.constant 96 : index
      %parallel_loop3A_106 = tpu.vector_load %arg12[%parallel_loop3A_104, %parallel_loop3A_105] {strides = array<i32>} : memref<32x768xf32, #tpu.memory_space<vmem>>, vector<16xf32>,
      tpu.vector_store %arg12[%parallel_loop3A_104, %parallel_loop3A_105], %parallel_loop3A_103 {add = true, strides = array<i32>} : memref<32x768xf32, #tpu.memory_space<vmem>>, vector<16xf32>,
      %parallel_loop3A_107 = arith.index_cast %parallel_loop3A_64 : i32 to index
      %parallel_loop3A_108 = arith.constant 112 : index
      %parallel_loop3A_109 = tpu.vector_load %arg14[%parallel_loop3A_107, %parallel_loop3A_108] {strides = array<i32>} : memref<32x768xf32, #tpu.memory_space<vmem>>, vector<16xf32>,
      %parallel_loop3A_110 = arith.index_cast %parallel_loop3A_64 : i32 to index
      %parallel_loop3A_111 = arith.constant 112 : index
      %parallel_loop3A_112 = tpu.vector_load %arg12[%parallel_loop3A_110, %parallel_loop3A_111] {strides = array<i32>} : memref<32x768xf32, #tpu.memory_space<vmem>>, vector<16xf32>,
      tpu.vector_store %arg12[%parallel_loop3A_110, %parallel_loop3A_111], %parallel_loop3A_109 {add = true, strides = array<i32>} : memref<32x768xf32, #tpu.memory_space<vmem>>, vector<16xf32>,
      %parallel_loop3A_113 = arith.index_cast %parallel_loop3A_64 : i32 to index
      %parallel_loop3A_114 = arith.constant 128 : index
      %parallel_loop3A_115 = tpu.vector_load %arg14[%parallel_loop3A_113, %parallel_loop3A_114] {strides = array<i32>} : memref<32x768xf32, #tpu.memory_space<vmem>>, vector<16xf32>,
      %parallel_loop3A_116 = arith.index_cast %parallel_loop3A_64 : i32 to index
      %parallel_loop3A_117 = arith.constant 128 : index
      %parallel_loop3A_118 = tpu.vector_load %arg12[%parallel_loop3A_116, %parallel_loop3A_117] {strides = array<i32>} : memref<32x768xf32, #tpu.memory_space<vmem>>, vector<16xf32>,
      tpu.vector_store %arg12[%parallel_loop3A_116, %parallel_loop3A_117], %parallel_loop3A_115 {add = true, strides = array<i32>} : memref<32x768xf32, #tpu.memory_space<vmem>>, vector<16xf32>,
      %parallel_loop3A_119 = arith.index_cast %parallel_loop3A_64 : i32 to index
      %parallel_loop3A_120 = arith.constant 144 : index
      %parallel_loop3A_121 = tpu.vector_load %arg14[%parallel_loop3A_119, %parallel_loop3A_120] {strides = array<i32>} : memref<32x768xf32, #tpu.memory_space<vmem>>, vector<16xf32>,
      %parallel_loop3A_122 = arith.index_cast %parallel_loop3A_64 : i32 to index
      %parallel_loop3A_123 = arith.constant 144 : index
      %parallel_loop3A_124 = tpu.vector_load %arg12[%parallel_loop3A_122, %parallel_loop3A_123] {strides = array<i32>} : memref<32x768xf32, #tpu.memory_space<vmem>>, vector<16xf32>,
      tpu.vector_store %arg12[%parallel_loop3A_122, %parallel_loop3A_123], %parallel_loop3A_121 {add = true, strides = array<i32>} : memref<32x768xf32, #tpu.memory_space<vmem>>, vector<16xf32>,
      %parallel_loop3A_125 = arith.index_cast %parallel_loop3A_64 : i32 to index
      %parallel_loop3A_126 = arith.constant 160 : index
      %parallel_loop3A_127 = tpu.vector_load %arg14[%parallel_loop3A_125, %parallel_loop3A_126] {strides = array<i32>} : memref<32x768xf32, #tpu.memory_space<vmem>>, vector<16xf32>,
      %parallel_loop3A_128 = arith.index_cast %parallel_loop3A_64 : i32 to index
      %parallel_loop3A_129 = arith.constant 160 : index
      %parallel_loop3A_130 = tpu.vector_load %arg12[%parallel_loop3A_128, %parallel_loop3A_129] {strides = array<i32>} : memref<32x768xf32, #tpu.memory_space<vmem>>, vector<16xf32>,
      tpu.vector_store %arg12[%parallel_loop3A_128, %parallel_loop3A_129], %parallel_loop3A_127 {add = true, strides = array<i32>} : memref<32x768xf32, #tpu.memory_space<vmem>>, vector<16xf32>,
      %parallel_loop3A_131 = arith.index_cast %parallel_loop3A_64 : i32 to index
      %parallel_loop3A_132 = arith.constant 176 : index
      %parallel_loop3A_133 = tpu.vector_load %arg14[%parallel_loop3A_131, %parallel_loop3A_132] {strides = array<i32>} : memref<32x768xf32, #tpu.memory_space<vmem>>, vector<16xf32>,
      %parallel_loop3A_134 = arith.index_cast %parallel_loop3A_64 : i32 to index
      %parallel_loop3A_135 = arith.constant 176 : index
      %parallel_loop3A_136 = tpu.vector_load %arg12[%parallel_loop3A_134, %parallel_loop3A_135] {strides = array<i32>} : memref<32x768xf32, #tpu.memory_space<vmem>>, vector<16xf32>,
      tpu.vector_store %arg12[%parallel_loop3A_134, %parallel_loop3A_135], %parallel_loop3A_133 {add = true, strides = array<i32>} : memref<32x768xf32, #tpu.memory_space<vmem>>, vector<16xf32>,
      %parallel_loop3A_137 = arith.index_cast %parallel_loop3A_64 : i32 to index
      %parallel_loop3A_138 = arith.constant 192 : index
      %parallel_loop3A_139 = tpu.vector_load %arg14[%parallel_loop3A_137, %parallel_loop3A_138] {strides = array<i32>} : memref<32x768xf32, #tpu.memory_space<vmem>>, vector<16xf32>,
      %parallel_loop3A_140 = arith.index_cast %parallel_loop3A_64 : i32 to index
      %parallel_loop3A_141 = arith.constant 192 : index
      %parallel_loop3A_142 = tpu.vector_load %arg12[%parallel_loop3A_140, %parallel_loop3A_141] {strides = array<i32>} : memref<32x768xf32, #tpu.memory_space<vmem>>, vector<16xf32>,
      tpu.vector_store %arg12[%parallel_loop3A_140, %parallel_loop3A_141], %parallel_loop3A_139 {add = true, strides = array<i32>} : memref<32x768xf32, #tpu.memory_space<vmem>>, vector<16xf32>,
      %parallel_loop3A_143 = arith.index_cast %parallel_loop3A_64 : i32 to index
      %parallel_loop3A_144 = arith.constant 208 : index
      %parallel_loop3A_145 = tpu.vector_load %arg14[%parallel_loop3A_143, %parallel_loop3A_144] {strides = array<i32>} : memref<32x768xf32, #tpu.memory_space<vmem>>, vector<16xf32>,
      %parallel_loop3A_146 = arith.index_cast %parallel_loop3A_64 : i32 to index
      %parallel_loop3A_147 = arith.constant 208 : index
      %parallel_loop3A_148 = tpu.vector_load %arg12[%parallel_loop3A_146, %parallel_loop3A_147] {strides = array<i32>} : memref<32x768xf32, #tpu.memory_space<vmem>>, vector<16xf32>,
      tpu.vector_store %arg12[%parallel_loop3A_146, %parallel_loop3A_147], %parallel_loop3A_145 {add = true, strides = array<i32>} : memref<32x768xf32, #tpu.memory_space<vmem>>, vector<16xf32>,
      %parallel_loop3A_149 = arith.index_cast %parallel_loop3A_64 : i32 to index
      %parallel_loop3A_150 = arith.constant 224 : index
      %parallel_loop3A_151 = tpu.vector_load %arg14[%parallel_loop3A_149, %parallel_loop3A_150] {strides = array<i32>} : memref<32x768xf32, #tpu.memory_space<vmem>>, vector<16xf32>,
      %parallel_loop3A_152 = arith.index_cast %parallel_loop3A_64 : i32 to index
      %parallel_loop3A_153 = arith.constant 224 : index
      %parallel_loop3A_154 = tpu.vector_load %arg12[%parallel_loop3A_152, %parallel_loop3A_153] {strides = array<i32>} : memref<32x768xf32, #tpu.memory_space<vmem>>, vector<16xf32>,
      tpu.vector_store %arg12[%parallel_loop3A_152, %parallel_loop3A_153], %parallel_loop3A_151 {add = true, strides = array<i32>} : memref<32x768xf32, #tpu.memory_space<vmem>>, vector<16xf32>,
      %parallel_loop3A_155 = arith.index_cast %parallel_loop3A_64 : i32 to index
      %parallel_loop3A_156 = arith.constant 240 : index
      %parallel_loop3A_157 = tpu.vector_load %arg14[%parallel_loop3A_155, %parallel_loop3A_156] {strides = array<i32>} : memref<32x768xf32, #tpu.memory_space<vmem>>, vector<16xf32>,
      %parallel_loop3A_158 = arith.index_cast %parallel_loop3A_64 : i32 to index
      %parallel_loop3A_159 = arith.constant 240 : index
      %parallel_loop3A_160 = tpu.vector_load %arg12[%parallel_loop3A_158, %parallel_loop3A_159] {strides = array<i32>} : memref<32x768xf32, #tpu.memory_space<vmem>>, vector<16xf32>,
      tpu.vector_store %arg12[%parallel_loop3A_158, %parallel_loop3A_159], %parallel_loop3A_157 {add = true, strides = array<i32>} : memref<32x768xf32, #tpu.memory_space<vmem>>, vector<16xf32>,
      %parallel_loop3A_161 = arith.index_cast %parallel_loop3A_64 : i32 to index
      %parallel_loop3A_162 = arith.constant 256 : index
      %parallel_loop3A_163 = tpu.vector_load %arg14[%parallel_loop3A_161, %parallel_loop3A_162] {strides = array<i32>} : memref<32x768xf32, #tpu.memory_space<vmem>>, vector<16xf32>,
      %parallel_loop3A_164 = arith.index_cast %parallel_loop3A_64 : i32 to index
      %parallel_loop3A_165 = arith.constant 256 : index
      %parallel_loop3A_166 = tpu.vector_load %arg12[%parallel_loop3A_164, %parallel_loop3A_165] {strides = array<i32>} : memref<32x768xf32, #tpu.memory_space<vmem>>, vector<16xf32>,
      tpu.vector_store %arg12[%parallel_loop3A_164, %parallel_loop3A_165], %parallel_loop3A_163 {add = true, strides = array<i32>} : memref<32x768xf32, #tpu.memory_space<vmem>>, vector<16xf32>,
      %parallel_loop3A_167 = arith.index_cast %parallel_loop3A_64 : i32 to index
      %parallel_loop3A_168 = arith.constant 272 : index
      %parallel_loop3A_169 = tpu.vector_load %arg14[%parallel_loop3A_167, %parallel_loop3A_168] {strides = array<i32>} : memref<32x768xf32, #tpu.memory_space<vmem>>, vector<16xf32>,
      %parallel_loop3A_170 = arith.index_cast %parallel_loop3A_64 : i32 to index
      %parallel_loop3A_171 = arith.constant 272 : index
      %parallel_loop3A_172 = tpu.vector_load %arg12[%parallel_loop3A_170, %parallel_loop3A_171] {strides = array<i32>} : memref<32x768xf32, #tpu.memory_space<vmem>>, vector<16xf32>,
      tpu.vector_store %arg12[%parallel_loop3A_170, %parallel_loop3A_171], %parallel_loop3A_169 {add = true, strides = array<i32>} : memref<32x768xf32, #tpu.memory_space<vmem>>, vector<16xf32>,
      %parallel_loop3A_173 = arith.index_cast %parallel_loop3A_64 : i32 to index
      %parallel_loop3A_174 = arith.constant 288 : index
      %parallel_loop3A_175 = tpu.vector_load %arg14[%parallel_loop3A_173, %parallel_loop3A_174] {strides = array<i32>} : memref<32x768xf32, #tpu.memory_space<vmem>>, vector<16xf32>,
      %parallel_loop3A_176 = arith.index_cast %parallel_loop3A_64 : i32 to index
      %parallel_loop3A_177 = arith.constant 288 : index
      %parallel_loop3A_178 = tpu.vector_load %arg12[%parallel_loop3A_176, %parallel_loop3A_177] {strides = array<i32>} : memref<32x768xf32, #tpu.memory_space<vmem>>, vector<16xf32>,
      tpu.vector_store %arg12[%parallel_loop3A_176, %parallel_loop3A_177], %parallel_loop3A_175 {add = true, strides = array<i32>} : memref<32x768xf32, #tpu.memory_space<vmem>>, vector<16xf32>,
      %parallel_loop3A_179 = arith.index_cast %parallel_loop3A_64 : i32 to index
      %parallel_loop3A_180 = arith.constant 304 : index
      %parallel_loop3A_181 = tpu.vector_load %arg14[%parallel_loop3A_179, %parallel_loop3A_180] {strides = array<i32>} : memref<32x768xf32, #tpu.memory_space<vmem>>, vector<16xf32>,
      %parallel_loop3A_182 = arith.index_cast %parallel_loop3A_64 : i32 to index
      %parallel_loop3A_183 = arith.constant 304 : index
      %parallel_loop3A_184 = tpu.vector_load %arg12[%parallel_loop3A_182, %parallel_loop3A_183] {strides = array<i32>} : memref<32x768xf32, #tpu.memory_space<vmem>>, vector<16xf32>,
      tpu.vector_store %arg12[%parallel_loop3A_182, %parallel_loop3A_183], %parallel_loop3A_181 {add = true, strides = array<i32>} : memref<32x768xf32, #tpu.memory_space<vmem>>, vector<16xf32>,
      %parallel_loop3A_185 = arith.index_cast %parallel_loop3A_64 : i32 to index
      %parallel_loop3A_186 = arith.constant 320 : index
      %parallel_loop3A_187 = tpu.vector_load %arg14[%parallel_loop3A_185, %parallel_loop3A_186] {strides = array<i32>} : memref<32x768xf32, #tpu.memory_space<vmem>>, vector<16xf32>,
      %parallel_loop3A_188 = arith.index_cast %parallel_loop3A_64 : i32 to index
      %parallel_loop3A_189 = arith.constant 320 : index
      %parallel_loop3A_190 = tpu.vector_load %arg12[%parallel_loop3A_188, %parallel_loop3A_189] {strides = array<i32>} : memref<32x768xf32, #tpu.memory_space<vmem>>, vector<16xf32>,
      tpu.vector_store %arg12[%parallel_loop3A_188, %parallel_loop3A_189], %parallel_loop3A_187 {add = true, strides = array<i32>} : memref<32x768xf32, #tpu.memory_space<vmem>>, vector<16xf32>,
      %parallel_loop3A_191 = arith.index_cast %parallel_loop3A_64 : i32 to index
      %parallel_loop3A_192 = arith.constant 336 : index
      %parallel_loop3A_193 = tpu.vector_load %arg14[%parallel_loop3A_191, %parallel_loop3A_192] {strides = array<i32>} : memref<32x768xf32, #tpu.memory_space<vmem>>, vector<16xf32>,
      %parallel_loop3A_194 = arith.index_cast %parallel_loop3A_64 : i32 to index
      %parallel_loop3A_195 = arith.constant 336 : index
      %parallel_loop3A_196 = tpu.vector_load %arg12[%parallel_loop3A_194, %parallel_loop3A_195] {strides = array<i32>} : memref<32x768xf32, #tpu.memory_space<vmem>>, vector<16xf32>,
      tpu.vector_store %arg12[%parallel_loop3A_194, %parallel_loop3A_195], %parallel_loop3A_193 {add = true, strides = array<i32>} : memref<32x768xf32, #tpu.memory_space<vmem>>, vector<16xf32>,
      %parallel_loop3A_197 = arith.index_cast %parallel_loop3A_64 : i32 to index
      %parallel_loop3A_198 = arith.constant 352 : index
      %parallel_loop3A_199 = tpu.vector_load %arg14[%parallel_loop3A_197, %parallel_loop3A_198] {strides = array<i32>} : memref<32x768xf32, #tpu.memory_space<vmem>>, vector<16xf32>,
      %parallel_loop3A_200 = arith.index_cast %parallel_loop3A_64 : i32 to index
      %parallel_loop3A_201 = arith.constant 352 : index
      %parallel_loop3A_202 = tpu.vector_load %arg12[%parallel_loop3A_200, %parallel_loop3A_201] {strides = array<i32>} : memref<32x768xf32, #tpu.memory_space<vmem>>, vector<16xf32>,
      tpu.vector_store %arg12[%parallel_loop3A_200, %parallel_loop3A_201], %parallel_loop3A_199 {add = true, strides = array<i32>} : memref<32x768xf32, #tpu.memory_space<vmem>>, vector<16xf32>,
      %parallel_loop3A_203 = arith.index_cast %parallel_loop3A_64 : i32 to index
      %parallel_loop3A_204 = arith.constant 368 : index
      %parallel_loop3A_205 = tpu.vector_load %arg14[%parallel_loop3A_203, %parallel_loop3A_204] {strides = array<i32>} : memref<32x768xf32, #tpu.memory_space<vmem>>, vector<16xf32>,
      %parallel_loop3A_206 = arith.index_cast %parallel_loop3A_64 : i32 to index
      %parallel_loop3A_207 = arith.constant 368 : index
      %parallel_loop3A_208 = tpu.vector_load %arg12[%parallel_loop3A_206, %parallel_loop3A_207] {strides = array<i32>} : memref<32x768xf32, #tpu.memory_space<vmem>>, vector<16xf32>,
      tpu.vector_store %arg12[%parallel_loop3A_206, %parallel_loop3A_207], %parallel_loop3A_205 {add = true, strides = array<i32>} : memref<32x768xf32, #tpu.memory_space<vmem>>, vector<16xf32>,
      %parallel_loop3A_209 = arith.index_cast %parallel_loop3A_64 : i32 to index
      %parallel_loop3A_210 = arith.constant 384 : index
      %parallel_loop3A_211 = tpu.vector_load %arg14[%parallel_loop3A_209, %parallel_loop3A_210] {strides = array<i32>} : memref<32x768xf32, #tpu.memory_space<vmem>>, vector<16xf32>,
      %parallel_loop3A_212 = arith.index_cast %parallel_loop3A_64 : i32 to index
      %parallel_loop3A_213 = arith.constant 384 : index
      %parallel_loop3A_214 = tpu.vector_load %arg12[%parallel_loop3A_212, %parallel_loop3A_213] {strides = array<i32>} : memref<32x768xf32, #tpu.memory_space<vmem>>, vector<16xf32>,
      tpu.vector_store %arg12[%parallel_loop3A_212, %parallel_loop3A_213], %parallel_loop3A_211 {add = true, strides = array<i32>} : memref<32x768xf32, #tpu.memory_space<vmem>>, vector<16xf32>,
      %parallel_loop3A_215 = arith.index_cast %parallel_loop3A_64 : i32 to index
      %parallel_loop3A_216 = arith.constant 400 : index
      %parallel_loop3A_217 = tpu.vector_load %arg14[%parallel_loop3A_215, %parallel_loop3A_216] {strides = array<i32>} : memref<32x768xf32, #tpu.memory_space<vmem>>, vector<16xf32>,
      %parallel_loop3A_218 = arith.index_cast %parallel_loop3A_64 : i32 to index
      %parallel_loop3A_219 = arith.constant 400 : index
      %parallel_loop3A_220 = tpu.vector_load %arg12[%parallel_loop3A_218, %parallel_loop3A_219] {strides = array<i32>} : memref<32x768xf32, #tpu.memory_space<vmem>>, vector<16xf32>,
      tpu.vector_store %arg12[%parallel_loop3A_218, %parallel_loop3A_219], %parallel_loop3A_217 {add = true, strides = array<i32>} : memref<32x768xf32, #tpu.memory_space<vmem>>, vector<16xf32>,
      %parallel_loop3A_221 = arith.index_cast %parallel_loop3A_64 : i32 to index
      %parallel_loop3A_222 = arith.constant 416 : index
      %parallel_loop3A_223 = tpu.vector_load %arg14[%parallel_loop3A_221, %parallel_loop3A_222] {strides = array<i32>} : memref<32x768xf32, #tpu.memory_space<vmem>>, vector<16xf32>,
      %parallel_loop3A_224 = arith.index_cast %parallel_loop3A_64 : i32 to index
      %parallel_loop3A_225 = arith.constant 416 : index
      %parallel_loop3A_226 = tpu.vector_load %arg12[%parallel_loop3A_224, %parallel_loop3A_225] {strides = array<i32>} : memref<32x768xf32, #tpu.memory_space<vmem>>, vector<16xf32>,
      tpu.vector_store %arg12[%parallel_loop3A_224, %parallel_loop3A_225], %parallel_loop3A_223 {add = true, strides = array<i32>} : memref<32x768xf32, #tpu.memory_space<vmem>>, vector<16xf32>,
      %parallel_loop3A_227 = arith.index_cast %parallel_loop3A_64 : i32 to index
      %parallel_loop3A_228 = arith.constant 432 : index
      %parallel_loop3A_229 = tpu.vector_load %arg14[%parallel_loop3A_227, %parallel_loop3A_228] {strides = array<i32>} : memref<32x768xf32, #tpu.memory_space<vmem>>, vector<16xf32>,
      %parallel_loop3A_230 = arith.index_cast %parallel_loop3A_64 : i32 to index
      %parallel_loop3A_231 = arith.constant 432 : index
      %parallel_loop3A_232 = tpu.vector_load %arg12[%parallel_loop3A_230, %parallel_loop3A_231] {strides = array<i32>} : memref<32x768xf32, #tpu.memory_space<vmem>>, vector<16xf32>,
      tpu.vector_store %arg12[%parallel_loop3A_230, %parallel_loop3A_231], %parallel_loop3A_229 {add = true, strides = array<i32>} : memref<32x768xf32, #tpu.memory_space<vmem>>, vector<16xf32>,
      %parallel_loop3A_233 = arith.index_cast %parallel_loop3A_64 : i32 to index
      %parallel_loop3A_234 = arith.constant 448 : index
      %parallel_loop3A_235 = tpu.vector_load %arg14[%parallel_loop3A_233, %parallel_loop3A_234] {strides = array<i32>} : memref<32x768xf32, #tpu.memory_space<vmem>>, vector<16xf32>,
      %parallel_loop3A_236 = arith.index_cast %parallel_loop3A_64 : i32 to index
      %parallel_loop3A_237 = arith.constant 448 : index
      %parallel_loop3A_238 = tpu.vector_load %arg12[%parallel_loop3A_236, %parallel_loop3A_237] {strides = array<i32>} : memref<32x768xf32, #tpu.memory_space<vmem>>, vector<16xf32>,
      tpu.vector_store %arg12[%parallel_loop3A_236, %parallel_loop3A_237], %parallel_loop3A_235 {add = true, strides = array<i32>} : memref<32x768xf32, #tpu.memory_space<vmem>>, vector<16xf32>,
      %parallel_loop3A_239 = arith.index_cast %parallel_loop3A_64 : i32 to index
      %parallel_loop3A_240 = arith.constant 464 : index
      %parallel_loop3A_241 = tpu.vector_load %arg14[%parallel_loop3A_239, %parallel_loop3A_240] {strides = array<i32>} : memref<32x768xf32, #tpu.memory_space<vmem>>, vector<16xf32>,
      %parallel_loop3A_242 = arith.index_cast %parallel_loop3A_64 : i32 to index
      %parallel_loop3A_243 = arith.constant 464 : index
      %parallel_loop3A_244 = tpu.vector_load %arg12[%parallel_loop3A_242, %parallel_loop3A_243] {strides = array<i32>} : memref<32x768xf32, #tpu.memory_space<vmem>>, vector<16xf32>,
      tpu.vector_store %arg12[%parallel_loop3A_242, %parallel_loop3A_243], %parallel_loop3A_241 {add = true, strides = array<i32>} : memref<32x768xf32, #tpu.memory_space<vmem>>, vector<16xf32>,
      %parallel_loop3A_245 = arith.index_cast %parallel_loop3A_64 : i32 to index
      %parallel_loop3A_246 = arith.constant 480 : index
      %parallel_loop3A_247 = tpu.vector_load %arg14[%parallel_loop3A_245, %parallel_loop3A_246] {strides = array<i32>} : memref<32x768xf32, #tpu.memory_space<vmem>>, vector<16xf32>,
      %parallel_loop3A_248 = arith.index_cast %parallel_loop3A_64 : i32 to index
      %parallel_loop3A_249 = arith.constant 480 : index
      %parallel_loop3A_250 = tpu.vector_load %arg12[%parallel_loop3A_248, %parallel_loop3A_249] {strides = array<i32>} : memref<32x768xf32, #tpu.memory_space<vmem>>, vector<16xf32>,
      tpu.vector_store %arg12[%parallel_loop3A_248, %parallel_loop3A_249], %parallel_loop3A_247 {add = true, strides = array<i32>} : memref<32x768xf32, #tpu.memory_space<vmem>>, vector<16xf32>,
      %parallel_loop3A_251 = arith.index_cast %parallel_loop3A_64 : i32 to index
      %parallel_loop3A_252 = arith.constant 496 : index
      %parallel_loop3A_253 = tpu.vector_load %arg14[%parallel_loop3A_251, %parallel_loop3A_252] {strides = array<i32>} : memref<32x768xf32, #tpu.memory_space<vmem>>, vector<16xf32>,
      %parallel_loop3A_254 = arith.index_cast %parallel_loop3A_64 : i32 to index
      %parallel_loop3A_255 = arith.constant 496 : index
      %parallel_loop3A_256 = tpu.vector_load %arg12[%parallel_loop3A_254, %parallel_loop3A_255] {strides = array<i32>} : memref<32x768xf32, #tpu.memory_space<vmem>>, vector<16xf32>,
      tpu.vector_store %arg12[%parallel_loop3A_254, %parallel_loop3A_255], %parallel_loop3A_253 {add = true, strides = array<i32>} : memref<32x768xf32, #tpu.memory_space<vmem>>, vector<16xf32>,
      %parallel_loop3A_257 = arith.index_cast %parallel_loop3A_64 : i32 to index
      %parallel_loop3A_258 = arith.constant 512 : index
      %parallel_loop3A_259 = tpu.vector_load %arg14[%parallel_loop3A_257, %parallel_loop3A_258] {strides = array<i32>} : memref<32x768xf32, #tpu.memory_space<vmem>>, vector<16xf32>,
      %parallel_loop3A_260 = arith.index_cast %parallel_loop3A_64 : i32 to index
      %parallel_loop3A_261 = arith.constant 512 : index
      %parallel_loop3A_262 = tpu.vector_load %arg12[%parallel_loop3A_260, %parallel_loop3A_261] {strides = array<i32>} : memref<32x768xf32, #tpu.memory_space<vmem>>, vector<16xf32>,
      tpu.vector_store %arg12[%parallel_loop3A_260, %parallel_loop3A_261], %parallel_loop3A_259 {add = true, strides = array<i32>} : memref<32x768xf32, #tpu.memory_space<vmem>>, vector<16xf32>,
      %parallel_loop3A_263 = arith.index_cast %parallel_loop3A_64 : i32 to index
      %parallel_loop3A_264 = arith.constant 528 : index
      %parallel_loop3A_265 = tpu.vector_load %arg14[%parallel_loop3A_263, %parallel_loop3A_264] {strides = array<i32>} : memref<32x768xf32, #tpu.memory_space<vmem>>, vector<16xf32>,
      %parallel_loop3A_266 = arith.index_cast %parallel_loop3A_64 : i32 to index
      %parallel_loop3A_267 = arith.constant 528 : index
      %parallel_loop3A_268 = tpu.vector_load %arg12[%parallel_loop3A_266, %parallel_loop3A_267] {strides = array<i32>} : memref<32x768xf32, #tpu.memory_space<vmem>>, vector<16xf32>,
      tpu.vector_store %arg12[%parallel_loop3A_266, %parallel_loop3A_267], %parallel_loop3A_265 {add = true, strides = array<i32>} : memref<32x768xf32, #tpu.memory_space<vmem>>, vector<16xf32>,
      %parallel_loop3A_269 = arith.index_cast %parallel_loop3A_64 : i32 to index
      %parallel_loop3A_270 = arith.constant 544 : index
      %parallel_loop3A_271 = tpu.vector_load %arg14[%parallel_loop3A_269, %parallel_loop3A_270] {strides = array<i32>} : memref<32x768xf32, #tpu.memory_space<vmem>>, vector<16xf32>,
      %parallel_loop3A_272 = arith.index_cast %parallel_loop3A_64 : i32 to index
      %parallel_loop3A_273 = arith.constant 544 : index
      %parallel_loop3A_274 = tpu.vector_load %arg12[%parallel_loop3A_272, %parallel_loop3A_273] {strides = array<i32>} : memref<32x768xf32, #tpu.memory_space<vmem>>, vector<16xf32>,
      tpu.vector_store %arg12[%parallel_loop3A_272, %parallel_loop3A_273], %parallel_loop3A_271 {add = true, strides = array<i32>} : memref<32x768xf32, #tpu.memory_space<vmem>>, vector<16xf32>,
      %parallel_loop3A_275 = arith.index_cast %parallel_loop3A_64 : i32 to index
      %parallel_loop3A_276 = arith.constant 560 : index
      %parallel_loop3A_277 = tpu.vector_load %arg14[%parallel_loop3A_275, %parallel_loop3A_276] {strides = array<i32>} : memref<32x768xf32, #tpu.memory_space<vmem>>, vector<16xf32>,
      %parallel_loop3A_278 = arith.index_cast %parallel_loop3A_64 : i32 to index
      %parallel_loop3A_279 = arith.constant 560 : index
      %parallel_loop3A_280 = tpu.vector_load %arg12[%parallel_loop3A_278, %parallel_loop3A_279] {strides = array<i32>} : memref<32x768xf32, #tpu.memory_space<vmem>>, vector<16xf32>,
      tpu.vector_store %arg12[%parallel_loop3A_278, %parallel_loop3A_279], %parallel_loop3A_277 {add = true, strides = array<i32>} : memref<32x768xf32, #tpu.memory_space<vmem>>, vector<16xf32>,
      %parallel_loop3A_281 = arith.index_cast %parallel_loop3A_64 : i32 to index
      %parallel_loop3A_282 = arith.constant 576 : index
      %parallel_loop3A_283 = tpu.vector_load %arg14[%parallel_loop3A_281, %parallel_loop3A_282] {strides = array<i32>} : memref<32x768xf32, #tpu.memory_space<vmem>>, vector<16xf32>,
      %parallel_loop3A_284 = arith.index_cast %parallel_loop3A_64 : i32 to index
      %parallel_loop3A_285 = arith.constant 576 : index
      %parallel_loop3A_286 = tpu.vector_load %arg12[%parallel_loop3A_284, %parallel_loop3A_285] {strides = array<i32>} : memref<32x768xf32, #tpu.memory_space<vmem>>, vector<16xf32>,
      tpu.vector_store %arg12[%parallel_loop3A_284, %parallel_loop3A_285], %parallel_loop3A_283 {add = true, strides = array<i32>} : memref<32x768xf32, #tpu.memory_space<vmem>>, vector<16xf32>,
      %parallel_loop3A_287 = arith.index_cast %parallel_loop3A_64 : i32 to index
      %parallel_loop3A_288 = arith.constant 592 : index
      %parallel_loop3A_289 = tpu.vector_load %arg14[%parallel_loop3A_287, %parallel_loop3A_288] {strides = array<i32>} : memref<32x768xf32, #tpu.memory_space<vmem>>, vector<16xf32>,
      %parallel_loop3A_290 = arith.index_cast %parallel_loop3A_64 : i32 to index
      %parallel_loop3A_291 = arith.constant 592 : index
      %parallel_loop3A_292 = tpu.vector_load %arg12[%parallel_loop3A_290, %parallel_loop3A_291] {strides = array<i32>} : memref<32x768xf32, #tpu.memory_space<vmem>>, vector<16xf32>,
      tpu.vector_store %arg12[%parallel_loop3A_290, %parallel_loop3A_291], %parallel_loop3A_289 {add = true, strides = array<i32>} : memref<32x768xf32, #tpu.memory_space<vmem>>, vector<16xf32>,
      %parallel_loop3A_293 = arith.index_cast %parallel_loop3A_64 : i32 to index
      %parallel_loop3A_294 = arith.constant 608 : index
      %parallel_loop3A_295 = tpu.vector_load %arg14[%parallel_loop3A_293, %parallel_loop3A_294] {strides = array<i32>} : memref<32x768xf32, #tpu.memory_space<vmem>>, vector<16xf32>,
      %parallel_loop3A_296 = arith.index_cast %parallel_loop3A_64 : i32 to index
      %parallel_loop3A_297 = arith.constant 608 : index
      %parallel_loop3A_298 = tpu.vector_load %arg12[%parallel_loop3A_296, %parallel_loop3A_297] {strides = array<i32>} : memref<32x768xf32, #tpu.memory_space<vmem>>, vector<16xf32>,
      tpu.vector_store %arg12[%parallel_loop3A_296, %parallel_loop3A_297], %parallel_loop3A_295 {add = true, strides = array<i32>} : memref<32x768xf32, #tpu.memory_space<vmem>>, vector<16xf32>,
      %parallel_loop3A_299 = arith.index_cast %parallel_loop3A_64 : i32 to index
      %parallel_loop3A_300 = arith.constant 624 : index
      %parallel_loop3A_301 = tpu.vector_load %arg14[%parallel_loop3A_299, %parallel_loop3A_300] {strides = array<i32>} : memref<32x768xf32, #tpu.memory_space<vmem>>, vector<16xf32>,
      %parallel_loop3A_302 = arith.index_cast %parallel_loop3A_64 : i32 to index
      %parallel_loop3A_303 = arith.constant 624 : index
      %parallel_loop3A_304 = tpu.vector_load %arg12[%parallel_loop3A_302, %parallel_loop3A_303] {strides = array<i32>} : memref<32x768xf32, #tpu.memory_space<vmem>>, vector<16xf32>,
      tpu.vector_store %arg12[%parallel_loop3A_302, %parallel_loop3A_303], %parallel_loop3A_301 {add = true, strides = array<i32>} : memref<32x768xf32, #tpu.memory_space<vmem>>, vector<16xf32>,
      %parallel_loop3A_305 = arith.index_cast %parallel_loop3A_64 : i32 to index
      %parallel_loop3A_306 = arith.constant 640 : index
      %parallel_loop3A_307 = tpu.vector_load %arg14[%parallel_loop3A_305, %parallel_loop3A_306] {strides = array<i32>} : memref<32x768xf32, #tpu.memory_space<vmem>>, vector<16xf32>,
      %parallel_loop3A_308 = arith.index_cast %parallel_loop3A_64 : i32 to index
      %parallel_loop3A_309 = arith.constant 640 : index
      %parallel_loop3A_310 = tpu.vector_load %arg12[%parallel_loop3A_308, %parallel_loop3A_309] {strides = array<i32>} : memref<32x768xf32, #tpu.memory_space<vmem>>, vector<16xf32>,
      tpu.vector_store %arg12[%parallel_loop3A_308, %parallel_loop3A_309], %parallel_loop3A_307 {add = true, strides = array<i32>} : memref<32x768xf32, #tpu.memory_space<vmem>>, vector<16xf32>,
      %parallel_loop3A_311 = arith.index_cast %parallel_loop3A_64 : i32 to index
      %parallel_loop3A_312 = arith.constant 656 : index
      %parallel_loop3A_313 = tpu.vector_load %arg14[%parallel_loop3A_311, %parallel_loop3A_312] {strides = array<i32>} : memref<32x768xf32, #tpu.memory_space<vmem>>, vector<16xf32>,
      %parallel_loop3A_314 = arith.index_cast %parallel_loop3A_64 : i32 to index
      %parallel_loop3A_315 = arith.constant 656 : index
      %parallel_loop3A_316 = tpu.vector_load %arg12[%parallel_loop3A_314, %parallel_loop3A_315] {strides = array<i32>} : memref<32x768xf32, #tpu.memory_space<vmem>>, vector<16xf32>,
      tpu.vector_store %arg12[%parallel_loop3A_314, %parallel_loop3A_315], %parallel_loop3A_313 {add = true, strides = array<i32>} : memref<32x768xf32, #tpu.memory_space<vmem>>, vector<16xf32>,
      %parallel_loop3A_317 = arith.index_cast %parallel_loop3A_64 : i32 to index
      %parallel_loop3A_318 = arith.constant 672 : index
      %parallel_loop3A_319 = tpu.vector_load %arg14[%parallel_loop3A_317, %parallel_loop3A_318] {strides = array<i32>} : memref<32x768xf32, #tpu.memory_space<vmem>>, vector<16xf32>,
      %parallel_loop3A_320 = arith.index_cast %parallel_loop3A_64 : i32 to index
      %parallel_loop3A_321 = arith.constant 672 : index
      %parallel_loop3A_322 = tpu.vector_load %arg12[%parallel_loop3A_320, %parallel_loop3A_321] {strides = array<i32>} : memref<32x768xf32, #tpu.memory_space<vmem>>, vector<16xf32>,
      tpu.vector_store %arg12[%parallel_loop3A_320, %parallel_loop3A_321], %parallel_loop3A_319 {add = true, strides = array<i32>} : memref<32x768xf32, #tpu.memory_space<vmem>>, vector<16xf32>,
      %parallel_loop3A_323 = arith.index_cast %parallel_loop3A_64 : i32 to index
      %parallel_loop3A_324 = arith.constant 688 : index
      %parallel_loop3A_325 = tpu.vector_load %arg14[%parallel_loop3A_323, %parallel_loop3A_324] {strides = array<i32>} : memref<32x768xf32, #tpu.memory_space<vmem>>, vector<16xf32>,
      %parallel_loop3A_326 = arith.index_cast %parallel_loop3A_64 : i32 to index
      %parallel_loop3A_327 = arith.constant 688 : index
      %parallel_loop3A_328 = tpu.vector_load %arg12[%parallel_loop3A_326, %parallel_loop3A_327] {strides = array<i32>} : memref<32x768xf32, #tpu.memory_space<vmem>>, vector<16xf32>,
      tpu.vector_store %arg12[%parallel_loop3A_326, %parallel_loop3A_327], %parallel_loop3A_325 {add = true, strides = array<i32>} : memref<32x768xf32, #tpu.memory_space<vmem>>, vector<16xf32>,
      %parallel_loop3A_329 = arith.index_cast %parallel_loop3A_64 : i32 to index
      %parallel_loop3A_330 = arith.constant 704 : index
      %parallel_loop3A_331 = tpu.vector_load %arg14[%parallel_loop3A_329, %parallel_loop3A_330] {strides = array<i32>} : memref<32x768xf32, #tpu.memory_space<vmem>>, vector<16xf32>,
      %parallel_loop3A_332 = arith.index_cast %parallel_loop3A_64 : i32 to index
      %parallel_loop3A_333 = arith.constant 704 : index
      %parallel_loop3A_334 = tpu.vector_load %arg12[%parallel_loop3A_332, %parallel_loop3A_333] {strides = array<i32>} : memref<32x768xf32, #tpu.memory_space<vmem>>, vector<16xf32>,
      tpu.vector_store %arg12[%parallel_loop3A_332, %parallel_loop3A_333], %parallel_loop3A_331 {add = true, strides = array<i32>} : memref<32x768xf32, #tpu.memory_space<vmem>>, vector<16xf32>,
      %parallel_loop3A_335 = arith.index_cast %parallel_loop3A_64 : i32 to index
      %parallel_loop3A_336 = arith.constant 720 : index
      %parallel_loop3A_337 = tpu.vector_load %arg14[%parallel_loop3A_335, %parallel_loop3A_336] {strides = array<i32>} : memref<32x768xf32, #tpu.memory_space<vmem>>, vector<16xf32>,
      %parallel_loop3A_338 = arith.index_cast %parallel_loop3A_64 : i32 to index
      %parallel_loop3A_339 = arith.constant 720 : index
      %parallel_loop3A_340 = tpu.vector_load %arg12[%parallel_loop3A_338, %parallel_loop3A_339] {strides = array<i32>} : memref<32x768xf32, #tpu.memory_space<vmem>>, vector<16xf32>,
      tpu.vector_store %arg12[%parallel_loop3A_338, %parallel_loop3A_339], %parallel_loop3A_337 {add = true, strides = array<i32>} : memref<32x768xf32, #tpu.memory_space<vmem>>, vector<16xf32>,
      %parallel_loop3A_341 = arith.index_cast %parallel_loop3A_64 : i32 to index
      %parallel_loop3A_342 = arith.constant 736 : index
      %parallel_loop3A_343 = tpu.vector_load %arg14[%parallel_loop3A_341, %parallel_loop3A_342] {strides = array<i32>} : memref<32x768xf32, #tpu.memory_space<vmem>>, vector<16xf32>,
      %parallel_loop3A_344 = arith.index_cast %parallel_loop3A_64 : i32 to index
      %parallel_loop3A_345 = arith.constant 736 : index
      %parallel_loop3A_346 = tpu.vector_load %arg12[%parallel_loop3A_344, %parallel_loop3A_345] {strides = array<i32>} : memref<32x768xf32, #tpu.memory_space<vmem>>, vector<16xf32>,
      tpu.vector_store %arg12[%parallel_loop3A_344, %parallel_loop3A_345], %parallel_loop3A_343 {add = true, strides = array<i32>} : memref<32x768xf32, #tpu.memory_space<vmem>>, vector<16xf32>,
      %parallel_loop3A_347 = arith.index_cast %parallel_loop3A_64 : i32 to index
      %parallel_loop3A_348 = arith.constant 752 : index
      %parallel_loop3A_349 = tpu.vector_load %arg14[%parallel_loop3A_347, %parallel_loop3A_348] {strides = array<i32>} : memref<32x768xf32, #tpu.memory_space<vmem>>, vector<16xf32>,
      %parallel_loop3A_350 = arith.index_cast %parallel_loop3A_64 : i32 to index
      %parallel_loop3A_351 = arith.constant 752 : index
      %parallel_loop3A_352 = tpu.vector_load %arg12[%parallel_loop3A_350, %parallel_loop3A_351] {strides = array<i32>} : memref<32x768xf32, #tpu.memory_space<vmem>>, vector<16xf32>,
      tpu.vector_store %arg12[%parallel_loop3A_350, %parallel_loop3A_351], %parallel_loop3A_349 {add = true, strides = array<i32>} : memref<32x768xf32, #tpu.memory_space<vmem>>, vector<16xf32>,
    } {sc.loop_unroll_factor = 1 : i64, sc.parallel_access}
    %add3A_46 = arith.constant 224 : i32
    %add3A_47 = arith.addi %mul3A_2, %add3A_46 : i32
    %dma_start3A_48 = arith.constant 0 : i32
    %dma_start3A_49 = tpu.memref_slice %arg6[%add3A_47, %dma_start3A_48] : memref<8192x768xf32, #tpu.memory_space<hbm>> -> memref<32x768xf32, #tpu.memory_space<hbm>>
    %dma_start3A_50 = arith.constant 0 : i32
    %dma_start3A_51 = tpu.memref_slice %arg6[%add3A_47, %dma_start3A_50] : memref<8192x768xf32, #tpu.memory_space<hbm>> -> memref<32x768xf32, #tpu.memory_space<hbm>>
    tpu.enqueue_dma source(%arg12 : memref<32x768xf32, #tpu.memory_space<vmem>>) target(%dma_start3A_51 : memref<32x768xf32, #tpu.memory_space<hbm>>) target_semaphore(%arg18 : memref<!tpu.dma_semaphore, #tpu.memory_space<semaphore_mem>>)
    %add3A_52 = arith.constant 192 : i32
    %add3A_53 = arith.addi %mul3A_2, %add3A_52 : i32
    %dma_wait3A_54 = arith.constant 0 : i32
    %dma_wait3A_55 = tpu.memref_slice %arg6[%add3A_53, %dma_wait3A_54] : memref<8192x768xf32, #tpu.memory_space<hbm>> -> memref<32x768xf32, #tpu.memory_space<hbm>>
    %dma_wait3A_56 = arith.constant 0 : i32
    %dma_wait3A_57 = tpu.memref_slice %arg6[%add3A_53, %dma_wait3A_56] : memref<8192x768xf32, #tpu.memory_space<hbm>> -> memref<32x768xf32, #tpu.memory_space<hbm>>
    tpu.wait_dma2 semaphore(%arg17 : memref<!tpu.dma_semaphore, #tpu.memory_space<semaphore_mem>>) src(%arg11 : memref<32x768xf32, #tpu.memory_space<vmem>>) dst(%dma_wait3A_57 : memref<32x768xf32, #tpu.memory_space<hbm>>)
    %add3A_58 = arith.constant 224 : i32
    %add3A_59 = arith.addi %mul3A_2, %add3A_58 : i32
    %dma_wait3A_60 = arith.constant 0 : i32
    %dma_wait3A_61 = tpu.memref_slice %arg6[%add3A_59, %dma_wait3A_60] : memref<8192x768xf32, #tpu.memory_space<hbm>> -> memref<32x768xf32, #tpu.memory_space<hbm>>
    %dma_wait3A_62 = arith.constant 0 : i32
    %dma_wait3A_63 = tpu.memref_slice %arg6[%add3A_59, %dma_wait3A_62] : memref<8192x768xf32, #tpu.memory_space<hbm>> -> memref<32x768xf32, #tpu.memory_space<hbm>>
    tpu.wait_dma2 semaphore(%arg18 : memref<!tpu.dma_semaphore, #tpu.memory_space<semaphore_mem>>) src(%arg12 : memref<32x768xf32, #tpu.memory_space<vmem>>) dst(%dma_wait3A_63 : memref<32x768xf32, #tpu.memory_space<hbm>>)
    return
  }
}

module attributes {stable_mosaic.version = 14 : i64} {
  func.func @_ln_body(%arg0: i32, %arg1: memref<2048x768xf32, #tpu.memory_space<vmem>>, %arg2: memref<2048x1xf32, #tpu.memory_space<vmem>>, %arg3: memref<2x768xf32, #tpu.memory_space<vmem>>, %arg4: memref<768xf32, #tpu.memory_space<vmem>>, %arg5: memref<768xf32, #tpu.memory_space<vmem>>, %arg6: memref<1x2048x768xf32, #tpu.memory_space<vmem>>) attributes {dimension_semantics = [#tpu.dimension_semantics<arbitrary>], iteration_bounds = array<i64: 4>, scalar_prefetch = 0 : i64, scratch_operands = 0 : i64, tpu.core_type = #tpu.core_type<tc>, window_params = [{transform_indices = @transform_0, window_bounds = array<i64: 2048, 768>}, {transform_indices = @transform_1, window_bounds = array<i64: 2048, 1>}, {pipeline_mode = #tpu.pipeline_mode<synchronous>, transform_indices = @transform_2, window_bounds = array<i64: 2, 768>}, {pipeline_mode = #tpu.pipeline_mode<synchronous>, transform_indices = @transform_3, window_bounds = array<i64: 768>}, {pipeline_mode = #tpu.pipeline_mode<synchronous>, transform_indices = @transform_4, window_bounds = array<i64: 768>}, {transform_indices = @transform_5, window_bounds = array<i64: 1, 2048, 768>}]} {
    %get3A = arith.constant 0 : index
    %get3A_0 = arith.constant 0 : index
    %get3A_1 = vector.load %arg2[%get3A, %get3A_0] : memref<2048x1xf32, #tpu.memory_space<vmem>>, vector<2048x1xf32>
    %get3A_2 = arith.constant 0 : index
    %get3A_3 = arith.constant 0 : index
    %get3A_4 = vector.load %arg3[%get3A_2, %get3A_3] : memref<2x768xf32, #tpu.memory_space<vmem>>, vector<1x768xf32>
    %get3A_5 = arith.constant 1 : index
    %get3A_6 = arith.constant 0 : index
    %get3A_7 = vector.load %arg3[%get3A_5, %get3A_6] : memref<2x768xf32, #tpu.memory_space<vmem>>, vector<1x768xf32>
    %get3A_8 = arith.constant 0 : index
    %get3A_9 = arith.constant 0 : index
    %get3A_10 = vector.load %arg1[%get3A_8, %get3A_9] : memref<2048x768xf32, #tpu.memory_space<vmem>>, vector<2048x768xf32>
    %add3A = vector.broadcast %get3A_4 : vector<1x768xf32> to vector<2048x768xf32>
    %add3A_11 = arith.addf %get3A_10, %add3A : vector<2048x768xf32>
    %sub3A = arith.subf %get3A_7, %get3A_4 : vector<1x768xf32>
    %mul3A = vector.broadcast %get3A_1 : vector<2048x1xf32> to vector<2048x768xf32>
    %mul3A_12 = vector.broadcast %sub3A : vector<1x768xf32> to vector<2048x768xf32>
    %mul3A_13 = arith.mulf %mul3A, %mul3A_12 : vector<2048x768xf32>
    %add3A_14 = arith.addf %add3A_11, %mul3A_13 : vector<2048x768xf32>
    %reduce_sum3A = arith.constant dense<0.000000e+00> : vector<2048xf32>
    %reduce_sum3A_15 = vector.multi_reduction <add>, %add3A_14, %reduce_sum3A [1] : vector<2048x768xf32> to vector<2048xf32>
    %broadcast_in_dim3A = vector.shape_cast %reduce_sum3A_15 : vector<2048xf32> to vector<2048x1xf32>
    %div3A = arith.constant 7.680000e+02 : f32
    %div3A_16 = vector.broadcast %div3A : f32 to vector<2048x1xf32>
    %div3A_17 = arith.divf %broadcast_in_dim3A, %div3A_16 : vector<2048x1xf32>
    %sub3A_18 = vector.broadcast %div3A_17 : vector<2048x1xf32> to vector<2048x768xf32>
    %sub3A_19 = arith.subf %add3A_14, %sub3A_18 : vector<2048x768xf32>
    %mul3A_20 = arith.mulf %sub3A_19, %sub3A_19 : vector<2048x768xf32>
    %reduce_sum3A_21 = arith.constant dense<0.000000e+00> : vector<2048xf32>
    %reduce_sum3A_22 = vector.multi_reduction <add>, %mul3A_20, %reduce_sum3A_21 [1] : vector<2048x768xf32> to vector<2048xf32>
    %broadcast_in_dim3A_23 = vector.shape_cast %reduce_sum3A_22 : vector<2048xf32> to vector<2048x1xf32>
    %div3A_24 = arith.constant 7.680000e+02 : f32
    %div3A_25 = vector.broadcast %div3A_24 : f32 to vector<2048x1xf32>
    %div3A_26 = arith.divf %broadcast_in_dim3A_23, %div3A_25 : vector<2048x1xf32>
    %add3A_27 = arith.constant 9.99999996E-13 : f32
    %add3A_28 = vector.broadcast %add3A_27 : f32 to vector<2048x1xf32>
    %add3A_29 = arith.addf %div3A_26, %add3A_28 : vector<2048x1xf32>
    %sqrt3A = math.sqrt %add3A_29 : vector<2048x1xf32>
    %div3A_30 = arith.constant 1.000000e+00 : f32
    %div3A_31 = vector.broadcast %div3A_30 : f32 to vector<2048x1xf32>
    %div3A_32 = arith.divf %div3A_31, %sqrt3A : vector<2048x1xf32>
    %mul3A_33 = vector.broadcast %div3A_32 : vector<2048x1xf32> to vector<2048x768xf32>
    %mul3A_34 = arith.mulf %sub3A_19, %mul3A_33 : vector<2048x768xf32>
    %get3A_35 = arith.constant 0 : index
    %get3A_36 = vector.load %arg4[%get3A_35] : memref<768xf32, #tpu.memory_space<vmem>>, vector<768xf32>
    %broadcast_in_dim3A_37 = vector.shape_cast %get3A_36 : vector<768xf32> to vector<1x768xf32>
    %mul3A_38 = vector.broadcast %broadcast_in_dim3A_37 : vector<1x768xf32> to vector<2048x768xf32>
    %mul3A_39 = arith.mulf %mul3A_34, %mul3A_38 : vector<2048x768xf32>
    %get3A_40 = arith.constant 0 : index
    %get3A_41 = vector.load %arg5[%get3A_40] : memref<768xf32, #tpu.memory_space<vmem>>, vector<768xf32>
    %broadcast_in_dim3A_42 = vector.shape_cast %get3A_41 : vector<768xf32> to vector<1x768xf32>
    %add3A_43 = vector.broadcast %broadcast_in_dim3A_42 : vector<1x768xf32> to vector<2048x768xf32>
    %add3A_44 = arith.addf %mul3A_39, %add3A_43 : vector<2048x768xf32>
    %reshape3A = vector.shape_cast %add3A_44 : vector<2048x768xf32> to vector<1x2048x768xf32>
    %swap3A = arith.constant 0 : index
    %swap3A_45 = arith.constant 0 : index
    %swap3A_46 = arith.constant 0 : index
    %swap3A_47 = vector.load %arg6[%swap3A, %swap3A_45, %swap3A_46] : memref<1x2048x768xf32, #tpu.memory_space<vmem>>, vector<1x2048x768xf32>
    tpu.vector_store %arg6[%swap3A, %swap3A_45, %swap3A_46], %reshape3A {strides = array<i32>} : memref<1x2048x768xf32, #tpu.memory_space<vmem>>, vector<1x2048x768xf32>,
    return
  }
  func.func @transform_0(%arg0: i32) -> (i32, i32) {
    %c0_i32 = arith.constant 0 : i32
    %c0_i32_0 = arith.constant 0 : i32
    return %arg0, %c0_i32 : i32, i32
  }
  func.func @transform_1(%arg0: i32) -> (i32, i32) {
    %c0_i32 = arith.constant 0 : i32
    %c0_i32_0 = arith.constant 0 : i32
    return %arg0, %c0_i32 : i32, i32
  }
  func.func @transform_2(%arg0: i32) -> (i32, i32) {
    %c0_i32 = arith.constant 0 : i32
    %c0_i32_0 = arith.constant 0 : i32
    %c0_i32_1 = arith.constant 0 : i32
    return %c0_i32, %c0_i32_0 : i32, i32
  }
  func.func @transform_3(%arg0: i32) -> i32 {
    %c0_i32 = arith.constant 0 : i32
    %c0_i32_0 = arith.constant 0 : i32
    return %c0_i32 : i32
  }
  func.func @transform_4(%arg0: i32) -> i32 {
    %c0_i32 = arith.constant 0 : i32
    %c0_i32_0 = arith.constant 0 : i32
    return %c0_i32 : i32
  }
  func.func @transform_5(%arg0: i32) -> (i32, i32, i32) {
    %c0_i32 = arith.constant 0 : i32
    %c0_i32_0 = arith.constant 0 : i32
    %c0_i32_1 = arith.constant 0 : i32
    return %arg0, %c0_i32, %c0_i32_0 : i32, i32, i32
  }
}

</mosaic_0001>

<sc_bundles>
// kernel: kernel.4.cloned.1.call-start
scs
__scs_entry_jumppad:
0x0: {  	(pc) =	sbr.rel $0x88, $3  }
0x1: {  	(tag) =	ssettag $0x0;
	lr =	simm.s32 $0x1  }
0x2: {  	[smem:$0x3F9A] =	sst lr;
	_ =	strace $0xD0000000  }
0x3: {  	_ = 	snop  }
0x4: {  	_ = 	snop  }
0x5: {  	_ = 	snop  }
0x6: {  	_ = 	snop  }
0x7: {  	_ = 	snop  }
__scs_overlays_trampoline_lowered:
0x8: {  	[smem:$0x3FA9] =	sst s0  }
0x9: {  	[smem:$0x3FAA] =	sst s1  }
0xa: {  	[smem:$0x3FAB] =	sst s2  }
0xb: {  	[smem:$0x3FAC] =	sst s3  }
0xc: {  	[smem:$0x3FAD] =	sst s4  }
0xd: {  	[smem:$0x3FAE] =	sst s5  }
0xe: {  	[smem:$0x3FAF] =	sst s6  }
0xf: {  	[smem:$0x3FB0] =	sst s7  }
0x10: {  	[smem:$0x3FB1] =	sst s8  }
0x11: {  	[smem:$0x3FB2] =	sst s9;
	s0 =	simm.s32 @!p0 $0x0  }
0x12: {  	s1 =	sld [smem:$0x3F98];
	s0 =	simm.s32 @p0 $0x1  }
0x13: {  	[smem:$0x3FB3] =	sst s0;
	s0 =	simm.s32 @!p1 $0x0  }
0x14: {  	s2 =	sld [smem:$0x3F97];
	s0 =	simm.s32 @p1 $0x1  }
0x15: {  	[smem:$0x3FB4] =	sst s0;
	s0 =	simm.s32 @!p2 $0x0  }
0x16: {  	s3 =	sld [smem:$0x3FDB];
	s0 =	simm.s32 @p2 $0x1  }
0x17: {  	s4 =	simm.s32 $0x1BF5;
	[smem:$0x3FB6] =	sst s0  }
0x18: {  	s0 =	sld [smem:$0x3F99];
	_ =	swait.ge [sflag:s4], $0x0  }
0x19: {  	s7 =	sld [smem:$0x3F9A]  }
0x1a: {  	s8 =	sadd.s32 $0xFFFFE003, lr  }
0x1b: {  	s9 =	sadd.s32 $0xFFFFFEF7, lr;
	s5 =	simm.s32 $0xFFFFFFFF;
	p2 =	slt.u32 s8, $0xFFFFF086  }
0x1c: {  	p1 =	slt.u32 s9, $0xF7A;
	s5 =	simm.s32 @!p2 $0x0  }
0x1d: {  	s5 =	simm.s32 @p1 $0x1;
	p0 =	seq.s32 s7, s2  }
0x1e: {  	s7 =	smul.u32 @!p0 $0xF7A, s2;
	p2 =	seq.s32 @!p0 s5, $0x0  }
0x1f: {  	s9 =	smul.u32 $0xF7A, s1;
	s8 =	simm.s32 @!p0 $0x1BF5;
	p2 =	por !p2, p0  }
0x20: {  	[sflag:s8] =	ssyncset.s32 @!p0 $0xFFFFF086;
	s6 =	sadd.s32 @!p0 s3, s7;
	s7 =	simm.s32 @!p0 $0x108  }
0x21: {  	s3 =	sadd.s32 s3, s9;
	s6 =	sadd.s32 @!p0 $0x88, s6;
	s7 =	simm.s32 @p2 $0x1082  }
0x22: {  	[simem:s7], [sflag:s8] =	dma.local @!p0 [hbm:s6], $0xF7A  }
0x23: {  	s9 =	sor.u32 $0xD0000000, s2;
	s6 =	simm.s32 $0x108;
	_ =	swait.ge @!p0 [sflag:s8], $0x0  }
0x24: {  	s3 =	sadd.s32 $0x88, s3;
	s6 =	simm.s32 @!p1 $0x1082;
	[sflag:s4] =	ssyncset.s32 $0xFFFFF086  }
0x25: {  	[simem:s6], [sflag:s4] =	dma.local [hbm:s3], $0xF7A  }
0x26: {  	[smem:$0x3F9A] =	sst s1;
	(tag) =	ssettag s2;
	_ =	strace s9  }
0x27: {  	s1 =	sld [smem:$0x3FAA]  }
0x28: {  	s2 =	sld [smem:$0x3FAB]  }
0x29: {  	s4 =	sld [smem:$0x3FAD]  }
0x2a: {  	p0 =	seq.s32 s5, $0x0;
	s5 =	sld [smem:$0x3FAE]  }
0x2b: {  	s6 =	sld [smem:$0x3FAF]  }
0x2c: {  	s7 =	sld [smem:$0x3FB0]  }
0x2d: {  	s3 =	simm.s32 $0x108;
	s8 =	sld [smem:$0x3FB1]  }
0x2e: {  	s3 =	simm.s32 @!p0 $0x1082;
	s9 =	sld [smem:$0x3FB2]  }
0x2f: {  	lr =	sadd.s32 s0, s3;
	s0 =	sld [smem:$0x3FA9]  }
0x30: {  	s3 =	sld [smem:$0x3FAC]  }
0x31: {  	[smem:$0x3FB5] =	sst s10  }
0x32: {  	s10 =	sld [smem:$0x3FB3];
	_ =	sdelay $0x3  }
0x33: {  	p0 =	seq.s32 s10, $0x1;
	s10 =	sld [smem:$0x3FB5];
	_ =	sdelay $0x3  }
0x34: {  	[smem:$0x3FB5] =	sst s10  }
0x35: {  	s10 =	sld [smem:$0x3FB4];
	_ =	sdelay $0x3  }
0x36: {  	p1 =	seq.s32 s10, $0x1;
	s10 =	sld [smem:$0x3FB5];
	_ =	sdelay $0x3  }
0x37: {  	[smem:$0x3FB5] =	sst s10  }
0x38: {  	s10 =	sld [smem:$0x3FB6]  }
0x39: {  	_ = 	snop;
	(pc) =	sbr.ind lr, $3  }
0x3a: {  	_ = 	snop  }
0x3b: {  	_ = 	snop  }
0x3c: {  	p2 =	seq.s32 s10, $0x1;
	s10 =	sld [smem:$0x3FB5]  }
0x3d: {  	_ =	shalt  }
0x3e: {  	_ =	shalt  }
0x3f: {  	_ =	shalt  }
0x40: {  	_ =	shalt  }
0x41: {  	_ =	shalt  }
0x42: {  	_ =	shalt  }
0x43: {  	_ =	shalt  }
0x44: {  	_ =	shalt  }
0x45: {  	_ =	shalt  }
0x46: {  	_ =	shalt  }
0x47: {  	_ =	shalt  }
0x48: {  	_ =	shalt  }
0x49: {  	_ =	shalt  }
0x4a: {  	_ =	shalt  }
0x4b: {  	_ =	shalt  }
0x4c: {  	_ =	shalt  }
0x4d: {  	_ =	shalt  }
0x4e: {  	_ =	shalt  }
0x4f: {  	_ =	shalt  }
0x50: {  	_ =	shalt  }
0x51: {  	_ =	shalt  }
0x52: {  	_ =	shalt  }
0x53: {  	_ =	shalt  }
0x54: {  	_ =	shalt  }
0x55: {  	_ =	shalt  }
0x56: {  	_ =	shalt  }
0x57: {  	_ =	shalt  }
0x58: {  	_ =	shalt  }
0x59: {  	_ =	shalt  }
0x5a: {  	_ =	shalt  }
0x5b: {  	_ =	shalt  }
0x5c: {  	_ =	shalt  }
0x5d: {  	_ =	shalt  }
0x5e: {  	_ =	shalt  }
0x5f: {  	_ =	shalt  }
0x60: {  	_ =	shalt  }
0x61: {  	_ =	shalt  }
0x62: {  	_ =	shalt  }
0x63: {  	_ =	shalt  }
0x64: {  	_ =	shalt  }
0x65: {  	_ =	shalt  }
0x66: {  	_ =	shalt  }
0x67: {  	_ =	shalt  }
0x68: {  	_ =	shalt  }
0x69: {  	_ =	shalt  }
0x6a: {  	_ =	shalt  }
0x6b: {  	_ =	shalt  }
0x6c: {  	_ =	shalt  }
0x6d: {  	_ =	shalt  }
0x6e: {  	_ =	shalt  }
0x6f: {  	_ =	shalt  }
0x70: {  	_ =	shalt  }
0x71: {  	_ =	shalt  }
0x72: {  	_ =	shalt  }
0x73: {  	_ =	shalt  }
0x74: {  	_ =	shalt  }
0x75: {  	_ =	shalt  }
0x76: {  	_ =	shalt  }
0x77: {  	_ =	shalt  }
0x78: {  	_ =	shalt  }
0x79: {  	_ =	shalt  }
0x7a: {  	_ =	shalt  }
0x7b: {  	_ =	shalt  }
0x7c: {  	_ =	shalt  }
0x7d: {  	_ =	shalt  }
0x7e: {  	_ =	shalt  }
0x7f: {  	_ =	shalt  }
0x80: {  	_ =	shalt  }
0x81: {  	_ =	shalt  }
0x82: {  	_ =	shalt  }
0x83: {  	_ =	shalt  }
0x84: {  	_ =	shalt  }
0x85: {  	_ =	shalt  }
0x86: {  	_ =	shalt  }
0x87: {  	_ =	shalt  }
.Lfunc_end0:
.L_simem_size_0:
called_computation_lowered:
.L_overlay_start_0:
0x88: {  	s2 =	sld [smem:$0x3FD9]  }
0x89: {  	s3 =	sld [smem:$0x3FFE];
	_ =	sdelay $0x1  }
0x8a: {  	s1 =	srdreg.scid  }
0x8b: {  	s0 =	sand.u32 $0x1, s1  }
0x8c: {  	s17 =	sshll.u32 s0, $0xA;
	s2 =	sadd.s32 s3, s2  }
0x8d: {  	s2 =	sadd.s32 s2, s17  }
0x8e: {  	[smem:$0x3FC1] =	sst s2  }
0x8f: {  	_ = 	snop  }
0x90: {  	s2 =	sld [smem:$0x3FC6]  }
0x91: {  	s18 =	sld [smem:$0x3FD0];
	(tm) =	ssettm $0x1  }
0x92: {  	s4 =	sld [smem:$0x3FFB];
	_ =	sdelay $0x3  }
0x93: {  	_ =	strace s4  }
0x94: {  	s4 =	sld [smem:$0x3FFC];
	_ =	sdelay $0x3  }
0x95: {  	_ =	strace s4  }
0x96: {  	s4 =	sld [smem:$0x3FFD];
	_ =	sdelay $0x3  }
0x97: {  	_ =	strace s4  }
0x98: {  	_ =	strace $0x8FFFFFFF  }
0x99: {  	s19 =	sld [smem:$0x3FDB];
	_ =	sdelay $0x1  }
0x9a: {  	s5 =	simm.s32 $_scs_section_size  }
0x9b: {  	s6 =	simm.s32 $_size__tile_overlayer_lowered;
	s7 =	simm.s32 $_tile_overlayer_lowered  }
0x9c: {  	s22 =	simm.s32 $0x1BFF;
	s21 =	sshll.u32 s7, $0x1;
	s4 =	sadd.s32 s5, s19  }
0x9d: {  	s8 =	simm.s32 $0x0;
	s20 =	sshll.u32 s6, $0x1;
	s6 =	sadd.s32 s21, s4  }
0x9e: {  	[timem:s8], [sflag:s22] =	dma.local [hbm:s6], s20  }
0x9f: {  	_ =	swait.ge [sflag:s22], s20  }
0xa0: {  	s5 =	ssub.s32 $0x0, s20;
	[sflag:s22] =	ssyncset.done $0x0  }
0xa1: {  	[sflag:s22] =	ssyncadd.s32 s5;
	_ =	sdelay $0x1  }
0xa2: {  	s23 =	simm.s32 $0x1B8B  }
0xa3: {  	_ =	swait.ge [sflag:s23], $0x1  }
0xa4: {  	[sflag:s23] =	ssyncset.done $0x0  }
0xa5: {  	s25 =	simm.s32 $0x1B8E;
	s24 =	sld [smem:$0x3FFE];
	[sflag:s23] =	ssyncadd.s32 $0xFFFFFFFF  }
0xa6: {  	s26 =	simm.s32 $execute0_lowered;
	[smem:$0x3FD2] =	sst s25  }
0xa7: {  	s6 =	sshll.u32 s26, $0x1;
	_ =	strace $0x80000046;
	[dreg:$0x1] =	wrdreg $0xFFFFFFFF  }
0xa8: {  	s28 =	simm.s32 $_size_execute0_lowered;
	s4 =	sadd.s32 s4, s6;
	[dreg:$0x0] =	wrdreg $0x0  }
0xa9: {  	s6 =	sshll.u32 s28, $0x1;
	[dreg:$0x2] =	wrdreg s4  }
0xaa: {  	[dreg:$0x3] =	wrdreg s6  }
0xab: {  	[dreg:$0x4] =	wrdreg $0xC0  }
0xac: {  	_ =	task [dreg:s8], $0x5FFFF  }
0xad: {  	[dreg:$0x1] =	wrdreg $0xFFFFFFFF  }
0xae: {  	[dreg:$0x0] =	wrdreg $0x60  }
0xaf: {  	[dreg:$0x2] =	wrdreg s2  }
0xb0: {  	[dreg:$0x3] =	wrdreg s18  }
0xb1: {  	[dreg:$0x4] =	wrdreg s24  }
0xb2: {  	[dreg:$0x5] =	wrdreg $0x9  }
0xb3: {  	_ =	task.clear_ibuf [dreg:s8], $0x6FFFF;
	_ =	strace $0x90000046  }
0xb4: {  	s29 =	simm.s32 $0x9;
	_ =	strace $0x80000048  }
0xb5: {  	_ =	swait.ge [sflag:s29], $0x1  }
0xb6: {  	[sflag:s29] =	ssyncadd.s32 $0xFFFFFFFF  }
0xb7: {  	_ =	strace $0x90000048  }
0xb8: {  	_ =	sfence  }
0xb9: {  	s30 =	sld [smem:$0x0];
	_ =	sdelay $0x2  }
0xba: {  	s31 =	sshll.u32 s1, $0xD;
	s1 =	sshrl.u32 s1, $0x2  }
0xbb: {  	s3 =	sand.u32 $0x4000, s31;
	s1 =	sadd.s32 s1, s30  }
0xbc: {  	s0 =	sor.u32 s3, s0;
	s1 =	sshll.u32 s1, $0x11  }
0xbd: {  	s0 =	sor.u32 s1, s0  }
0xbe: {  	s0 =	sadd.s32 $0x8F2B, s0  }
0xbf: {  	[sflag:s0] =	ssyncadd.remote.s32 $0x1  }
0xc0: {  	_ =	sfence.sel $0xFFFF  }
0xc1: {  	[dreg:$0x0] =	wrdreg $0xFFFFFFFF;
	(pc) =	sbr.abs _section_cstart, $3  }
0xc2: {  	[dreg:$0x1] =	wrdreg $0xFFFFFFFF  }
0xc3: {  	_ =	task.clear_ibuf [dreg:s8], $0x2FFFF;
	_ =	strace $0x9FFFFFFF  }
0xc4: {  	(tm) =	ssettm $0x7FFFFFFF  }
0xc5: {  	_ =	shalt  }
tec
execute0_lowered:
.L_overlay_start_1:
0x0: {  	(tag) =	ssettag $0x1  }
0x1: {  	s1 =	rddreg [dreg:$0x0]  }
0x2: {  	s2 =	rddreg [dreg:$0x1]  }
0x3: {  	s4 =	rddreg [dreg:$0x2];
	s0 =	srdreg.scid;
	s5 =	simm.s32 $0x0  }
0x4: {  	s3 =	stileid.u32;
	s23 =	simm.s32 $0x5;
	s16 =	simm.s32 $0x6200  }
0x5: {  	s31 =	simm.s32 $0x17A00;
	s17 =	simm.s32 $0x0;
	s0 =	sand.u32 $0x1, s0  }
0x6: {  	[smem:$0x7FF] =	sst s5;
	s3 =	sshll.u32 s3, $0x9;
	s7 =	sadd.s32 $0x400, s4  }
0x7: {  	s8 =	sadd.s32 $0x800, s4;
	s11 =	sadd.s32 $0x100, s1;
	s12 =	sadd.s32 $0x200, s1  }
0x8: {  	s13 =	sadd.s32 $0x100, s2;
	s14 =	sadd.s32 $0x200, s2;
	s6 =	sshll.u32 s0, $0x8  }
0x9: {  	s22 =	sadd.s32 $0x1400, s4;
	s0 =	ssub.s32 $0x2, s0;
	s6 =	sor.u32 s6, s3  }
0xa: {  	_ =	strace $0x80000047;
	s25 =	sshrl.u32 s0, $0x1;
	s9 =	sshrl.u32 s6, $0x3  }
0xb: {  	s0 =	ssub.s32 s0, s25;
	s18 =	sor.u32 $0x40, s6;
	s19 =	sor.u32 $0x60, s6  }
0xc: {  	s25 =	simm.s32 $0x200;
	s26 =	sadd.s32 s4, s9;
	s28 =	sadd.s32 s7, s9  }
0xd: {  	s29 =	smul.u32 $0x300, s9;
	s10 =	sor.u32 $0x4, s9;
	[dreg:$0x4] =	wrdreg s26  }
0xe: {  	s9 =	smul.u32 $0x1800, s9;
	s0 =	smax.u32 s0, $0x1;
	[dreg:$0x5] =	wrdreg s28  }
0xf: {  	s15 =	sadd.s32 s4, s10;
	s10 =	sadd.s32 s7, s10;
	[dreg:$0xa] =	wrdreg s0  }
0x10: {  	[dreg:$0x6] =	wrdreg s15;
	s3 =	sadd.s32 s8, s29;
	s30 =	sshrl.u32 s9, $0x3  }
0x11: {  	v2 =	vlaneseq.u32;
	s0 =	simm.s32 $0x1;
	[dreg:$0x8] =	wrdreg s3;
	s3 =	sadd.s32 s8, s30  }
0x12: {  	vm0 =	vmmov $0xffff;
	v1 =	vshrl.u32 v2, $0x3;
	[dreg:$0x7] =	wrdreg s10;
	s9 =	simm.s32 $0x3;
	s3 =	sadd.s32 $0x5400, s3  }
0x13: {  	v0 =	vand.u32 $0x7, v2;
	v2 =	vor.u32 $0x8, v2;
	v1 =	vmul.u32 $0x8, v1;
	s10 =	simm.s32 $0x4;
	[dreg:$0x9] =	wrdreg s3;
	s3 =	simm.s32 $0x2  }
.LBB2_1:
0x14: {  	[dreg:$0xb] =	wrdreg s17  }
0x15: {  	s15 =	rddreg [dreg:$0x4]  }
0x16: {  	[tilespmem:s5], [sflag:$0x5] =	stream.linear.gather [hbm4b:s15+s5], $0x20, $0x38;
	[tilespmem:$0x18200] =	vst v63  }
0x17: {  	_ =	swait.ge [sflag:s23], $0x20  }
0x18: {  	[sflag:s23] =	ssyncset.done $0x0  }
0x19: {  	s26 =	simm.s32 $0x100;
	s24 =	rddreg [dreg:$0x5];
	[sflag:s23] =	ssyncadd.s32 $0xFFFFFFE0  }
0x1a: {  	[tilespmem:s26], [sflag:$0x5] =	stream.linear.gather [hbm4b:s24+s5], $0x20, $0x38;
	[tilespmem:$0x18200] =	vst v63  }
0x1b: {  	_ =	swait.ge [sflag:s23], $0x20  }
0x1c: {  	[sflag:s23] =	ssyncset.done $0x0  }
0x1d: {  	[sflag:s23] =	ssyncadd.s32 $0xFFFFFFE0  }
0x1e: {  	v3 =	vld [tilespmem:$0x0];
	_ =	sdelay $0x4  }
0x1f: {  	v4 =	vshrl.u32 v3, $0x3  }
0x20: {  	v4 =	vmul.u32 $0x30, v4  }
0x21: {  	v3 =	vand.u32 $0x7, v3  }
0x22: {  	v3 =	vor.u32 v3, v4  }
0x23: {  	v4 =	vperm.xlane v3, v0;
	_ =	sdelay $0x1  }
0x24: {  	v4 =	vadd.s32 v1, v4;
	_ =	sdelay $0x3  }
0x25: {  	v3 =	vperm.xlane v3, v2  }
0x26: {  	[tilespmem:s25], [sflag:$0x1] =	stream.indirect_vreg.gather [hbm4b:s1+s5], $0x80, v4, vm0, $0xb8;
	[tilespmem:$0x18200] =	vst v63  }
0x27: {  	s28 =	simm.s32 $0xA00;
	v3 =	vadd.s32 v1, v3  }
0x28: {  	[tilespmem:s28], [sflag:$0x1] =	stream.indirect_vreg.gather [hbm4b:s11+s5], $0x80, v4, vm0, $0xb8;
	[tilespmem:$0x18200] =	vst v63  }
0x29: {  	s29 =	simm.s32 $0x1200  }
0x2a: {  	[tilespmem:s29], [sflag:$0x1] =	stream.indirect_vreg.gather [hbm4b:s12+s5], $0x80, v4, vm0, $0xb8;
	[tilespmem:$0x18200] =	vst v63  }
0x2b: {  	s30 =	simm.s32 $0x1A00  }
0x2c: {  	[tilespmem:s30], [sflag:$0x1] =	stream.indirect_vreg.gather [hbm4b:s1+s5], $0x80, v3, vm0, $0xb8;
	[tilespmem:$0x18200] =	vst v63  }
0x2d: {  	s17 =	simm.s32 $0x2200  }
0x2e: {  	[tilespmem:s17], [sflag:$0x1] =	stream.indirect_vreg.gather [hbm4b:s11+s5], $0x80, v3, vm0, $0xb8;
	[tilespmem:$0x18200] =	vst v63  }
0x2f: {  	s20 =	simm.s32 $0x2A00  }
0x30: {  	[tilespmem:s20], [sflag:$0x1] =	stream.indirect_vreg.gather [hbm4b:s12+s5], $0x80, v3, vm0, $0xb8;
	[tilespmem:$0x18200] =	vst v63  }
0x31: {  	v3 =	vld [tilespmem:$0x10];
	_ =	sdelay $0x4  }
0x32: {  	v4 =	vshrl.u32 v3, $0x3  }
0x33: {  	v4 =	vmul.u32 $0x30, v4  }
0x34: {  	v3 =	vand.u32 $0x7, v3  }
0x35: {  	v3 =	vor.u32 v3, v4  }
0x36: {  	v4 =	vperm.xlane v3, v0;
	_ =	sdelay $0x1  }
0x37: {  	v4 =	vadd.s32 v1, v4;
	_ =	sdelay $0x3  }
0x38: {  	s21 =	simm.s32 $0x3200;
	v3 =	vperm.xlane v3, v2  }
0x39: {  	[tilespmem:s21], [sflag:$0x1] =	stream.indirect_vreg.gather [hbm4b:s1+s5], $0x80, v4, vm0, $0xb8;
	[tilespmem:$0x18200] =	vst v63  }
0x3a: {  	s24 =	simm.s32 $0x3A00;
	v3 =	vadd.s32 v1, v3  }
0x3b: {  	[tilespmem:s24], [sflag:$0x1] =	stream.indirect_vreg.gather [hbm4b:s11+s5], $0x80, v4, vm0, $0xb8;
	[tilespmem:$0x18200] =	vst v63  }
0x3c: {  	s26 =	simm.s32 $0x4200  }
0x3d: {  	[tilespmem:s26], [sflag:$0x1] =	stream.indirect_vreg.gather [hbm4b:s12+s5], $0x80, v4, vm0, $0xb8;
	[tilespmem:$0x18200] =	vst v63  }
0x3e: {  	s28 =	simm.s32 $0x4A00  }
0x3f: {  	[tilespmem:s28], [sflag:$0x1] =	stream.indirect_vreg.gather [hbm4b:s1+s5], $0x80, v3, vm0, $0xb8;
	[tilespmem:$0x18200] =	vst v63  }
0x40: {  	s29 =	simm.s32 $0x5200  }
0x41: {  	[tilespmem:s29], [sflag:$0x1] =	stream.indirect_vreg.gather [hbm4b:s11+s5], $0x80, v3, vm0, $0xb8;
	[tilespmem:$0x18200] =	vst v63  }
0x42: {  	s30 =	simm.s32 $0x5A00  }
0x43: {  	[tilespmem:s30], [sflag:$0x1] =	stream.indirect_vreg.gather [hbm4b:s12+s5], $0x80, v3, vm0, $0xb8;
	[tilespmem:$0x18200] =	vst v63  }
0x44: {  	v3 =	vld [tilespmem:$0x100];
	_ =	sdelay $0x4  }
0x45: {  	v4 =	vshrl.u32 v3, $0x3  }
0x46: {  	v4 =	vmul.u32 $0x30, v4  }
0x47: {  	v3 =	vand.u32 $0x7, v3  }
0x48: {  	v3 =	vor.u32 v3, v4  }
0x49: {  	v4 =	vperm.xlane v3, v0;
	_ =	sdelay $0x1  }
0x4a: {  	v4 =	vadd.s32 v1, v4;
	_ =	sdelay $0x3  }
0x4b: {  	s17 =	simm.s32 $0xC200;
	v3 =	vperm.xlane v3, v2  }
0x4c: {  	[tilespmem:s17], [sflag:$0x1] =	stream.indirect_vreg.gather [hbm4b:s2+s5], $0x80, v4, vm0, $0xb8;
	[tilespmem:$0x18200] =	vst v63  }
0x4d: {  	s20 =	simm.s32 $0xCA00;
	v3 =	vadd.s32 v1, v3  }
0x4e: {  	[tilespmem:s20], [sflag:$0x1] =	stream.indirect_vreg.gather [hbm4b:s13+s5], $0x80, v4, vm0, $0xb8;
	[tilespmem:$0x18200] =	vst v63  }
0x4f: {  	s21 =	simm.s32 $0xD200  }
0x50: {  	[tilespmem:s21], [sflag:$0x1] =	stream.indirect_vreg.gather [hbm4b:s14+s5], $0x80, v4, vm0, $0xb8;
	[tilespmem:$0x18200] =	vst v63  }
0x51: {  	s24 =	simm.s32 $0xDA00  }
0x52: {  	[tilespmem:s24], [sflag:$0x1] =	stream.indirect_vreg.gather [hbm4b:s2+s5], $0x80, v3, vm0, $0xb8;
	[tilespmem:$0x18200] =	vst v63  }
0x53: {  	s26 =	simm.s32 $0xE200  }
0x54: {  	[tilespmem:s26], [sflag:$0x1] =	stream.indirect_vreg.gather [hbm4b:s13+s5], $0x80, v3, vm0, $0xb8;
	[tilespmem:$0x18200] =	vst v63  }
0x55: {  	s28 =	simm.s32 $0xEA00  }
0x56: {  	[tilespmem:s28], [sflag:$0x1] =	stream.indirect_vreg.gather [hbm4b:s14+s5], $0x80, v3, vm0, $0xb8;
	[tilespmem:$0x18200] =	vst v63  }
0x57: {  	v3 =	vld [tilespmem:$0x110];
	_ =	sdelay $0x4  }
0x58: {  	v4 =	vshrl.u32 v3, $0x3  }
0x59: {  	v4 =	vmul.u32 $0x30, v4  }
0x5a: {  	v3 =	vand.u32 $0x7, v3  }
0x5b: {  	v3 =	vor.u32 v3, v4  }
0x5c: {  	v4 =	vperm.xlane v3, v0;
	_ =	sdelay $0x1  }
0x5d: {  	v4 =	vadd.s32 v1, v4;
	_ =	sdelay $0x3  }
0x5e: {  	s29 =	simm.s32 $0xF200;
	v3 =	vperm.xlane v3, v2  }
0x5f: {  	[tilespmem:s29], [sflag:$0x1] =	stream.indirect_vreg.gather [hbm4b:s2+s5], $0x80, v4, vm0, $0xb8;
	[tilespmem:$0x18200] =	vst v63  }
0x60: {  	s30 =	simm.s32 $0xFA00;
	v3 =	vadd.s32 v1, v3  }
0x61: {  	[tilespmem:s30], [sflag:$0x1] =	stream.indirect_vreg.gather [hbm4b:s13+s5], $0x80, v4, vm0, $0xb8;
	[tilespmem:$0x18200] =	vst v63  }
0x62: {  	s17 =	simm.s32 $0x10200  }
0x63: {  	[tilespmem:s17], [sflag:$0x1] =	stream.indirect_vreg.gather [hbm4b:s14+s5], $0x80, v4, vm0, $0xb8;
	[tilespmem:$0x18200] =	vst v63  }
0x64: {  	s20 =	simm.s32 $0x10A00  }
0x65: {  	[tilespmem:s20], [sflag:$0x1] =	stream.indirect_vreg.gather [hbm4b:s2+s5], $0x80, v3, vm0, $0xb8;
	[tilespmem:$0x18200] =	vst v63  }
0x66: {  	s21 =	simm.s32 $0x11200  }
0x67: {  	[tilespmem:s21], [sflag:$0x1] =	stream.indirect_vreg.gather [hbm4b:s13+s5], $0x80, v3, vm0, $0xb8;
	[tilespmem:$0x18200] =	vst v63  }
0x68: {  	s24 =	simm.s32 $0x11A00  }
0x69: {  	[tilespmem:s24], [sflag:$0x1] =	stream.indirect_vreg.gather [hbm4b:s14+s5], $0x80, v3, vm0, $0xb8;
	[tilespmem:$0x18200] =	vst v63  }
0x6a: {  	s26 =	rddreg [dreg:$0x6];
	s28 =	simm.s32 $0x80  }
0x6b: {  	[tilespmem:s28], [sflag:$0x5] =	stream.linear.gather [hbm4b:s26+s5], $0x20, $0x38;
	[tilespmem:$0x18200] =	vst v63  }
0x6c: {  	_ =	swait.ge [sflag:s23], $0x20  }
0x6d: {  	[sflag:s23] =	ssyncset.done $0x0  }
0x6e: {  	s30 =	simm.s32 $0x180;
	s29 =	rddreg [dreg:$0x7];
	[sflag:s23] =	ssyncadd.s32 $0xFFFFFFE0  }
0x6f: {  	[tilespmem:s30], [sflag:$0x5] =	stream.linear.gather [hbm4b:s29+s5], $0x20, $0x38;
	[tilespmem:$0x18200] =	vst v63  }
0x70: {  	_ =	swait.ge [sflag:s23], $0x20  }
0x71: {  	[sflag:s23] =	ssyncset.done $0x0  }
0x72: {  	[sflag:s23] =	ssyncadd.s32 $0xFFFFFFE0  }
0x73: {  	v3 =	vld [tilespmem:$0x80];
	_ =	sdelay $0x4  }
0x74: {  	v4 =	vshrl.u32 v3, $0x3  }
0x75: {  	v4 =	vmul.u32 $0x30, v4  }
0x76: {  	v3 =	vand.u32 $0x7, v3  }
0x77: {  	v3 =	vor.u32 v3, v4  }
0x78: {  	v4 =	vperm.xlane v3, v0;
	_ =	sdelay $0x1  }
0x79: {  	v4 =	vadd.s32 v1, v4;
	_ =	sdelay $0x3  }
0x7a: {  	v3 =	vperm.xlane v3, v2  }
0x7b: {  	[tilespmem:s16], [sflag:$0x2] =	stream.indirect_vreg.gather [hbm4b:s1+s5], $0x80, v4, vm0, $0xb8;
	[tilespmem:$0x18200] =	vst v63  }
0x7c: {  	s17 =	simm.s32 $0x6A00;
	v3 =	vadd.s32 v1, v3  }
0x7d: {  	[tilespmem:s17], [sflag:$0x2] =	stream.indirect_vreg.gather [hbm4b:s11+s5], $0x80, v4, vm0, $0xb8;
	[tilespmem:$0x18200] =	vst v63  }
0x7e: {  	s20 =	simm.s32 $0x7200  }
0x7f: {  	[tilespmem:s20], [sflag:$0x2] =	stream.indirect_vreg.gather [hbm4b:s12+s5], $0x80, v4, vm0, $0xb8;
	[tilespmem:$0x18200] =	vst v63  }
0x80: {  	s21 =	simm.s32 $0x7A00  }
0x81: {  	[tilespmem:s21], [sflag:$0x2] =	stream.indirect_vreg.gather [hbm4b:s1+s5], $0x80, v3, vm0, $0xb8;
	[tilespmem:$0x18200] =	vst v63  }
0x82: {  	s24 =	simm.s32 $0x8200  }
0x83: {  	[tilespmem:s24], [sflag:$0x2] =	stream.indirect_vreg.gather [hbm4b:s11+s5], $0x80, v3, vm0, $0xb8;
	[tilespmem:$0x18200] =	vst v63  }
0x84: {  	s26 =	simm.s32 $0x8A00  }
0x85: {  	[tilespmem:s26], [sflag:$0x2] =	stream.indirect_vreg.gather [hbm4b:s12+s5], $0x80, v3, vm0, $0xb8;
	[tilespmem:$0x18200] =	vst v63  }
0x86: {  	v3 =	vld [tilespmem:$0x90];
	_ =	sdelay $0x4  }
0x87: {  	v4 =	vshrl.u32 v3, $0x3  }
0x88: {  	v4 =	vmul.u32 $0x30, v4  }
0x89: {  	v3 =	vand.u32 $0x7, v3  }
0x8a: {  	v3 =	vor.u32 v3, v4  }
0x8b: {  	v4 =	vperm.xlane v3, v0;
	_ =	sdelay $0x1  }
0x8c: {  	v4 =	vadd.s32 v1, v4;
	_ =	sdelay $0x3  }
0x8d: {  	s28 =	simm.s32 $0x9200;
	v3 =	vperm.xlane v3, v2  }
0x8e: {  	[tilespmem:s28], [sflag:$0x2] =	stream.indirect_vreg.gather [hbm4b:s1+s5], $0x80, v4, vm0, $0xb8;
	[tilespmem:$0x18200] =	vst v63  }
0x8f: {  	s29 =	simm.s32 $0x9A00;
	v3 =	vadd.s32 v1, v3  }
0x90: {  	[tilespmem:s29], [sflag:$0x2] =	stream.indirect_vreg.gather [hbm4b:s11+s5], $0x80, v4, vm0, $0xb8;
	[tilespmem:$0x18200] =	vst v63  }
0x91: {  	s30 =	simm.s32 $0xA200  }
0x92: {  	[tilespmem:s30], [sflag:$0x2] =	stream.indirect_vreg.gather [hbm4b:s12+s5], $0x80, v4, vm0, $0xb8;
	[tilespmem:$0x18200] =	vst v63  }
0x93: {  	s17 =	simm.s32 $0xAA00  }
0x94: {  	[tilespmem:s17], [sflag:$0x2] =	stream.indirect_vreg.gather [hbm4b:s1+s5], $0x80, v3, vm0, $0xb8;
	[tilespmem:$0x18200] =	vst v63  }
0x95: {  	s20 =	simm.s32 $0xB200  }
0x96: {  	[tilespmem:s20], [sflag:$0x2] =	stream.indirect_vreg.gather [hbm4b:s11+s5], $0x80, v3, vm0, $0xb8;
	[tilespmem:$0x18200] =	vst v63  }
0x97: {  	s21 =	simm.s32 $0xBA00  }
0x98: {  	[tilespmem:s21], [sflag:$0x2] =	stream.indirect_vreg.gather [hbm4b:s12+s5], $0x80, v3, vm0, $0xb8;
	[tilespmem:$0x18200] =	vst v63  }
0x99: {  	v3 =	vld [tilespmem:$0x180];
	_ =	sdelay $0x4  }
0x9a: {  	v4 =	vshrl.u32 v3, $0x3  }
0x9b: {  	v4 =	vmul.u32 $0x30, v4  }
0x9c: {  	v3 =	vand.u32 $0x7, v3  }
0x9d: {  	v3 =	vor.u32 v3, v4  }
0x9e: {  	v4 =	vperm.xlane v3, v0;
	_ =	sdelay $0x1  }
0x9f: {  	v4 =	vadd.s32 v1, v4;
	_ =	sdelay $0x3  }
0xa0: {  	s24 =	simm.s32 $0x12200;
	v3 =	vperm.xlane v3, v2  }
0xa1: {  	[tilespmem:s24], [sflag:$0x2] =	stream.indirect_vreg.gather [hbm4b:s2+s5], $0x80, v4, vm0, $0xb8;
	[tilespmem:$0x18200] =	vst v63  }
0xa2: {  	s26 =	simm.s32 $0x12A00;
	v3 =	vadd.s32 v1, v3  }
0xa3: {  	[tilespmem:s26], [sflag:$0x2] =	stream.indirect_vreg.gather [hbm4b:s13+s5], $0x80, v4, vm0, $0xb8;
	[tilespmem:$0x18200] =	vst v63  }
0xa4: {  	s28 =	simm.s32 $0x13200  }
0xa5: {  	[tilespmem:s28], [sflag:$0x2] =	stream.indirect_vreg.gather [hbm4b:s14+s5], $0x80, v4, vm0, $0xb8;
	[tilespmem:$0x18200] =	vst v63  }
0xa6: {  	s29 =	simm.s32 $0x13A00  }
0xa7: {  	[tilespmem:s29], [sflag:$0x2] =	stream.indirect_vreg.gather [hbm4b:s2+s5], $0x80, v3, vm0, $0xb8;
	[tilespmem:$0x18200] =	vst v63  }
0xa8: {  	s30 =	simm.s32 $0x14200  }
0xa9: {  	[tilespmem:s30], [sflag:$0x2] =	stream.indirect_vreg.gather [hbm4b:s13+s5], $0x80, v3, vm0, $0xb8;
	[tilespmem:$0x18200] =	vst v63  }
0xaa: {  	s17 =	simm.s32 $0x14A00  }
0xab: {  	[tilespmem:s17], [sflag:$0x2] =	stream.indirect_vreg.gather [hbm4b:s14+s5], $0x80, v3, vm0, $0xb8;
	[tilespmem:$0x18200] =	vst v63  }
0xac: {  	v3 =	vld [tilespmem:$0x190];
	_ =	sdelay $0x4  }
0xad: {  	v4 =	vshrl.u32 v3, $0x3  }
0xae: {  	v4 =	vmul.u32 $0x30, v4  }
0xaf: {  	v3 =	vand.u32 $0x7, v3  }
0xb0: {  	v3 =	vor.u32 v3, v4  }
0xb1: {  	v4 =	vperm.xlane v3, v0;
	_ =	sdelay $0x1  }
0xb2: {  	v4 =	vadd.s32 v1, v4;
	_ =	sdelay $0x3  }
0xb3: {  	s20 =	simm.s32 $0x15200;
	v3 =	vperm.xlane v3, v2  }
0xb4: {  	[tilespmem:s20], [sflag:$0x2] =	stream.indirect_vreg.gather [hbm4b:s2+s5], $0x80, v4, vm0, $0xb8;
	[tilespmem:$0x18200] =	vst v63  }
0xb5: {  	s21 =	simm.s32 $0x15A00;
	v3 =	vadd.s32 v1, v3  }
0xb6: {  	[tilespmem:s21], [sflag:$0x2] =	stream.indirect_vreg.gather [hbm4b:s13+s5], $0x80, v4, vm0, $0xb8;
	[tilespmem:$0x18200] =	vst v63  }
0xb7: {  	s24 =	simm.s32 $0x16200  }
0xb8: {  	[tilespmem:s24], [sflag:$0x2] =	stream.indirect_vreg.gather [hbm4b:s14+s5], $0x80, v4, vm0, $0xb8;
	[tilespmem:$0x18200] =	vst v63  }
0xb9: {  	s26 =	simm.s32 $0x16A00  }
0xba: {  	[tilespmem:s26], [sflag:$0x2] =	stream.indirect_vreg.gather [hbm4b:s2+s5], $0x80, v3, vm0, $0xb8;
	[tilespmem:$0x18200] =	vst v63  }
0xbb: {  	s28 =	simm.s32 $0x17200  }
0xbc: {  	[tilespmem:s28], [sflag:$0x2] =	stream.indirect_vreg.gather [hbm4b:s13+s5], $0x80, v3, vm0, $0xb8;
	[tilespmem:$0x18200] =	vst v63  }
0xbd: {  	_ = 	snop  }
0xbe: {  	[tilespmem:s31], [sflag:$0x2] =	stream.indirect_vreg.gather [hbm4b:s14+s5], $0x80, v3, vm0, $0xb8;
	[tilespmem:$0x18200] =	vst v63  }
0xbf: {  	_ =	swait.ge [sflag:s0], $0x6000  }
0xc0: {  	[sflag:s0] =	ssyncset.done $0x0  }
0xc1: {  	s29 =	simm.s32 $0x0;
	[sflag:s0] =	ssyncadd.s32 $0xFFFFA000  }
0xc2: {  	s15 =	smul.u32 $0x1800, s29;
	_ =	swait.ge [sflag:s0], $0x6000  }
0xc3: {  	s30 =	sand.u32 $0x380, s5;
	[sflag:s0] =	ssyncset.done $0x0  }
0xc4: {  	s15 =	sor.u32 s30, s15;
	[sflag:s0] =	ssyncadd.s32 $0xFFFFA000  }
0xc5: {  	v3 =	vld [tilespmem:s15+$0xD670]  }
0xc6: {  	v6 =	vld [tilespmem:s15+$0xC200]  }
0xc7: {  	v7 =	vld [tilespmem:s15+$0xC210]  }
0xc8: {  	v8 =	vld [tilespmem:s15+$0xC220]  }
0xc9: {  	v9 =	vld [tilespmem:s15+$0xC230]  }
0xca: {  	v10 =	vld [tilespmem:s15+$0xC240]  }
0xcb: {  	v11 =	vld [tilespmem:s15+$0xC250]  }
0xcc: {  	v12 =	vld [tilespmem:s15+$0xC260]  }
0xcd: {  	v13 =	vld [tilespmem:s15+$0xC270]  }
0xce: {  	v14 =	vld [tilespmem:s15+$0xC600]  }
0xcf: {  	v15 =	vld [tilespmem:s15+$0xC610]  }
0xd0: {  	v16 =	vld [tilespmem:s15+$0xC620]  }
0xd1: {  	v17 =	vld [tilespmem:s15+$0xC630]  }
0xd2: {  	v18 =	vld [tilespmem:s15+$0xC640]  }
0xd3: {  	v19 =	vld [tilespmem:s15+$0xC650]  }
0xd4: {  	v20 =	vld [tilespmem:s15+$0xC660]  }
0xd5: {  	v21 =	vld [tilespmem:s15+$0xC670]  }
0xd6: {  	v22 =	vld [tilespmem:s15+$0xCA00]  }
0xd7: {  	v23 =	vld [tilespmem:s15+$0xCA10]  }
0xd8: {  	v24 =	vld [tilespmem:s15+$0xCA20]  }
0xd9: {  	v25 =	vld [tilespmem:s15+$0xCA30]  }
0xda: {  	v26 =	vld [tilespmem:s15+$0xCA40]  }
0xdb: {  	v27 =	vld [tilespmem:s15+$0xCA50]  }
0xdc: {  	v28 =	vld [tilespmem:s15+$0xCA60]  }
0xdd: {  	v29 =	vld [tilespmem:s15+$0xCA70]  }
0xde: {  	v30 =	vld [tilespmem:s15+$0xCE00]  }
0xdf: {  	v31 =	vld [tilespmem:s15+$0xCE10]  }
0xe0: {  	v32 =	vld [tilespmem:s15+$0xCE20]  }
0xe1: {  	v33 =	vld [tilespmem:s15+$0xCE30]  }
0xe2: {  	v34 =	vld [tilespmem:s15+$0xCE40]  }
0xe3: {  	v35 =	vld [tilespmem:s15+$0xCE50]  }
0xe4: {  	v36 =	vld [tilespmem:s15+$0xCE60]  }
0xe5: {  	v37 =	vld [tilespmem:s15+$0xCE70]  }
0xe6: {  	v38 =	vld [tilespmem:s15+$0xD200]  }
0xe7: {  	v39 =	vld [tilespmem:s15+$0xD210]  }
0xe8: {  	v40 =	vld [tilespmem:s15+$0xD220]  }
0xe9: {  	v41 =	vld [tilespmem:s15+$0xD230]  }
0xea: {  	v42 =	vld [tilespmem:s15+$0xD240]  }
0xeb: {  	v43 =	vld [tilespmem:s15+$0xD250]  }
0xec: {  	v44 =	vld [tilespmem:s15+$0xD260]  }
0xed: {  	v45 =	vld [tilespmem:s15+$0xD270]  }
0xee: {  	v46 =	vld [tilespmem:s15+$0xD600]  }
0xef: {  	v47 =	vld [tilespmem:s15+$0xD610]  }
0xf0: {  	v48 =	vld [tilespmem:s15+$0xD620]  }
0xf1: {  	v49 =	vld [tilespmem:s15+$0xD630]  }
0xf2: {  	v5 =	vld [tilespmem:s15+$0xD640]  }
0xf3: {  	v4 =	vld [tilespmem:s15+$0xD650]  }
0xf4: {  	[tilespmem:s15+$0x1670] =	vst.add.f32.msk $0xffff, v3  }
0xf5: {  	v3 =	vld [tilespmem:s15+$0xD660]  }
0xf6: {  	[tilespmem:s15+$0x200] =	vst.add.f32.msk $0xffff, v6  }
0xf7: {  	[tilespmem:s15+$0x210] =	vst.add.f32.msk $0xffff, v7  }
0xf8: {  	[tilespmem:s15+$0x220] =	vst.add.f32.msk $0xffff, v8  }
0xf9: {  	[tilespmem:s15+$0x230] =	vst.add.f32.msk $0xffff, v9  }
0xfa: {  	[tilespmem:s15+$0x240] =	vst.add.f32.msk $0xffff, v10  }
0xfb: {  	[tilespmem:s15+$0x250] =	vst.add.f32.msk $0xffff, v11  }
0xfc: {  	[tilespmem:s15+$0x260] =	vst.add.f32.msk $0xffff, v12  }
0xfd: {  	[tilespmem:s15+$0x270] =	vst.add.f32.msk $0xffff, v13  }
0xfe: {  	[tilespmem:s15+$0x600] =	vst.add.f32.msk $0xffff, v14  }
0xff: {  	[tilespmem:s15+$0x610] =	vst.add.f32.msk $0xffff, v15  }
0x100: {  	[tilespmem:s15+$0x620] =	vst.add.f32.msk $0xffff, v16  }
0x101: {  	[tilespmem:s15+$0x630] =	vst.add.f32.msk $0xffff, v17  }
0x102: {  	[tilespmem:s15+$0x640] =	vst.add.f32.msk $0xffff, v18  }
0x103: {  	[tilespmem:s15+$0x650] =	vst.add.f32.msk $0xffff, v19  }
0x104: {  	[tilespmem:s15+$0x660] =	vst.add.f32.msk $0xffff, v20  }
0x105: {  	[tilespmem:s15+$0x670] =	vst.add.f32.msk $0xffff, v21  }
0x106: {  	[tilespmem:s15+$0xA00] =	vst.add.f32.msk $0xffff, v22  }
0x107: {  	[tilespmem:s15+$0xA10] =	vst.add.f32.msk $0xffff, v23  }
0x108: {  	[tilespmem:s15+$0xA20] =	vst.add.f32.msk $0xffff, v24  }
0x109: {  	[tilespmem:s15+$0xA30] =	vst.add.f32.msk $0xffff, v25  }
0x10a: {  	[tilespmem:s15+$0xA40] =	vst.add.f32.msk $0xffff, v26  }
0x10b: {  	[tilespmem:s15+$0xA50] =	vst.add.f32.msk $0xffff, v27  }
0x10c: {  	[tilespmem:s15+$0xA60] =	vst.add.f32.msk $0xffff, v28  }
0x10d: {  	[tilespmem:s15+$0xA70] =	vst.add.f32.msk $0xffff, v29  }
0x10e: {  	[tilespmem:s15+$0xE00] =	vst.add.f32.msk $0xffff, v30  }
0x10f: {  	[tilespmem:s15+$0xE10] =	vst.add.f32.msk $0xffff, v31  }
0x110: {  	[tilespmem:s15+$0xE20] =	vst.add.f32.msk $0xffff, v32  }
0x111: {  	[tilespmem:s15+$0xE30] =	vst.add.f32.msk $0xffff, v33  }
0x112: {  	[tilespmem:s15+$0xE40] =	vst.add.f32.msk $0xffff, v34  }
0x113: {  	[tilespmem:s15+$0xE50] =	vst.add.f32.msk $0xffff, v35  }
0x114: {  	[tilespmem:s15+$0xE60] =	vst.add.f32.msk $0xffff, v36  }
0x115: {  	[tilespmem:s15+$0xE70] =	vst.add.f32.msk $0xffff, v37  }
0x116: {  	[tilespmem:s15+$0x1200] =	vst.add.f32.msk $0xffff, v38  }
0x117: {  	[tilespmem:s15+$0x1210] =	vst.add.f32.msk $0xffff, v39  }
0x118: {  	[tilespmem:s15+$0x1220] =	vst.add.f32.msk $0xffff, v40  }
0x119: {  	[tilespmem:s15+$0x1230] =	vst.add.f32.msk $0xffff, v41  }
0x11a: {  	[tilespmem:s15+$0x1240] =	vst.add.f32.msk $0xffff, v42  }
0x11b: {  	[tilespmem:s15+$0x1250] =	vst.add.f32.msk $0xffff, v43  }
0x11c: {  	[tilespmem:s15+$0x1260] =	vst.add.f32.msk $0xffff, v44  }
0x11d: {  	[tilespmem:s15+$0x1270] =	vst.add.f32.msk $0xffff, v45  }
0x11e: {  	[tilespmem:s15+$0x1600] =	vst.add.f32.msk $0xffff, v46  }
0x11f: {  	[tilespmem:s15+$0x1610] =	vst.add.f32.msk $0xffff, v47  }
0x120: {  	[tilespmem:s15+$0x1620] =	vst.add.f32.msk $0xffff, v48  }
0x121: {  	s17 =	simm.s32 $0x0;
	s20 =	simm.s32 $0x2;
	s21 =	simm.s32 $0x0;
	[tilespmem:s15+$0x1630] =	vst.add.f32.msk $0xffff, v49  }
.LBB2_2:
0x122: {  	p0 =	sne.s32 s20, $0x1F;
	s21 =	smul.u32 $0x1800, s21;
	[tilespmem:s15+$0x1640] =	vst.add.f32.msk $0xffff, v5;
	s17 =	sadd.s32 $0x80, s17  }
0x123: {  	s24 =	sand.u32 $0x380, s17;
	[tilespmem:s15+$0x1650] =	vst.add.f32.msk $0xffff, v4  }
0x124: {  	[tilespmem:s15+$0x1660] =	vst.add.f32.msk $0xffff, v3;
	s15 =	sor.u32 s24, s21  }
0x125: {  	v3 =	vld [tilespmem:s15+$0xD670]  }
0x126: {  	v6 =	vld [tilespmem:s15+$0xC200]  }
0x127: {  	v7 =	vld [tilespmem:s15+$0xC210]  }
0x128: {  	v8 =	vld [tilespmem:s15+$0xC220]  }
0x129: {  	v9 =	vld [tilespmem:s15+$0xC230]  }
0x12a: {  	[tilespmem:s15+$0x1670] =	vst.add.f32.msk $0xffff, v3  }
0x12b: {  	v10 =	vld [tilespmem:s15+$0xC240]  }
0x12c: {  	v11 =	vld [tilespmem:s15+$0xC250]  }
0x12d: {  	v12 =	vld [tilespmem:s15+$0xC260]  }
0x12e: {  	v13 =	vld [tilespmem:s15+$0xC270]  }
0x12f: {  	v14 =	vld [tilespmem:s15+$0xC600]  }
0x130: {  	v15 =	vld [tilespmem:s15+$0xC610]  }
0x131: {  	v16 =	vld [tilespmem:s15+$0xC620]  }
0x132: {  	v17 =	vld [tilespmem:s15+$0xC630]  }
0x133: {  	v18 =	vld [tilespmem:s15+$0xC640]  }
0x134: {  	v19 =	vld [tilespmem:s15+$0xC650]  }
0x135: {  	v20 =	vld [tilespmem:s15+$0xC660]  }
0x136: {  	v21 =	vld [tilespmem:s15+$0xC670]  }
0x137: {  	v22 =	vld [tilespmem:s15+$0xCA00]  }
0x138: {  	v23 =	vld [tilespmem:s15+$0xCA10]  }
0x139: {  	v24 =	vld [tilespmem:s15+$0xCA20]  }
0x13a: {  	v25 =	vld [tilespmem:s15+$0xCA30]  }
0x13b: {  	v26 =	vld [tilespmem:s15+$0xCA40]  }
0x13c: {  	v27 =	vld [tilespmem:s15+$0xCA50]  }
0x13d: {  	v28 =	vld [tilespmem:s15+$0xCA60]  }
0x13e: {  	v29 =	vld [tilespmem:s15+$0xCA70]  }
0x13f: {  	v30 =	vld [tilespmem:s15+$0xCE00]  }
0x140: {  	v31 =	vld [tilespmem:s15+$0xCE10]  }
0x141: {  	v32 =	vld [tilespmem:s15+$0xCE20]  }
0x142: {  	v33 =	vld [tilespmem:s15+$0xCE30]  }
0x143: {  	v34 =	vld [tilespmem:s15+$0xCE40]  }
0x144: {  	v35 =	vld [tilespmem:s15+$0xCE50]  }
0x145: {  	v36 =	vld [tilespmem:s15+$0xCE60]  }
0x146: {  	v37 =	vld [tilespmem:s15+$0xCE70]  }
0x147: {  	v38 =	vld [tilespmem:s15+$0xD200]  }
0x148: {  	v39 =	vld [tilespmem:s15+$0xD210]  }
0x149: {  	v40 =	vld [tilespmem:s15+$0xD220]  }
0x14a: {  	v41 =	vld [tilespmem:s15+$0xD230]  }
0x14b: {  	v42 =	vld [tilespmem:s15+$0xD240]  }
0x14c: {  	v43 =	vld [tilespmem:s15+$0xD250]  }
0x14d: {  	v44 =	vld [tilespmem:s15+$0xD260]  }
0x14e: {  	v45 =	vld [tilespmem:s15+$0xD270]  }
0x14f: {  	v46 =	vld [tilespmem:s15+$0xD600]  }
0x150: {  	v47 =	vld [tilespmem:s15+$0xD610]  }
0x151: {  	v48 =	vld [tilespmem:s15+$0xD620]  }
0x152: {  	v49 =	vld [tilespmem:s15+$0xD630]  }
0x153: {  	v5 =	vld [tilespmem:s15+$0xD640]  }
0x154: {  	v4 =	vld [tilespmem:s15+$0xD650]  }
0x155: {  	v3 =	vld [tilespmem:s15+$0xD660]  }
0x156: {  	[tilespmem:s15+$0x200] =	vst.add.f32.msk $0xffff, v6  }
0x157: {  	[tilespmem:s15+$0x210] =	vst.add.f32.msk $0xffff, v7  }
0x158: {  	[tilespmem:s15+$0x220] =	vst.add.f32.msk $0xffff, v8  }
0x159: {  	[tilespmem:s15+$0x230] =	vst.add.f32.msk $0xffff, v9  }
0x15a: {  	[tilespmem:s15+$0x240] =	vst.add.f32.msk $0xffff, v10  }
0x15b: {  	[tilespmem:s15+$0x250] =	vst.add.f32.msk $0xffff, v11  }
0x15c: {  	[tilespmem:s15+$0x260] =	vst.add.f32.msk $0xffff, v12  }
0x15d: {  	[tilespmem:s15+$0x270] =	vst.add.f32.msk $0xffff, v13  }
0x15e: {  	[tilespmem:s15+$0x600] =	vst.add.f32.msk $0xffff, v14  }
0x15f: {  	[tilespmem:s15+$0x610] =	vst.add.f32.msk $0xffff, v15  }
0x160: {  	[tilespmem:s15+$0x620] =	vst.add.f32.msk $0xffff, v16  }
0x161: {  	[tilespmem:s15+$0x630] =	vst.add.f32.msk $0xffff, v17  }
0x162: {  	[tilespmem:s15+$0x640] =	vst.add.f32.msk $0xffff, v18  }
0x163: {  	[tilespmem:s15+$0x650] =	vst.add.f32.msk $0xffff, v19  }
0x164: {  	[tilespmem:s15+$0x660] =	vst.add.f32.msk $0xffff, v20  }
0x165: {  	[tilespmem:s15+$0x670] =	vst.add.f32.msk $0xffff, v21  }
0x166: {  	[tilespmem:s15+$0xA00] =	vst.add.f32.msk $0xffff, v22  }
0x167: {  	[tilespmem:s15+$0xA10] =	vst.add.f32.msk $0xffff, v23  }
0x168: {  	[tilespmem:s15+$0xA20] =	vst.add.f32.msk $0xffff, v24  }
0x169: {  	[tilespmem:s15+$0xA30] =	vst.add.f32.msk $0xffff, v25  }
0x16a: {  	[tilespmem:s15+$0xA40] =	vst.add.f32.msk $0xffff, v26  }
0x16b: {  	[tilespmem:s15+$0xA50] =	vst.add.f32.msk $0xffff, v27  }
0x16c: {  	[tilespmem:s15+$0xA60] =	vst.add.f32.msk $0xffff, v28  }
0x16d: {  	[tilespmem:s15+$0xA70] =	vst.add.f32.msk $0xffff, v29  }
0x16e: {  	[tilespmem:s15+$0xE00] =	vst.add.f32.msk $0xffff, v30  }
0x16f: {  	[tilespmem:s15+$0xE10] =	vst.add.f32.msk $0xffff, v31  }
0x170: {  	[tilespmem:s15+$0xE20] =	vst.add.f32.msk $0xffff, v32  }
0x171: {  	[tilespmem:s15+$0xE30] =	vst.add.f32.msk $0xffff, v33  }
0x172: {  	[tilespmem:s15+$0xE40] =	vst.add.f32.msk $0xffff, v34  }
0x173: {  	[tilespmem:s15+$0xE50] =	vst.add.f32.msk $0xffff, v35  }
0x174: {  	[tilespmem:s15+$0xE60] =	vst.add.f32.msk $0xffff, v36  }
0x175: {  	[tilespmem:s15+$0xE70] =	vst.add.f32.msk $0xffff, v37  }
0x176: {  	[tilespmem:s15+$0x1200] =	vst.add.f32.msk $0xffff, v38  }
0x177: {  	[tilespmem:s15+$0x1210] =	vst.add.f32.msk $0xffff, v39  }
0x178: {  	[tilespmem:s15+$0x1220] =	vst.add.f32.msk $0xffff, v40  }
0x179: {  	[tilespmem:s15+$0x1230] =	vst.add.f32.msk $0xffff, v41  }
0x17a: {  	[tilespmem:s15+$0x1240] =	vst.add.f32.msk $0xffff, v42  }
0x17b: {  	[tilespmem:s15+$0x1250] =	vst.add.f32.msk $0xffff, v43  }
0x17c: {  	[tilespmem:s15+$0x1260] =	vst.add.f32.msk $0xffff, v44  }
.Ltmp0:
0x17d: {  	[tilespmem:s15+$0x1270] =	vst.add.f32.msk $0xffff, v45;
	(pc) =	sbr.rel @p0 .LBB2_2-.Ltmp0, $4  }
0x17e: {  	[tilespmem:s15+$0x1600] =	vst.add.f32.msk $0xffff, v46  }
0x17f: {  	[tilespmem:s15+$0x1610] =	vst.add.f32.msk $0xffff, v47  }
0x180: {  	[tilespmem:s15+$0x1620] =	vst.add.f32.msk $0xffff, v48  }
0x181: {  	s21 =	sshrl.u32 s20, $0x3;
	s20 =	sadd.s32 $0x1, s20;
	[tilespmem:s15+$0x1630] =	vst.add.f32.msk $0xffff, v49  }
0x182: {  	s20 =	smul.u32 $0x1800, s21;
	[tilespmem:s15+$0x1640] =	vst.add.f32.msk $0xffff, v5;
	s17 =	sadd.s32 $0x80, s17  }
0x183: {  	[tilespmem:s15+$0x1650] =	vst.add.f32.msk $0xffff, v4;
	s17 =	sand.u32 $0x380, s17  }
0x184: {  	[tilespmem:s15+$0x1660] =	vst.add.f32.msk $0xffff, v3;
	s17 =	sor.u32 s17, s20  }
0x185: {  	v3 =	vld [tilespmem:s17+$0xD670]  }
0x186: {  	v62 =	vld [tilespmem:s17+$0xC200]  }
0x187: {  	v63 =	vld [tilespmem:s17+$0xC210]  }
0x188: {  	v6 =	vld [tilespmem:s17+$0xC220]  }
0x189: {  	v7 =	vld [tilespmem:s17+$0xC230]  }
0x18a: {  	v8 =	vld [tilespmem:s17+$0xC250]  }
0x18b: {  	v9 =	vld [tilespmem:s17+$0xC260]  }
0x18c: {  	v10 =	vld [tilespmem:s17+$0xC270]  }
0x18d: {  	v11 =	vld [tilespmem:s17+$0xC600]  }
0x18e: {  	v12 =	vld [tilespmem:s17+$0xC610]  }
0x18f: {  	v13 =	vld [tilespmem:s17+$0xC620]  }
0x190: {  	v14 =	vld [tilespmem:s17+$0xC630]  }
0x191: {  	v15 =	vld [tilespmem:s17+$0xC640]  }
0x192: {  	v16 =	vld [tilespmem:s17+$0xC650]  }
0x193: {  	v17 =	vld [tilespmem:s17+$0xC660]  }
0x194: {  	v18 =	vld [tilespmem:s17+$0xC670]  }
0x195: {  	v19 =	vld [tilespmem:s17+$0xCA00]  }
0x196: {  	v20 =	vld [tilespmem:s17+$0xCA10]  }
0x197: {  	v21 =	vld [tilespmem:s17+$0xCA20]  }
0x198: {  	v22 =	vld [tilespmem:s17+$0xCA30]  }
0x199: {  	v23 =	vld [tilespmem:s17+$0xCA40]  }
0x19a: {  	v24 =	vld [tilespmem:s17+$0xCA50]  }
0x19b: {  	v25 =	vld [tilespmem:s17+$0xCA60]  }
0x19c: {  	v26 =	vld [tilespmem:s17+$0xCA70]  }
0x19d: {  	v27 =	vld [tilespmem:s17+$0xCE00]  }
0x19e: {  	v28 =	vld [tilespmem:s17+$0xCE10]  }
0x19f: {  	v29 =	vld [tilespmem:s17+$0xCE20]  }
0x1a0: {  	v30 =	vld [tilespmem:s17+$0xCE30]  }
0x1a1: {  	v31 =	vld [tilespmem:s17+$0xCE40]  }
0x1a2: {  	v32 =	vld [tilespmem:s17+$0xCE50]  }
0x1a3: {  	v33 =	vld [tilespmem:s17+$0xCE60]  }
0x1a4: {  	v34 =	vld [tilespmem:s17+$0xCE70]  }
0x1a5: {  	v35 =	vld [tilespmem:s17+$0xD200]  }
0x1a6: {  	v36 =	vld [tilespmem:s17+$0xD210]  }
0x1a7: {  	v37 =	vld [tilespmem:s17+$0xD220]  }
0x1a8: {  	v38 =	vld [tilespmem:s17+$0xD230]  }
0x1a9: {  	v39 =	vld [tilespmem:s17+$0xD240]  }
0x1aa: {  	v40 =	vld [tilespmem:s17+$0xD250]  }
0x1ab: {  	v41 =	vld [tilespmem:s17+$0xD260]  }
0x1ac: {  	v42 =	vld [tilespmem:s17+$0xD270]  }
0x1ad: {  	v43 =	vld [tilespmem:s17+$0xD600]  }
0x1ae: {  	v44 =	vld [tilespmem:s17+$0xD610]  }
0x1af: {  	v45 =	vld [tilespmem:s17+$0xD620]  }
0x1b0: {  	v46 =	vld [tilespmem:s17+$0xD630]  }
0x1b1: {  	v47 =	vld [tilespmem:s17+$0xD640]  }
0x1b2: {  	v48 =	vld [tilespmem:s17+$0xD650]  }
0x1b3: {  	v49 =	vld [tilespmem:s17+$0xD660]  }
0x1b4: {  	[tilespmem:s17+$0x1670] =	vst.add.f32.msk $0xffff, v3  }
0x1b5: {  	v3 =	vld [tilespmem:s17+$0xC240]  }
0x1b6: {  	[tilespmem:s17+$0x200] =	vst.add.f32.msk $0xffff, v62  }
0x1b7: {  	[tilespmem:s17+$0x210] =	vst.add.f32.msk $0xffff, v63  }
0x1b8: {  	[tilespmem:s17+$0x220] =	vst.add.f32.msk $0xffff, v6  }
0x1b9: {  	[tilespmem:s17+$0x230] =	vst.add.f32.msk $0xffff, v7  }
0x1ba: {  	[tilespmem:s17+$0x250] =	vst.add.f32.msk $0xffff, v8  }
0x1bb: {  	[tilespmem:s17+$0x260] =	vst.add.f32.msk $0xffff, v9  }
0x1bc: {  	[tilespmem:s17+$0x270] =	vst.add.f32.msk $0xffff, v10  }
0x1bd: {  	[tilespmem:s17+$0x600] =	vst.add.f32.msk $0xffff, v11  }
0x1be: {  	[tilespmem:s17+$0x610] =	vst.add.f32.msk $0xffff, v12  }
0x1bf: {  	[tilespmem:s17+$0x620] =	vst.add.f32.msk $0xffff, v13  }
0x1c0: {  	[tilespmem:s17+$0x630] =	vst.add.f32.msk $0xffff, v14  }
0x1c1: {  	[tilespmem:s17+$0x640] =	vst.add.f32.msk $0xffff, v15  }
0x1c2: {  	[tilespmem:s17+$0x650] =	vst.add.f32.msk $0xffff, v16  }
0x1c3: {  	[tilespmem:s17+$0x660] =	vst.add.f32.msk $0xffff, v17  }
0x1c4: {  	[tilespmem:s17+$0x670] =	vst.add.f32.msk $0xffff, v18  }
0x1c5: {  	[tilespmem:s17+$0xA00] =	vst.add.f32.msk $0xffff, v19  }
0x1c6: {  	[tilespmem:s17+$0xA10] =	vst.add.f32.msk $0xffff, v20  }
0x1c7: {  	[tilespmem:s17+$0xA20] =	vst.add.f32.msk $0xffff, v21  }
0x1c8: {  	[tilespmem:s17+$0xA30] =	vst.add.f32.msk $0xffff, v22  }
0x1c9: {  	[tilespmem:s17+$0xA40] =	vst.add.f32.msk $0xffff, v23  }
0x1ca: {  	[tilespmem:s17+$0xA50] =	vst.add.f32.msk $0xffff, v24  }
0x1cb: {  	[tilespmem:s17+$0xA60] =	vst.add.f32.msk $0xffff, v25  }
0x1cc: {  	[tilespmem:s17+$0xA70] =	vst.add.f32.msk $0xffff, v26  }
0x1cd: {  	[tilespmem:s17+$0xE00] =	vst.add.f32.msk $0xffff, v27  }
0x1ce: {  	[tilespmem:s17+$0xE10] =	vst.add.f32.msk $0xffff, v28  }
0x1cf: {  	[tilespmem:s17+$0xE20] =	vst.add.f32.msk $0xffff, v29  }
0x1d0: {  	[tilespmem:s17+$0xE30] =	vst.add.f32.msk $0xffff, v30  }
0x1d1: {  	[tilespmem:s17+$0xE40] =	vst.add.f32.msk $0xffff, v31  }
0x1d2: {  	[tilespmem:s17+$0xE50] =	vst.add.f32.msk $0xffff, v32  }
0x1d3: {  	[tilespmem:s17+$0xE60] =	vst.add.f32.msk $0xffff, v33  }
0x1d4: {  	[tilespmem:s17+$0xE70] =	vst.add.f32.msk $0xffff, v34  }
0x1d5: {  	[tilespmem:s17+$0x1200] =	vst.add.f32.msk $0xffff, v35  }
0x1d6: {  	[tilespmem:s17+$0x1210] =	vst.add.f32.msk $0xffff, v36  }
0x1d7: {  	[tilespmem:s17+$0x1220] =	vst.add.f32.msk $0xffff, v37  }
0x1d8: {  	[tilespmem:s17+$0x1230] =	vst.add.f32.msk $0xffff, v38  }
0x1d9: {  	[tilespmem:s17+$0x1240] =	vst.add.f32.msk $0xffff, v39  }
0x1da: {  	[tilespmem:s17+$0x1250] =	vst.add.f32.msk $0xffff, v40  }
0x1db: {  	[tilespmem:s17+$0x1260] =	vst.add.f32.msk $0xffff, v41  }
0x1dc: {  	[tilespmem:s17+$0x1270] =	vst.add.f32.msk $0xffff, v42  }
0x1dd: {  	[tilespmem:s17+$0x1600] =	vst.add.f32.msk $0xffff, v43  }
0x1de: {  	[tilespmem:s17+$0x1610] =	vst.add.f32.msk $0xffff, v44  }
0x1df: {  	[tilespmem:s17+$0x1620] =	vst.add.f32.msk $0xffff, v45  }
0x1e0: {  	[tilespmem:s17+$0x1630] =	vst.add.f32.msk $0xffff, v46  }
0x1e1: {  	[tilespmem:s17+$0x1640] =	vst.add.f32.msk $0xffff, v47  }
0x1e2: {  	[tilespmem:s17+$0x1650] =	vst.add.f32.msk $0xffff, v48  }
0x1e3: {  	[tilespmem:s17+$0x1660] =	vst.add.f32.msk $0xffff, v49  }
0x1e4: {  	[tilespmem:s17+$0x240] =	vst.add.f32.msk $0xffff, v3  }
0x1e5: {  	s15 =	simm.s32 $0x0;
	s17 =	rddreg [dreg:$0x8]  }
0x1e6: {  	[hbm4b:s17+s15] =	stream.linear.scatter [tilespmem:s25], [sflag:$0x3], $0x6000, $0x38;
	[tilespmem:$0x18200] =	vst v63  }
0x1e7: {  	s17 =	simm.s32 $0x0  }
.LBB2_4:
0x1e8: {  	_ =	swait.ge [sflag:s3], $0x6000  }
0x1e9: {  	[sflag:s3] =	ssyncset.done $0x0  }
0x1ea: {  	[sflag:s3] =	ssyncadd.s32 $0xFFFFA000  }
0x1eb: {  	_ =	swait.ge [sflag:s3], $0x6000  }
0x1ec: {  	[sflag:s3] =	ssyncset.done $0x0  }
0x1ed: {  	s21 =	sshll.u32 s17, $0x6;
	[sflag:s3] =	ssyncadd.s32 $0xFFFFA000  }
0x1ee: {  	s20 =	sadd.s32 s21, s18;
	_ =	swait.ge [sflag:s9], $0x6000  }
0x1ef: {  	s20 =	sshrl.u32 s20, $0x3;
	[sflag:s9] =	ssyncset.done $0x0  }
0x1f0: {  	s24 =	sadd.s32 s4, s20;
	[sflag:s9] =	ssyncadd.s32 $0xFFFFA000  }
0x1f1: {  	[tilespmem:s15], [sflag:$0x5] =	stream.linear.gather [hbm4b:s24+s15], $0x20, $0x38;
	[tilespmem:$0x18200] =	vst v63  }
0x1f2: {  	_ =	swait.ge [sflag:s23], $0x20  }
0x1f3: {  	[sflag:s23] =	ssyncset.done $0x0  }
0x1f4: {  	s26 =	simm.s32 $0x100;
	s30 =	sadd.s32 s7, s20;
	[sflag:s23] =	ssyncadd.s32 $0xFFFFFFE0  }
0x1f5: {  	[tilespmem:s26], [sflag:$0x5] =	stream.linear.gather [hbm4b:s30+s15], $0x20, $0x38;
	[tilespmem:$0x18200] =	vst v63  }
0x1f6: {  	_ =	swait.ge [sflag:s23], $0x20  }
0x1f7: {  	[sflag:s23] =	ssyncset.done $0x0  }
0x1f8: {  	[sflag:s23] =	ssyncadd.s32 $0xFFFFFFE0  }
0x1f9: {  	v3 =	vld [tilespmem:$0x0];
	_ =	sdelay $0x4  }
0x1fa: {  	v4 =	vshrl.u32 v3, $0x3  }
0x1fb: {  	v4 =	vmul.u32 $0x30, v4  }
0x1fc: {  	v3 =	vand.u32 $0x7, v3  }
0x1fd: {  	v3 =	vor.u32 v3, v4  }
0x1fe: {  	v4 =	vperm.xlane v3, v0;
	_ =	sdelay $0x1  }
0x1ff: {  	v4 =	vadd.s32 v1, v4;
	_ =	sdelay $0x3  }
0x200: {  	v3 =	vperm.xlane v3, v2  }
0x201: {  	[tilespmem:s25], [sflag:$0x1] =	stream.indirect_vreg.gather [hbm4b:s1+s15], $0x80, v4, vm0, $0xb8;
	[tilespmem:$0x18200] =	vst v63  }
0x202: {  	s30 =	simm.s32 $0xA00;
	v3 =	vadd.s32 v1, v3  }
0x203: {  	[tilespmem:s30], [sflag:$0x1] =	stream.indirect_vreg.gather [hbm4b:s11+s15], $0x80, v4, vm0, $0xb8;
	[tilespmem:$0x18200] =	vst v63  }
0x204: {  	s26 =	simm.s32 $0x1200  }
0x205: {  	[tilespmem:s26], [sflag:$0x1] =	stream.indirect_vreg.gather [hbm4b:s12+s15], $0x80, v4, vm0, $0xb8;
	[tilespmem:$0x18200] =	vst v63  }
0x206: {  	s30 =	simm.s32 $0x1A00  }
0x207: {  	[tilespmem:s30], [sflag:$0x1] =	stream.indirect_vreg.gather [hbm4b:s1+s15], $0x80, v3, vm0, $0xb8;
	[tilespmem:$0x18200] =	vst v63  }
0x208: {  	s26 =	simm.s32 $0x2200  }
0x209: {  	[tilespmem:s26], [sflag:$0x1] =	stream.indirect_vreg.gather [hbm4b:s11+s15], $0x80, v3, vm0, $0xb8;
	[tilespmem:$0x18200] =	vst v63  }
0x20a: {  	s30 =	simm.s32 $0x2A00  }
0x20b: {  	[tilespmem:s30], [sflag:$0x1] =	stream.indirect_vreg.gather [hbm4b:s12+s15], $0x80, v3, vm0, $0xb8;
	[tilespmem:$0x18200] =	vst v63  }
0x20c: {  	v3 =	vld [tilespmem:$0x10];
	_ =	sdelay $0x4  }
0x20d: {  	v4 =	vshrl.u32 v3, $0x3  }
0x20e: {  	v4 =	vmul.u32 $0x30, v4  }
0x20f: {  	v3 =	vand.u32 $0x7, v3  }
0x210: {  	v3 =	vor.u32 v3, v4  }
0x211: {  	v4 =	vperm.xlane v3, v0;
	_ =	sdelay $0x1  }
0x212: {  	v4 =	vadd.s32 v1, v4;
	_ =	sdelay $0x3  }
0x213: {  	s26 =	simm.s32 $0x3200;
	v3 =	vperm.xlane v3, v2  }
0x214: {  	[tilespmem:s26], [sflag:$0x1] =	stream.indirect_vreg.gather [hbm4b:s1+s15], $0x80, v4, vm0, $0xb8;
	[tilespmem:$0x18200] =	vst v63  }
0x215: {  	s30 =	simm.s32 $0x3A00;
	v3 =	vadd.s32 v1, v3  }
0x216: {  	[tilespmem:s30], [sflag:$0x1] =	stream.indirect_vreg.gather [hbm4b:s11+s15], $0x80, v4, vm0, $0xb8;
	[tilespmem:$0x18200] =	vst v63  }
0x217: {  	s26 =	simm.s32 $0x4200  }
0x218: {  	[tilespmem:s26], [sflag:$0x1] =	stream.indirect_vreg.gather [hbm4b:s12+s15], $0x80, v4, vm0, $0xb8;
	[tilespmem:$0x18200] =	vst v63  }
0x219: {  	s30 =	simm.s32 $0x4A00  }
0x21a: {  	[tilespmem:s30], [sflag:$0x1] =	stream.indirect_vreg.gather [hbm4b:s1+s15], $0x80, v3, vm0, $0xb8;
	[tilespmem:$0x18200] =	vst v63  }
0x21b: {  	s26 =	simm.s32 $0x5200  }
0x21c: {  	[tilespmem:s26], [sflag:$0x1] =	stream.indirect_vreg.gather [hbm4b:s11+s15], $0x80, v3, vm0, $0xb8;
	[tilespmem:$0x18200] =	vst v63  }
0x21d: {  	s30 =	simm.s32 $0x5A00  }
0x21e: {  	[tilespmem:s30], [sflag:$0x1] =	stream.indirect_vreg.gather [hbm4b:s12+s15], $0x80, v3, vm0, $0xb8;
	[tilespmem:$0x18200] =	vst v63  }
0x21f: {  	v3 =	vld [tilespmem:$0x100];
	_ =	sdelay $0x4  }
0x220: {  	v4 =	vshrl.u32 v3, $0x3  }
0x221: {  	v4 =	vmul.u32 $0x30, v4  }
0x222: {  	v3 =	vand.u32 $0x7, v3  }
0x223: {  	v3 =	vor.u32 v3, v4  }
0x224: {  	v4 =	vperm.xlane v3, v0;
	_ =	sdelay $0x1  }
0x225: {  	v4 =	vadd.s32 v1, v4;
	_ =	sdelay $0x3  }
0x226: {  	s26 =	simm.s32 $0xC200;
	v3 =	vperm.xlane v3, v2  }
0x227: {  	[tilespmem:s26], [sflag:$0x1] =	stream.indirect_vreg.gather [hbm4b:s2+s15], $0x80, v4, vm0, $0xb8;
	[tilespmem:$0x18200] =	vst v63  }
0x228: {  	s30 =	simm.s32 $0xCA00;
	v3 =	vadd.s32 v1, v3  }
0x229: {  	[tilespmem:s30], [sflag:$0x1] =	stream.indirect_vreg.gather [hbm4b:s13+s15], $0x80, v4, vm0, $0xb8;
	[tilespmem:$0x18200] =	vst v63  }
0x22a: {  	s26 =	simm.s32 $0xD200  }
0x22b: {  	[tilespmem:s26], [sflag:$0x1] =	stream.indirect_vreg.gather [hbm4b:s14+s15], $0x80, v4, vm0, $0xb8;
	[tilespmem:$0x18200] =	vst v63  }
0x22c: {  	s30 =	simm.s32 $0xDA00  }
0x22d: {  	[tilespmem:s30], [sflag:$0x1] =	stream.indirect_vreg.gather [hbm4b:s2+s15], $0x80, v3, vm0, $0xb8;
	[tilespmem:$0x18200] =	vst v63  }
0x22e: {  	s26 =	simm.s32 $0xE200  }
0x22f: {  	[tilespmem:s26], [sflag:$0x1] =	stream.indirect_vreg.gather [hbm4b:s13+s15], $0x80, v3, vm0, $0xb8;
	[tilespmem:$0x18200] =	vst v63  }
0x230: {  	s30 =	simm.s32 $0xEA00  }
0x231: {  	[tilespmem:s30], [sflag:$0x1] =	stream.indirect_vreg.gather [hbm4b:s14+s15], $0x80, v3, vm0, $0xb8;
	[tilespmem:$0x18200] =	vst v63  }
0x232: {  	v3 =	vld [tilespmem:$0x110];
	_ =	sdelay $0x4  }
0x233: {  	v4 =	vshrl.u32 v3, $0x3  }
0x234: {  	v4 =	vmul.u32 $0x30, v4  }
0x235: {  	v3 =	vand.u32 $0x7, v3  }
0x236: {  	v3 =	vor.u32 v3, v4  }
0x237: {  	v4 =	vperm.xlane v3, v0;
	_ =	sdelay $0x1  }
0x238: {  	v4 =	vadd.s32 v1, v4;
	_ =	sdelay $0x3  }
0x239: {  	s26 =	simm.s32 $0xF200;
	v3 =	vperm.xlane v3, v2  }
0x23a: {  	[tilespmem:s26], [sflag:$0x1] =	stream.indirect_vreg.gather [hbm4b:s2+s15], $0x80, v4, vm0, $0xb8;
	[tilespmem:$0x18200] =	vst v63  }
0x23b: {  	s30 =	simm.s32 $0xFA00;
	v3 =	vadd.s32 v1, v3  }
0x23c: {  	[tilespmem:s30], [sflag:$0x1] =	stream.indirect_vreg.gather [hbm4b:s13+s15], $0x80, v4, vm0, $0xb8;
	[tilespmem:$0x18200] =	vst v63  }
0x23d: {  	s26 =	simm.s32 $0x10200  }
0x23e: {  	[tilespmem:s26], [sflag:$0x1] =	stream.indirect_vreg.gather [hbm4b:s14+s15], $0x80, v4, vm0, $0xb8;
	[tilespmem:$0x18200] =	vst v63  }
0x23f: {  	s30 =	simm.s32 $0x10A00  }
0x240: {  	[tilespmem:s30], [sflag:$0x1] =	stream.indirect_vreg.gather [hbm4b:s2+s15], $0x80, v3, vm0, $0xb8;
	[tilespmem:$0x18200] =	vst v63  }
0x241: {  	s26 =	simm.s32 $0x11200  }
0x242: {  	[tilespmem:s26], [sflag:$0x1] =	stream.indirect_vreg.gather [hbm4b:s13+s15], $0x80, v3, vm0, $0xb8;
	[tilespmem:$0x18200] =	vst v63  }
0x243: {  	s26 =	simm.s32 $0x0  }
0x244: {  	s30 =	simm.s32 $0x11A00;
	s24 =	smul.u32 $0x1800, s26  }
0x245: {  	[tilespmem:s30], [sflag:$0x1] =	stream.indirect_vreg.gather [hbm4b:s14+s15], $0x80, v3, vm0, $0xb8;
	[tilespmem:$0x18200] =	vst v63  }
0x246: {  	s30 =	sand.u32 $0x380, s15  }
0x247: {  	s24 =	sor.u32 s30, s24  }
0x248: {  	v3 =	vld [tilespmem:s24+$0x13670]  }
0x249: {  	v6 =	vld [tilespmem:s24+$0x12200]  }
0x24a: {  	v7 =	vld [tilespmem:s24+$0x12210]  }
0x24b: {  	v8 =	vld [tilespmem:s24+$0x12220]  }
0x24c: {  	v9 =	vld [tilespmem:s24+$0x12230]  }
0x24d: {  	v10 =	vld [tilespmem:s24+$0x12240]  }
0x24e: {  	v11 =	vld [tilespmem:s24+$0x12250]  }
0x24f: {  	v12 =	vld [tilespmem:s24+$0x12260]  }
0x250: {  	v13 =	vld [tilespmem:s24+$0x12270]  }
0x251: {  	v14 =	vld [tilespmem:s24+$0x12600]  }
0x252: {  	v15 =	vld [tilespmem:s24+$0x12610]  }
0x253: {  	v16 =	vld [tilespmem:s24+$0x12620]  }
0x254: {  	v17 =	vld [tilespmem:s24+$0x12630]  }
0x255: {  	v18 =	vld [tilespmem:s24+$0x12640]  }
0x256: {  	v19 =	vld [tilespmem:s24+$0x12650]  }
0x257: {  	v20 =	vld [tilespmem:s24+$0x12660]  }
0x258: {  	v21 =	vld [tilespmem:s24+$0x12670]  }
0x259: {  	v22 =	vld [tilespmem:s24+$0x12A00]  }
0x25a: {  	v23 =	vld [tilespmem:s24+$0x12A10]  }
0x25b: {  	v24 =	vld [tilespmem:s24+$0x12A20]  }
0x25c: {  	v25 =	vld [tilespmem:s24+$0x12A30]  }
0x25d: {  	v26 =	vld [tilespmem:s24+$0x12A40]  }
0x25e: {  	v27 =	vld [tilespmem:s24+$0x12A50]  }
0x25f: {  	v28 =	vld [tilespmem:s24+$0x12A60]  }
0x260: {  	v29 =	vld [tilespmem:s24+$0x12A70]  }
0x261: {  	v30 =	vld [tilespmem:s24+$0x12E00]  }
0x262: {  	v31 =	vld [tilespmem:s24+$0x12E10]  }
0x263: {  	v32 =	vld [tilespmem:s24+$0x12E20]  }
0x264: {  	v33 =	vld [tilespmem:s24+$0x12E30]  }
0x265: {  	v34 =	vld [tilespmem:s24+$0x12E40]  }
0x266: {  	v35 =	vld [tilespmem:s24+$0x12E50]  }
0x267: {  	v36 =	vld [tilespmem:s24+$0x12E60]  }
0x268: {  	v37 =	vld [tilespmem:s24+$0x12E70]  }
0x269: {  	v38 =	vld [tilespmem:s24+$0x13200]  }
0x26a: {  	v39 =	vld [tilespmem:s24+$0x13210]  }
0x26b: {  	v40 =	vld [tilespmem:s24+$0x13220]  }
0x26c: {  	v41 =	vld [tilespmem:s24+$0x13230]  }
0x26d: {  	v42 =	vld [tilespmem:s24+$0x13240]  }
0x26e: {  	v43 =	vld [tilespmem:s24+$0x13250]  }
0x26f: {  	v44 =	vld [tilespmem:s24+$0x13260]  }
0x270: {  	v45 =	vld [tilespmem:s24+$0x13270]  }
0x271: {  	v46 =	vld [tilespmem:s24+$0x13600]  }
0x272: {  	v47 =	vld [tilespmem:s24+$0x13610]  }
0x273: {  	v48 =	vld [tilespmem:s24+$0x13620]  }
0x274: {  	v49 =	vld [tilespmem:s24+$0x13630]  }
0x275: {  	v5 =	vld [tilespmem:s24+$0x13640]  }
0x276: {  	v4 =	vld [tilespmem:s24+$0x13650]  }
0x277: {  	[tilespmem:s24+$0x7670] =	vst.add.f32.msk $0xffff, v3  }
0x278: {  	v3 =	vld [tilespmem:s24+$0x13660]  }
0x279: {  	[tilespmem:s24+$0x6200] =	vst.add.f32.msk $0xffff, v6  }
0x27a: {  	[tilespmem:s24+$0x6210] =	vst.add.f32.msk $0xffff, v7  }
0x27b: {  	[tilespmem:s24+$0x6220] =	vst.add.f32.msk $0xffff, v8  }
0x27c: {  	[tilespmem:s24+$0x6230] =	vst.add.f32.msk $0xffff, v9  }
0x27d: {  	[tilespmem:s24+$0x6240] =	vst.add.f32.msk $0xffff, v10  }
0x27e: {  	[tilespmem:s24+$0x6250] =	vst.add.f32.msk $0xffff, v11  }
0x27f: {  	[tilespmem:s24+$0x6260] =	vst.add.f32.msk $0xffff, v12  }
0x280: {  	[tilespmem:s24+$0x6270] =	vst.add.f32.msk $0xffff, v13  }
0x281: {  	[tilespmem:s24+$0x6600] =	vst.add.f32.msk $0xffff, v14  }
0x282: {  	[tilespmem:s24+$0x6610] =	vst.add.f32.msk $0xffff, v15  }
0x283: {  	[tilespmem:s24+$0x6620] =	vst.add.f32.msk $0xffff, v16  }
0x284: {  	[tilespmem:s24+$0x6630] =	vst.add.f32.msk $0xffff, v17  }
0x285: {  	[tilespmem:s24+$0x6640] =	vst.add.f32.msk $0xffff, v18  }
0x286: {  	[tilespmem:s24+$0x6650] =	vst.add.f32.msk $0xffff, v19  }
0x287: {  	[tilespmem:s24+$0x6660] =	vst.add.f32.msk $0xffff, v20  }
0x288: {  	[tilespmem:s24+$0x6670] =	vst.add.f32.msk $0xffff, v21  }
0x289: {  	[tilespmem:s24+$0x6A00] =	vst.add.f32.msk $0xffff, v22  }
0x28a: {  	[tilespmem:s24+$0x6A10] =	vst.add.f32.msk $0xffff, v23  }
0x28b: {  	[tilespmem:s24+$0x6A20] =	vst.add.f32.msk $0xffff, v24  }
0x28c: {  	[tilespmem:s24+$0x6A30] =	vst.add.f32.msk $0xffff, v25  }
0x28d: {  	[tilespmem:s24+$0x6A40] =	vst.add.f32.msk $0xffff, v26  }
0x28e: {  	[tilespmem:s24+$0x6A50] =	vst.add.f32.msk $0xffff, v27  }
0x28f: {  	[tilespmem:s24+$0x6A60] =	vst.add.f32.msk $0xffff, v28  }
0x290: {  	[tilespmem:s24+$0x6A70] =	vst.add.f32.msk $0xffff, v29  }
0x291: {  	[tilespmem:s24+$0x6E00] =	vst.add.f32.msk $0xffff, v30  }
0x292: {  	[tilespmem:s24+$0x6E10] =	vst.add.f32.msk $0xffff, v31  }
0x293: {  	[tilespmem:s24+$0x6E20] =	vst.add.f32.msk $0xffff, v32  }
0x294: {  	[tilespmem:s24+$0x6E30] =	vst.add.f32.msk $0xffff, v33  }
0x295: {  	[tilespmem:s24+$0x6E40] =	vst.add.f32.msk $0xffff, v34  }
0x296: {  	[tilespmem:s24+$0x6E50] =	vst.add.f32.msk $0xffff, v35  }
0x297: {  	[tilespmem:s24+$0x6E60] =	vst.add.f32.msk $0xffff, v36  }
0x298: {  	[tilespmem:s24+$0x6E70] =	vst.add.f32.msk $0xffff, v37  }
0x299: {  	[tilespmem:s24+$0x7200] =	vst.add.f32.msk $0xffff, v38  }
0x29a: {  	[tilespmem:s24+$0x7210] =	vst.add.f32.msk $0xffff, v39  }
0x29b: {  	[tilespmem:s24+$0x7220] =	vst.add.f32.msk $0xffff, v40  }
0x29c: {  	[tilespmem:s24+$0x7230] =	vst.add.f32.msk $0xffff, v41  }
0x29d: {  	[tilespmem:s24+$0x7240] =	vst.add.f32.msk $0xffff, v42  }
0x29e: {  	[tilespmem:s24+$0x7250] =	vst.add.f32.msk $0xffff, v43  }
0x29f: {  	[tilespmem:s24+$0x7260] =	vst.add.f32.msk $0xffff, v44  }
0x2a0: {  	[tilespmem:s24+$0x7270] =	vst.add.f32.msk $0xffff, v45  }
0x2a1: {  	[tilespmem:s24+$0x7600] =	vst.add.f32.msk $0xffff, v46  }
0x2a2: {  	[tilespmem:s24+$0x7610] =	vst.add.f32.msk $0xffff, v47  }
0x2a3: {  	[tilespmem:s24+$0x7620] =	vst.add.f32.msk $0xffff, v48  }
0x2a4: {  	s29 =	simm.s32 $0x0;
	s28 =	simm.s32 $0x2;
	s26 =	simm.s32 $0x0;
	[tilespmem:s24+$0x7630] =	vst.add.f32.msk $0xffff, v49  }
.LBB2_5:
0x2a5: {  	p0 =	sne.s32 s28, $0x1F;
	s29 =	smul.u32 $0x1800, s29;
	[tilespmem:s24+$0x7640] =	vst.add.f32.msk $0xffff, v5;
	s26 =	sadd.s32 $0x80, s26  }
0x2a6: {  	s30 =	sand.u32 $0x380, s26;
	[tilespmem:s24+$0x7650] =	vst.add.f32.msk $0xffff, v4  }
0x2a7: {  	[tilespmem:s24+$0x7660] =	vst.add.f32.msk $0xffff, v3;
	s24 =	sor.u32 s30, s29  }
0x2a8: {  	v3 =	vld [tilespmem:s24+$0x13670]  }
0x2a9: {  	v6 =	vld [tilespmem:s24+$0x12200]  }
0x2aa: {  	v7 =	vld [tilespmem:s24+$0x12210]  }
0x2ab: {  	v8 =	vld [tilespmem:s24+$0x12220]  }
0x2ac: {  	v9 =	vld [tilespmem:s24+$0x12230]  }
0x2ad: {  	[tilespmem:s24+$0x7670] =	vst.add.f32.msk $0xffff, v3  }
0x2ae: {  	v10 =	vld [tilespmem:s24+$0x12240]  }
0x2af: {  	v11 =	vld [tilespmem:s24+$0x12250]  }
0x2b0: {  	v12 =	vld [tilespmem:s24+$0x12260]  }
0x2b1: {  	v13 =	vld [tilespmem:s24+$0x12270]  }
0x2b2: {  	v14 =	vld [tilespmem:s24+$0x12600]  }
0x2b3: {  	v15 =	vld [tilespmem:s24+$0x12610]  }
0x2b4: {  	v16 =	vld [tilespmem:s24+$0x12620]  }
0x2b5: {  	v17 =	vld [tilespmem:s24+$0x12630]  }
0x2b6: {  	v18 =	vld [tilespmem:s24+$0x12640]  }
0x2b7: {  	v19 =	vld [tilespmem:s24+$0x12650]  }
0x2b8: {  	v20 =	vld [tilespmem:s24+$0x12660]  }
0x2b9: {  	v21 =	vld [tilespmem:s24+$0x12670]  }
0x2ba: {  	v22 =	vld [tilespmem:s24+$0x12A00]  }
0x2bb: {  	v23 =	vld [tilespmem:s24+$0x12A10]  }
0x2bc: {  	v24 =	vld [tilespmem:s24+$0x12A20]  }
0x2bd: {  	v25 =	vld [tilespmem:s24+$0x12A30]  }
0x2be: {  	v26 =	vld [tilespmem:s24+$0x12A40]  }
0x2bf: {  	v27 =	vld [tilespmem:s24+$0x12A50]  }
0x2c0: {  	v28 =	vld [tilespmem:s24+$0x12A60]  }
0x2c1: {  	v29 =	vld [tilespmem:s24+$0x12A70]  }
0x2c2: {  	v30 =	vld [tilespmem:s24+$0x12E00]  }
0x2c3: {  	v31 =	vld [tilespmem:s24+$0x12E10]  }
0x2c4: {  	v32 =	vld [tilespmem:s24+$0x12E20]  }
0x2c5: {  	v33 =	vld [tilespmem:s24+$0x12E30]  }
0x2c6: {  	v34 =	vld [tilespmem:s24+$0x12E40]  }
0x2c7: {  	v35 =	vld [tilespmem:s24+$0x12E50]  }
0x2c8: {  	v36 =	vld [tilespmem:s24+$0x12E60]  }
0x2c9: {  	v37 =	vld [tilespmem:s24+$0x12E70]  }
0x2ca: {  	v38 =	vld [tilespmem:s24+$0x13200]  }
0x2cb: {  	v39 =	vld [tilespmem:s24+$0x13210]  }
0x2cc: {  	v40 =	vld [tilespmem:s24+$0x13220]  }
0x2cd: {  	v41 =	vld [tilespmem:s24+$0x13230]  }
0x2ce: {  	v42 =	vld [tilespmem:s24+$0x13240]  }
0x2cf: {  	v43 =	vld [tilespmem:s24+$0x13250]  }
0x2d0: {  	v44 =	vld [tilespmem:s24+$0x13260]  }
0x2d1: {  	v45 =	vld [tilespmem:s24+$0x13270]  }
0x2d2: {  	v46 =	vld [tilespmem:s24+$0x13600]  }
0x2d3: {  	v47 =	vld [tilespmem:s24+$0x13610]  }
0x2d4: {  	v48 =	vld [tilespmem:s24+$0x13620]  }
0x2d5: {  	v49 =	vld [tilespmem:s24+$0x13630]  }
0x2d6: {  	v5 =	vld [tilespmem:s24+$0x13640]  }
0x2d7: {  	v4 =	vld [tilespmem:s24+$0x13650]  }
0x2d8: {  	v3 =	vld [tilespmem:s24+$0x13660]  }
0x2d9: {  	[tilespmem:s24+$0x6200] =	vst.add.f32.msk $0xffff, v6  }
0x2da: {  	[tilespmem:s24+$0x6210] =	vst.add.f32.msk $0xffff, v7  }
0x2db: {  	[tilespmem:s24+$0x6220] =	vst.add.f32.msk $0xffff, v8  }
0x2dc: {  	[tilespmem:s24+$0x6230] =	vst.add.f32.msk $0xffff, v9  }
0x2dd: {  	[tilespmem:s24+$0x6240] =	vst.add.f32.msk $0xffff, v10  }
0x2de: {  	[tilespmem:s24+$0x6250] =	vst.add.f32.msk $0xffff, v11  }
0x2df: {  	[tilespmem:s24+$0x6260] =	vst.add.f32.msk $0xffff, v12  }
0x2e0: {  	[tilespmem:s24+$0x6270] =	vst.add.f32.msk $0xffff, v13  }
0x2e1: {  	[tilespmem:s24+$0x6600] =	vst.add.f32.msk $0xffff, v14  }
0x2e2: {  	[tilespmem:s24+$0x6610] =	vst.add.f32.msk $0xffff, v15  }
0x2e3: {  	[tilespmem:s24+$0x6620] =	vst.add.f32.msk $0xffff, v16  }
0x2e4: {  	[tilespmem:s24+$0x6630] =	vst.add.f32.msk $0xffff, v17  }
0x2e5: {  	[tilespmem:s24+$0x6640] =	vst.add.f32.msk $0xffff, v18  }
0x2e6: {  	[tilespmem:s24+$0x6650] =	vst.add.f32.msk $0xffff, v19  }
0x2e7: {  	[tilespmem:s24+$0x6660] =	vst.add.f32.msk $0xffff, v20  }
0x2e8: {  	[tilespmem:s24+$0x6670] =	vst.add.f32.msk $0xffff, v21  }
0x2e9: {  	[tilespmem:s24+$0x6A00] =	vst.add.f32.msk $0xffff, v22  }
0x2ea: {  	[tilespmem:s24+$0x6A10] =	vst.add.f32.msk $0xffff, v23  }
0x2eb: {  	[tilespmem:s24+$0x6A20] =	vst.add.f32.msk $0xffff, v24  }
0x2ec: {  	[tilespmem:s24+$0x6A30] =	vst.add.f32.msk $0xffff, v25  }
0x2ed: {  	[tilespmem:s24+$0x6A40] =	vst.add.f32.msk $0xffff, v26  }
0x2ee: {  	[tilespmem:s24+$0x6A50] =	vst.add.f32.msk $0xffff, v27  }
0x2ef: {  	[tilespmem:s24+$0x6A60] =	vst.add.f32.msk $0xffff, v28  }
0x2f0: {  	[tilespmem:s24+$0x6A70] =	vst.add.f32.msk $0xffff, v29  }
0x2f1: {  	[tilespmem:s24+$0x6E00] =	vst.add.f32.msk $0xffff, v30  }
0x2f2: {  	[tilespmem:s24+$0x6E10] =	vst.add.f32.msk $0xffff, v31  }
0x2f3: {  	[tilespmem:s24+$0x6E20] =	vst.add.f32.msk $0xffff, v32  }
0x2f4: {  	[tilespmem:s24+$0x6E30] =	vst.add.f32.msk $0xffff, v33  }
0x2f5: {  	[tilespmem:s24+$0x6E40] =	vst.add.f32.msk $0xffff, v34  }
0x2f6: {  	[tilespmem:s24+$0x6E50] =	vst.add.f32.msk $0xffff, v35  }
0x2f7: {  	[tilespmem:s24+$0x6E60] =	vst.add.f32.msk $0xffff, v36  }
0x2f8: {  	[tilespmem:s24+$0x6E70] =	vst.add.f32.msk $0xffff, v37  }
0x2f9: {  	[tilespmem:s24+$0x7200] =	vst.add.f32.msk $0xffff, v38  }
0x2fa: {  	[tilespmem:s24+$0x7210] =	vst.add.f32.msk $0xffff, v39  }
0x2fb: {  	[tilespmem:s24+$0x7220] =	vst.add.f32.msk $0xffff, v40  }
0x2fc: {  	[tilespmem:s24+$0x7230] =	vst.add.f32.msk $0xffff, v41  }
0x2fd: {  	[tilespmem:s24+$0x7240] =	vst.add.f32.msk $0xffff, v42  }
0x2fe: {  	[tilespmem:s24+$0x7250] =	vst.add.f32.msk $0xffff, v43  }
0x2ff: {  	[tilespmem:s24+$0x7260] =	vst.add.f32.msk $0xffff, v44  }
.Ltmp1:
0x300: {  	[tilespmem:s24+$0x7270] =	vst.add.f32.msk $0xffff, v45;
	(pc) =	sbr.rel @p0 .LBB2_5-.Ltmp1, $4  }
0x301: {  	[tilespmem:s24+$0x7600] =	vst.add.f32.msk $0xffff, v46  }
0x302: {  	[tilespmem:s24+$0x7610] =	vst.add.f32.msk $0xffff, v47  }
0x303: {  	[tilespmem:s24+$0x7620] =	vst.add.f32.msk $0xffff, v48  }
0x304: {  	s29 =	sshrl.u32 s28, $0x3;
	s28 =	sadd.s32 $0x1, s28;
	[tilespmem:s24+$0x7630] =	vst.add.f32.msk $0xffff, v49  }
0x305: {  	s28 =	smul.u32 $0x1800, s29;
	[tilespmem:s24+$0x7640] =	vst.add.f32.msk $0xffff, v5;
	s26 =	sadd.s32 $0x80, s26  }
0x306: {  	[tilespmem:s24+$0x7650] =	vst.add.f32.msk $0xffff, v4;
	s26 =	sand.u32 $0x380, s26  }
0x307: {  	[tilespmem:s24+$0x7660] =	vst.add.f32.msk $0xffff, v3;
	s26 =	sor.u32 s26, s28  }
0x308: {  	v3 =	vld [tilespmem:s26+$0x13670]  }
0x309: {  	v4 =	vld [tilespmem:s26+$0x12200]  }
0x30a: {  	v5 =	vld [tilespmem:s26+$0x12210]  }
0x30b: {  	v6 =	vld [tilespmem:s26+$0x12220]  }
0x30c: {  	v7 =	vld [tilespmem:s26+$0x12230]  }
0x30d: {  	v8 =	vld [tilespmem:s26+$0x12250]  }
0x30e: {  	v9 =	vld [tilespmem:s26+$0x12260]  }
0x30f: {  	v10 =	vld [tilespmem:s26+$0x12270]  }
0x310: {  	v11 =	vld [tilespmem:s26+$0x12600]  }
0x311: {  	v12 =	vld [tilespmem:s26+$0x12610]  }
0x312: {  	v13 =	vld [tilespmem:s26+$0x12620]  }
0x313: {  	v14 =	vld [tilespmem:s26+$0x12630]  }
0x314: {  	v15 =	vld [tilespmem:s26+$0x12640]  }
0x315: {  	v16 =	vld [tilespmem:s26+$0x12650]  }
0x316: {  	v17 =	vld [tilespmem:s26+$0x12660]  }
0x317: {  	v18 =	vld [tilespmem:s26+$0x12670]  }
0x318: {  	v19 =	vld [tilespmem:s26+$0x12A00]  }
0x319: {  	v20 =	vld [tilespmem:s26+$0x12A10]  }
0x31a: {  	v21 =	vld [tilespmem:s26+$0x12A20]  }
0x31b: {  	v22 =	vld [tilespmem:s26+$0x12A30]  }
0x31c: {  	v23 =	vld [tilespmem:s26+$0x12A40]  }
0x31d: {  	v24 =	vld [tilespmem:s26+$0x12A50]  }
0x31e: {  	v25 =	vld [tilespmem:s26+$0x12A60]  }
0x31f: {  	v26 =	vld [tilespmem:s26+$0x12A70]  }
0x320: {  	v27 =	vld [tilespmem:s26+$0x12E00]  }
0x321: {  	v28 =	vld [tilespmem:s26+$0x12E10]  }
0x322: {  	v29 =	vld [tilespmem:s26+$0x12E20]  }
0x323: {  	v30 =	vld [tilespmem:s26+$0x12E30]  }
0x324: {  	v31 =	vld [tilespmem:s26+$0x12E40]  }
0x325: {  	v32 =	vld [tilespmem:s26+$0x12E50]  }
0x326: {  	v33 =	vld [tilespmem:s26+$0x12E60]  }
0x327: {  	v34 =	vld [tilespmem:s26+$0x12E70]  }
0x328: {  	v35 =	vld [tilespmem:s26+$0x13200]  }
0x329: {  	v36 =	vld [tilespmem:s26+$0x13210]  }
0x32a: {  	v37 =	vld [tilespmem:s26+$0x13220]  }
0x32b: {  	v38 =	vld [tilespmem:s26+$0x13230]  }
0x32c: {  	v39 =	vld [tilespmem:s26+$0x13240]  }
0x32d: {  	v40 =	vld [tilespmem:s26+$0x13250]  }
0x32e: {  	v41 =	vld [tilespmem:s26+$0x13260]  }
0x32f: {  	v42 =	vld [tilespmem:s26+$0x13270]  }
0x330: {  	v43 =	vld [tilespmem:s26+$0x13600]  }
0x331: {  	v44 =	vld [tilespmem:s26+$0x13610]  }
0x332: {  	v45 =	vld [tilespmem:s26+$0x13620]  }
0x333: {  	v46 =	vld [tilespmem:s26+$0x13630]  }
0x334: {  	v47 =	vld [tilespmem:s26+$0x13640]  }
0x335: {  	v48 =	vld [tilespmem:s26+$0x13650]  }
0x336: {  	v49 =	vld [tilespmem:s26+$0x13660]  }
0x337: {  	[tilespmem:s26+$0x7670] =	vst.add.f32.msk $0xffff, v3  }
0x338: {  	v3 =	vld [tilespmem:s26+$0x12240]  }
0x339: {  	[tilespmem:s26+$0x6200] =	vst.add.f32.msk $0xffff, v4  }
0x33a: {  	[tilespmem:s26+$0x6210] =	vst.add.f32.msk $0xffff, v5  }
0x33b: {  	[tilespmem:s26+$0x6220] =	vst.add.f32.msk $0xffff, v6  }
0x33c: {  	[tilespmem:s26+$0x6230] =	vst.add.f32.msk $0xffff, v7  }
0x33d: {  	[tilespmem:s26+$0x6250] =	vst.add.f32.msk $0xffff, v8  }
0x33e: {  	[tilespmem:s26+$0x6260] =	vst.add.f32.msk $0xffff, v9  }
0x33f: {  	[tilespmem:s26+$0x6270] =	vst.add.f32.msk $0xffff, v10  }
0x340: {  	[tilespmem:s26+$0x6600] =	vst.add.f32.msk $0xffff, v11  }
0x341: {  	[tilespmem:s26+$0x6610] =	vst.add.f32.msk $0xffff, v12  }
0x342: {  	[tilespmem:s26+$0x6620] =	vst.add.f32.msk $0xffff, v13  }
0x343: {  	[tilespmem:s26+$0x6630] =	vst.add.f32.msk $0xffff, v14  }
0x344: {  	[tilespmem:s26+$0x6640] =	vst.add.f32.msk $0xffff, v15  }
0x345: {  	[tilespmem:s26+$0x6650] =	vst.add.f32.msk $0xffff, v16  }
0x346: {  	[tilespmem:s26+$0x6660] =	vst.add.f32.msk $0xffff, v17  }
0x347: {  	[tilespmem:s26+$0x6670] =	vst.add.f32.msk $0xffff, v18  }
0x348: {  	[tilespmem:s26+$0x6A00] =	vst.add.f32.msk $0xffff, v19  }
0x349: {  	[tilespmem:s26+$0x6A10] =	vst.add.f32.msk $0xffff, v20  }
0x34a: {  	[tilespmem:s26+$0x6A20] =	vst.add.f32.msk $0xffff, v21  }
0x34b: {  	[tilespmem:s26+$0x6A30] =	vst.add.f32.msk $0xffff, v22  }
0x34c: {  	[tilespmem:s26+$0x6A40] =	vst.add.f32.msk $0xffff, v23  }
0x34d: {  	[tilespmem:s26+$0x6A50] =	vst.add.f32.msk $0xffff, v24  }
0x34e: {  	[tilespmem:s26+$0x6A60] =	vst.add.f32.msk $0xffff, v25  }
0x34f: {  	[tilespmem:s26+$0x6A70] =	vst.add.f32.msk $0xffff, v26  }
0x350: {  	[tilespmem:s26+$0x6E00] =	vst.add.f32.msk $0xffff, v27  }
0x351: {  	[tilespmem:s26+$0x6E10] =	vst.add.f32.msk $0xffff, v28  }
0x352: {  	[tilespmem:s26+$0x6E20] =	vst.add.f32.msk $0xffff, v29  }
0x353: {  	[tilespmem:s26+$0x6E30] =	vst.add.f32.msk $0xffff, v30  }
0x354: {  	[tilespmem:s26+$0x6E40] =	vst.add.f32.msk $0xffff, v31  }
0x355: {  	[tilespmem:s26+$0x6E50] =	vst.add.f32.msk $0xffff, v32  }
0x356: {  	[tilespmem:s26+$0x6E60] =	vst.add.f32.msk $0xffff, v33  }
0x357: {  	[tilespmem:s26+$0x6E70] =	vst.add.f32.msk $0xffff, v34  }
0x358: {  	[tilespmem:s26+$0x7200] =	vst.add.f32.msk $0xffff, v35  }
0x359: {  	[tilespmem:s26+$0x7210] =	vst.add.f32.msk $0xffff, v36  }
0x35a: {  	[tilespmem:s26+$0x7220] =	vst.add.f32.msk $0xffff, v37  }
0x35b: {  	[tilespmem:s26+$0x7230] =	vst.add.f32.msk $0xffff, v38  }
0x35c: {  	[tilespmem:s26+$0x7240] =	vst.add.f32.msk $0xffff, v39  }
0x35d: {  	[tilespmem:s26+$0x7250] =	vst.add.f32.msk $0xffff, v40  }
0x35e: {  	[tilespmem:s26+$0x7260] =	vst.add.f32.msk $0xffff, v41  }
0x35f: {  	[tilespmem:s26+$0x7270] =	vst.add.f32.msk $0xffff, v42  }
0x360: {  	[tilespmem:s26+$0x7600] =	vst.add.f32.msk $0xffff, v43  }
0x361: {  	[tilespmem:s26+$0x7610] =	vst.add.f32.msk $0xffff, v44  }
0x362: {  	[tilespmem:s26+$0x7620] =	vst.add.f32.msk $0xffff, v45  }
0x363: {  	s29 =	sor.u32 s21, s6;
	[tilespmem:s26+$0x7630] =	vst.add.f32.msk $0xffff, v46  }
0x364: {  	s24 =	sshrl.u32 s29, $0x3;
	[tilespmem:s26+$0x7640] =	vst.add.f32.msk $0xffff, v47  }
0x365: {  	s24 =	smul.u32 $0x300, s24;
	[tilespmem:s26+$0x7650] =	vst.add.f32.msk $0xffff, v48  }
0x366: {  	[tilespmem:s26+$0x7660] =	vst.add.f32.msk $0xffff, v49  }
0x367: {  	s30 =	sadd.s32 s22, s24;
	s24 =	simm.s32 $0x0;
	[tilespmem:s26+$0x6240] =	vst.add.f32.msk $0xffff, v3  }
0x368: {  	[hbm4b:s30+s24] =	stream.linear.scatter [tilespmem:s16], [sflag:$0x4], $0x6000, $0x38;
	[tilespmem:$0x18200] =	vst v63  }
0x369: {  	_ =	swait.ge [sflag:s0], $0x6000  }
0x36a: {  	[sflag:s0] =	ssyncset.done $0x0  }
0x36b: {  	[sflag:s0] =	ssyncadd.s32 $0xFFFFA000  }
0x36c: {  	_ =	swait.ge [sflag:s0], $0x6000  }
0x36d: {  	[sflag:s0] =	ssyncset.done $0x0  }
0x36e: {  	[sflag:s0] =	ssyncadd.s32 $0xFFFFA000  }
0x36f: {  	s26 =	sadd.s32 s21, s19;
	_ =	swait.ge [sflag:s10], $0x6000  }
0x370: {  	s21 =	sshrl.u32 s26, $0x3;
	[sflag:s10] =	ssyncset.done $0x0  }
0x371: {  	s28 =	simm.s32 $0x80;
	s29 =	sadd.s32 s4, s21;
	[sflag:s10] =	ssyncadd.s32 $0xFFFFA000  }
0x372: {  	[tilespmem:s28], [sflag:$0x5] =	stream.linear.gather [hbm4b:s29+s24], $0x20, $0x38;
	[tilespmem:$0x18200] =	vst v63  }
0x373: {  	_ =	swait.ge [sflag:s23], $0x20  }
0x374: {  	[sflag:s23] =	ssyncset.done $0x0  }
0x375: {  	s30 =	simm.s32 $0x180;
	s21 =	sadd.s32 s7, s21;
	[sflag:s23] =	ssyncadd.s32 $0xFFFFFFE0  }
0x376: {  	[tilespmem:s30], [sflag:$0x5] =	stream.linear.gather [hbm4b:s21+s24], $0x20, $0x38;
	[tilespmem:$0x18200] =	vst v63  }
0x377: {  	_ =	swait.ge [sflag:s23], $0x20  }
0x378: {  	[sflag:s23] =	ssyncset.done $0x0  }
0x379: {  	[sflag:s23] =	ssyncadd.s32 $0xFFFFFFE0  }
0x37a: {  	v3 =	vld [tilespmem:$0x80];
	_ =	sdelay $0x4  }
0x37b: {  	v4 =	vshrl.u32 v3, $0x3  }
0x37c: {  	v4 =	vmul.u32 $0x30, v4  }
0x37d: {  	v3 =	vand.u32 $0x7, v3  }
0x37e: {  	v3 =	vor.u32 v3, v4  }
0x37f: {  	v4 =	vperm.xlane v3, v0;
	_ =	sdelay $0x1  }
0x380: {  	v4 =	vadd.s32 v1, v4;
	_ =	sdelay $0x3  }
0x381: {  	v3 =	vperm.xlane v3, v2  }
0x382: {  	[tilespmem:s16], [sflag:$0x2] =	stream.indirect_vreg.gather [hbm4b:s1+s24], $0x80, v4, vm0, $0xb8;
	[tilespmem:$0x18200] =	vst v63  }
0x383: {  	s26 =	simm.s32 $0x6A00;
	v3 =	vadd.s32 v1, v3  }
0x384: {  	[tilespmem:s26], [sflag:$0x2] =	stream.indirect_vreg.gather [hbm4b:s11+s24], $0x80, v4, vm0, $0xb8;
	[tilespmem:$0x18200] =	vst v63  }
0x385: {  	s29 =	simm.s32 $0x7200  }
0x386: {  	[tilespmem:s29], [sflag:$0x2] =	stream.indirect_vreg.gather [hbm4b:s12+s24], $0x80, v4, vm0, $0xb8;
	[tilespmem:$0x18200] =	vst v63  }
0x387: {  	s30 =	simm.s32 $0x7A00  }
0x388: {  	[tilespmem:s30], [sflag:$0x2] =	stream.indirect_vreg.gather [hbm4b:s1+s24], $0x80, v3, vm0, $0xb8;
	[tilespmem:$0x18200] =	vst v63  }
0x389: {  	s26 =	simm.s32 $0x8200  }
0x38a: {  	[tilespmem:s26], [sflag:$0x2] =	stream.indirect_vreg.gather [hbm4b:s11+s24], $0x80, v3, vm0, $0xb8;
	[tilespmem:$0x18200] =	vst v63  }
0x38b: {  	s29 =	simm.s32 $0x8A00  }
0x38c: {  	[tilespmem:s29], [sflag:$0x2] =	stream.indirect_vreg.gather [hbm4b:s12+s24], $0x80, v3, vm0, $0xb8;
	[tilespmem:$0x18200] =	vst v63  }
0x38d: {  	v3 =	vld [tilespmem:$0x90];
	_ =	sdelay $0x4  }
0x38e: {  	v4 =	vshrl.u32 v3, $0x3  }
0x38f: {  	v4 =	vmul.u32 $0x30, v4  }
0x390: {  	v3 =	vand.u32 $0x7, v3  }
0x391: {  	v3 =	vor.u32 v3, v4  }
0x392: {  	v4 =	vperm.xlane v3, v0;
	_ =	sdelay $0x1  }
0x393: {  	v4 =	vadd.s32 v1, v4;
	_ =	sdelay $0x3  }
0x394: {  	s30 =	simm.s32 $0x9200;
	v3 =	vperm.xlane v3, v2  }
0x395: {  	[tilespmem:s30], [sflag:$0x2] =	stream.indirect_vreg.gather [hbm4b:s1+s24], $0x80, v4, vm0, $0xb8;
	[tilespmem:$0x18200] =	vst v63  }
0x396: {  	s26 =	simm.s32 $0x9A00;
	v3 =	vadd.s32 v1, v3  }
0x397: {  	[tilespmem:s26], [sflag:$0x2] =	stream.indirect_vreg.gather [hbm4b:s11+s24], $0x80, v4, vm0, $0xb8;
	[tilespmem:$0x18200] =	vst v63  }
0x398: {  	s29 =	simm.s32 $0xA200  }
0x399: {  	[tilespmem:s29], [sflag:$0x2] =	stream.indirect_vreg.gather [hbm4b:s12+s24], $0x80, v4, vm0, $0xb8;
	[tilespmem:$0x18200] =	vst v63  }
0x39a: {  	s30 =	simm.s32 $0xAA00  }
0x39b: {  	[tilespmem:s30], [sflag:$0x2] =	stream.indirect_vreg.gather [hbm4b:s1+s24], $0x80, v3, vm0, $0xb8;
	[tilespmem:$0x18200] =	vst v63  }
0x39c: {  	s26 =	simm.s32 $0xB200  }
0x39d: {  	[tilespmem:s26], [sflag:$0x2] =	stream.indirect_vreg.gather [hbm4b:s11+s24], $0x80, v3, vm0, $0xb8;
	[tilespmem:$0x18200] =	vst v63  }
0x39e: {  	s29 =	simm.s32 $0xBA00  }
0x39f: {  	[tilespmem:s29], [sflag:$0x2] =	stream.indirect_vreg.gather [hbm4b:s12+s24], $0x80, v3, vm0, $0xb8;
	[tilespmem:$0x18200] =	vst v63  }
0x3a0: {  	v3 =	vld [tilespmem:$0x180];
	_ =	sdelay $0x4  }
0x3a1: {  	v4 =	vshrl.u32 v3, $0x3  }
0x3a2: {  	v4 =	vmul.u32 $0x30, v4  }
0x3a3: {  	v3 =	vand.u32 $0x7, v3  }
0x3a4: {  	v3 =	vor.u32 v3, v4  }
0x3a5: {  	v4 =	vperm.xlane v3, v0;
	_ =	sdelay $0x1  }
0x3a6: {  	v4 =	vadd.s32 v1, v4;
	_ =	sdelay $0x3  }
0x3a7: {  	s30 =	simm.s32 $0x12200;
	v3 =	vperm.xlane v3, v2  }
0x3a8: {  	[tilespmem:s30], [sflag:$0x2] =	stream.indirect_vreg.gather [hbm4b:s2+s24], $0x80, v4, vm0, $0xb8;
	[tilespmem:$0x18200] =	vst v63  }
0x3a9: {  	s26 =	simm.s32 $0x12A00;
	v3 =	vadd.s32 v1, v3  }
0x3aa: {  	[tilespmem:s26], [sflag:$0x2] =	stream.indirect_vreg.gather [hbm4b:s13+s24], $0x80, v4, vm0, $0xb8;
	[tilespmem:$0x18200] =	vst v63  }
0x3ab: {  	s29 =	simm.s32 $0x13200  }
0x3ac: {  	[tilespmem:s29], [sflag:$0x2] =	stream.indirect_vreg.gather [hbm4b:s14+s24], $0x80, v4, vm0, $0xb8;
	[tilespmem:$0x18200] =	vst v63  }
0x3ad: {  	s30 =	simm.s32 $0x13A00  }
0x3ae: {  	[tilespmem:s30], [sflag:$0x2] =	stream.indirect_vreg.gather [hbm4b:s2+s24], $0x80, v3, vm0, $0xb8;
	[tilespmem:$0x18200] =	vst v63  }
0x3af: {  	s26 =	simm.s32 $0x14200  }
0x3b0: {  	[tilespmem:s26], [sflag:$0x2] =	stream.indirect_vreg.gather [hbm4b:s13+s24], $0x80, v3, vm0, $0xb8;
	[tilespmem:$0x18200] =	vst v63  }
0x3b1: {  	s29 =	simm.s32 $0x14A00  }
0x3b2: {  	[tilespmem:s29], [sflag:$0x2] =	stream.indirect_vreg.gather [hbm4b:s14+s24], $0x80, v3, vm0, $0xb8;
	[tilespmem:$0x18200] =	vst v63  }
0x3b3: {  	v3 =	vld [tilespmem:$0x190];
	_ =	sdelay $0x4  }
0x3b4: {  	v4 =	vshrl.u32 v3, $0x3  }
0x3b5: {  	v4 =	vmul.u32 $0x30, v4  }
0x3b6: {  	v3 =	vand.u32 $0x7, v3  }
0x3b7: {  	v3 =	vor.u32 v3, v4  }
0x3b8: {  	v4 =	vperm.xlane v3, v0;
	_ =	sdelay $0x1  }
0x3b9: {  	v4 =	vadd.s32 v1, v4;
	_ =	sdelay $0x3  }
0x3ba: {  	s30 =	simm.s32 $0x15200;
	v3 =	vperm.xlane v3, v2  }
0x3bb: {  	[tilespmem:s30], [sflag:$0x2] =	stream.indirect_vreg.gather [hbm4b:s2+s24], $0x80, v4, vm0, $0xb8;
	[tilespmem:$0x18200] =	vst v63  }
0x3bc: {  	s26 =	simm.s32 $0x15A00;
	v3 =	vadd.s32 v1, v3  }
0x3bd: {  	[tilespmem:s26], [sflag:$0x2] =	stream.indirect_vreg.gather [hbm4b:s13+s24], $0x80, v4, vm0, $0xb8;
	[tilespmem:$0x18200] =	vst v63  }
0x3be: {  	s29 =	simm.s32 $0x16200  }
0x3bf: {  	[tilespmem:s29], [sflag:$0x2] =	stream.indirect_vreg.gather [hbm4b:s14+s24], $0x80, v4, vm0, $0xb8;
	[tilespmem:$0x18200] =	vst v63  }
0x3c0: {  	s30 =	simm.s32 $0x16A00;
	s29 =	simm.s32 $0x0  }
0x3c1: {  	[tilespmem:s30], [sflag:$0x2] =	stream.indirect_vreg.gather [hbm4b:s2+s24], $0x80, v3, vm0, $0xb8;
	[tilespmem:$0x18200] =	vst v63  }
0x3c2: {  	s26 =	simm.s32 $0x17200;
	s21 =	smul.u32 $0x1800, s29;
	s30 =	sand.u32 $0x380, s24  }
0x3c3: {  	[tilespmem:s26], [sflag:$0x2] =	stream.indirect_vreg.gather [hbm4b:s13+s24], $0x80, v3, vm0, $0xb8;
	[tilespmem:$0x18200] =	vst v63  }
0x3c4: {  	s21 =	sor.u32 s30, s21  }
0x3c5: {  	[tilespmem:s31], [sflag:$0x2] =	stream.indirect_vreg.gather [hbm4b:s14+s24], $0x80, v3, vm0, $0xb8;
	[tilespmem:$0x18200] =	vst v63  }
0x3c6: {  	v3 =	vld [tilespmem:s21+$0xD670]  }
0x3c7: {  	v6 =	vld [tilespmem:s21+$0xC200]  }
0x3c8: {  	v7 =	vld [tilespmem:s21+$0xC210]  }
0x3c9: {  	v8 =	vld [tilespmem:s21+$0xC220]  }
0x3ca: {  	v9 =	vld [tilespmem:s21+$0xC230]  }
0x3cb: {  	v10 =	vld [tilespmem:s21+$0xC240]  }
0x3cc: {  	v11 =	vld [tilespmem:s21+$0xC250]  }
0x3cd: {  	v12 =	vld [tilespmem:s21+$0xC260]  }
0x3ce: {  	v13 =	vld [tilespmem:s21+$0xC270]  }
0x3cf: {  	v14 =	vld [tilespmem:s21+$0xC600]  }
0x3d0: {  	v15 =	vld [tilespmem:s21+$0xC610]  }
0x3d1: {  	v16 =	vld [tilespmem:s21+$0xC620]  }
0x3d2: {  	v17 =	vld [tilespmem:s21+$0xC630]  }
0x3d3: {  	v18 =	vld [tilespmem:s21+$0xC640]  }
0x3d4: {  	v19 =	vld [tilespmem:s21+$0xC650]  }
0x3d5: {  	v20 =	vld [tilespmem:s21+$0xC660]  }
0x3d6: {  	v21 =	vld [tilespmem:s21+$0xC670]  }
0x3d7: {  	v22 =	vld [tilespmem:s21+$0xCA00]  }
0x3d8: {  	v23 =	vld [tilespmem:s21+$0xCA10]  }
0x3d9: {  	v24 =	vld [tilespmem:s21+$0xCA20]  }
0x3da: {  	v25 =	vld [tilespmem:s21+$0xCA30]  }
0x3db: {  	v26 =	vld [tilespmem:s21+$0xCA40]  }
0x3dc: {  	v27 =	vld [tilespmem:s21+$0xCA50]  }
0x3dd: {  	v28 =	vld [tilespmem:s21+$0xCA60]  }
0x3de: {  	v29 =	vld [tilespmem:s21+$0xCA70]  }
0x3df: {  	v30 =	vld [tilespmem:s21+$0xCE00]  }
0x3e0: {  	v31 =	vld [tilespmem:s21+$0xCE10]  }
0x3e1: {  	v32 =	vld [tilespmem:s21+$0xCE20]  }
0x3e2: {  	v33 =	vld [tilespmem:s21+$0xCE30]  }
0x3e3: {  	v34 =	vld [tilespmem:s21+$0xCE40]  }
0x3e4: {  	v35 =	vld [tilespmem:s21+$0xCE50]  }
0x3e5: {  	v36 =	vld [tilespmem:s21+$0xCE60]  }
0x3e6: {  	v37 =	vld [tilespmem:s21+$0xCE70]  }
0x3e7: {  	v52 =	vld [tilespmem:s21+$0xD200]  }
0x3e8: {  	v53 =	vld [tilespmem:s21+$0xD210]  }
0x3e9: {  	v54 =	vld [tilespmem:s21+$0xD220]  }
0x3ea: {  	v55 =	vld [tilespmem:s21+$0xD230]  }
0x3eb: {  	v56 =	vld [tilespmem:s21+$0xD240]  }
0x3ec: {  	v57 =	vld [tilespmem:s21+$0xD250]  }
0x3ed: {  	v58 =	vld [tilespmem:s21+$0xD260]  }
0x3ee: {  	v59 =	vld [tilespmem:s21+$0xD270]  }
0x3ef: {  	v60 =	vld [tilespmem:s21+$0xD600]  }
0x3f0: {  	v61 =	vld [tilespmem:s21+$0xD610]  }
0x3f1: {  	v62 =	vld [tilespmem:s21+$0xD620]  }
0x3f2: {  	v63 =	vld [tilespmem:s21+$0xD630]  }
0x3f3: {  	v5 =	vld [tilespmem:s21+$0xD640]  }
0x3f4: {  	v4 =	vld [tilespmem:s21+$0xD650]  }
0x3f5: {  	[tilespmem:s21+$0x1670] =	vst.add.f32.msk $0xffff, v3  }
0x3f6: {  	v3 =	vld [tilespmem:s21+$0xD660]  }
0x3f7: {  	[tilespmem:s21+$0x200] =	vst.add.f32.msk $0xffff, v6  }
0x3f8: {  	[tilespmem:s21+$0x210] =	vst.add.f32.msk $0xffff, v7  }
0x3f9: {  	[tilespmem:s21+$0x220] =	vst.add.f32.msk $0xffff, v8  }
0x3fa: {  	[tilespmem:s21+$0x230] =	vst.add.f32.msk $0xffff, v9  }
0x3fb: {  	[tilespmem:s21+$0x240] =	vst.add.f32.msk $0xffff, v10  }
0x3fc: {  	[tilespmem:s21+$0x250] =	vst.add.f32.msk $0xffff, v11  }
0x3fd: {  	[tilespmem:s21+$0x260] =	vst.add.f32.msk $0xffff, v12  }
0x3fe: {  	[tilespmem:s21+$0x270] =	vst.add.f32.msk $0xffff, v13  }
0x3ff: {  	[tilespmem:s21+$0x600] =	vst.add.f32.msk $0xffff, v14  }
0x400: {  	[tilespmem:s21+$0x610] =	vst.add.f32.msk $0xffff, v15  }
0x401: {  	[tilespmem:s21+$0x620] =	vst.add.f32.msk $0xffff, v16  }
0x402: {  	[tilespmem:s21+$0x630] =	vst.add.f32.msk $0xffff, v17  }
0x403: {  	[tilespmem:s21+$0x640] =	vst.add.f32.msk $0xffff, v18  }
0x404: {  	[tilespmem:s21+$0x650] =	vst.add.f32.msk $0xffff, v19  }
0x405: {  	[tilespmem:s21+$0x660] =	vst.add.f32.msk $0xffff, v20  }
0x406: {  	[tilespmem:s21+$0x670] =	vst.add.f32.msk $0xffff, v21  }
0x407: {  	[tilespmem:s21+$0xA00] =	vst.add.f32.msk $0xffff, v22  }
0x408: {  	[tilespmem:s21+$0xA10] =	vst.add.f32.msk $0xffff, v23  }
0x409: {  	[tilespmem:s21+$0xA20] =	vst.add.f32.msk $0xffff, v24  }
0x40a: {  	[tilespmem:s21+$0xA30] =	vst.add.f32.msk $0xffff, v25  }
0x40b: {  	[tilespmem:s21+$0xA40] =	vst.add.f32.msk $0xffff, v26  }
0x40c: {  	[tilespmem:s21+$0xA50] =	vst.add.f32.msk $0xffff, v27  }
0x40d: {  	[tilespmem:s21+$0xA60] =	vst.add.f32.msk $0xffff, v28  }
0x40e: {  	[tilespmem:s21+$0xA70] =	vst.add.f32.msk $0xffff, v29  }
0x40f: {  	[tilespmem:s21+$0xE00] =	vst.add.f32.msk $0xffff, v30  }
0x410: {  	[tilespmem:s21+$0xE10] =	vst.add.f32.msk $0xffff, v31  }
0x411: {  	[tilespmem:s21+$0xE20] =	vst.add.f32.msk $0xffff, v32  }
0x412: {  	[tilespmem:s21+$0xE30] =	vst.add.f32.msk $0xffff, v33  }
0x413: {  	[tilespmem:s21+$0xE40] =	vst.add.f32.msk $0xffff, v34  }
0x414: {  	[tilespmem:s21+$0xE50] =	vst.add.f32.msk $0xffff, v35  }
0x415: {  	[tilespmem:s21+$0xE60] =	vst.add.f32.msk $0xffff, v36  }
0x416: {  	[tilespmem:s21+$0xE70] =	vst.add.f32.msk $0xffff, v37  }
0x417: {  	[tilespmem:s21+$0x1200] =	vst.add.f32.msk $0xffff, v52  }
0x418: {  	[tilespmem:s21+$0x1210] =	vst.add.f32.msk $0xffff, v53  }
0x419: {  	[tilespmem:s21+$0x1220] =	vst.add.f32.msk $0xffff, v54  }
0x41a: {  	[tilespmem:s21+$0x1230] =	vst.add.f32.msk $0xffff, v55  }
0x41b: {  	[tilespmem:s21+$0x1240] =	vst.add.f32.msk $0xffff, v56  }
0x41c: {  	[tilespmem:s21+$0x1250] =	vst.add.f32.msk $0xffff, v57  }
0x41d: {  	[tilespmem:s21+$0x1260] =	vst.add.f32.msk $0xffff, v58  }
0x41e: {  	[tilespmem:s21+$0x1270] =	vst.add.f32.msk $0xffff, v59  }
0x41f: {  	[tilespmem:s21+$0x1600] =	vst.add.f32.msk $0xffff, v60  }
0x420: {  	[tilespmem:s21+$0x1610] =	vst.add.f32.msk $0xffff, v61  }
0x421: {  	[tilespmem:s21+$0x1620] =	vst.add.f32.msk $0xffff, v62  }
0x422: {  	s28 =	simm.s32 $0x0;
	s26 =	simm.s32 $0x2;
	[tilespmem:s21+$0x1630] =	vst.add.f32.msk $0xffff, v63  }
.LBB2_7:
0x423: {  	p0 =	sne.s32 s26, $0x1F;
	s28 =	smul.u32 $0x1800, s28;
	[tilespmem:s21+$0x1640] =	vst.add.f32.msk $0xffff, v5;
	s24 =	sadd.s32 $0x80, s24  }
0x424: {  	s29 =	sand.u32 $0x380, s24;
	[tilespmem:s21+$0x1650] =	vst.add.f32.msk $0xffff, v4  }
0x425: {  	[tilespmem:s21+$0x1660] =	vst.add.f32.msk $0xffff, v3;
	s21 =	sor.u32 s29, s28  }
0x426: {  	v3 =	vld [tilespmem:s21+$0xD670]  }
0x427: {  	v6 =	vld [tilespmem:s21+$0xC200]  }
0x428: {  	v7 =	vld [tilespmem:s21+$0xC210]  }
0x429: {  	v8 =	vld [tilespmem:s21+$0xC220]  }
0x42a: {  	v9 =	vld [tilespmem:s21+$0xC230]  }
0x42b: {  	[tilespmem:s21+$0x1670] =	vst.add.f32.msk $0xffff, v3  }
0x42c: {  	v10 =	vld [tilespmem:s21+$0xC240]  }
0x42d: {  	v11 =	vld [tilespmem:s21+$0xC250]  }
0x42e: {  	v12 =	vld [tilespmem:s21+$0xC260]  }
0x42f: {  	v13 =	vld [tilespmem:s21+$0xC270]  }
0x430: {  	v14 =	vld [tilespmem:s21+$0xC600]  }
0x431: {  	v15 =	vld [tilespmem:s21+$0xC610]  }
0x432: {  	v16 =	vld [tilespmem:s21+$0xC620]  }
0x433: {  	v17 =	vld [tilespmem:s21+$0xC630]  }
0x434: {  	v18 =	vld [tilespmem:s21+$0xC640]  }
0x435: {  	v19 =	vld [tilespmem:s21+$0xC650]  }
0x436: {  	v20 =	vld [tilespmem:s21+$0xC660]  }
0x437: {  	v21 =	vld [tilespmem:s21+$0xC670]  }
0x438: {  	v22 =	vld [tilespmem:s21+$0xCA00]  }
0x439: {  	v23 =	vld [tilespmem:s21+$0xCA10]  }
0x43a: {  	v24 =	vld [tilespmem:s21+$0xCA20]  }
0x43b: {  	v25 =	vld [tilespmem:s21+$0xCA30]  }
0x43c: {  	v26 =	vld [tilespmem:s21+$0xCA40]  }
0x43d: {  	v27 =	vld [tilespmem:s21+$0xCA50]  }
0x43e: {  	v28 =	vld [tilespmem:s21+$0xCA60]  }
0x43f: {  	v29 =	vld [tilespmem:s21+$0xCA70]  }
0x440: {  	v30 =	vld [tilespmem:s21+$0xCE00]  }
0x441: {  	v31 =	vld [tilespmem:s21+$0xCE10]  }
0x442: {  	v32 =	vld [tilespmem:s21+$0xCE20]  }
0x443: {  	v33 =	vld [tilespmem:s21+$0xCE30]  }
0x444: {  	v34 =	vld [tilespmem:s21+$0xCE40]  }
0x445: {  	v35 =	vld [tilespmem:s21+$0xCE50]  }
0x446: {  	v36 =	vld [tilespmem:s21+$0xCE60]  }
0x447: {  	v37 =	vld [tilespmem:s21+$0xCE70]  }
0x448: {  	v38 =	vld [tilespmem:s21+$0xD200]  }
0x449: {  	v39 =	vld [tilespmem:s21+$0xD210]  }
0x44a: {  	v40 =	vld [tilespmem:s21+$0xD220]  }
0x44b: {  	v41 =	vld [tilespmem:s21+$0xD230]  }
0x44c: {  	v42 =	vld [tilespmem:s21+$0xD240]  }
0x44d: {  	v43 =	vld [tilespmem:s21+$0xD250]  }
0x44e: {  	v44 =	vld [tilespmem:s21+$0xD260]  }
0x44f: {  	v45 =	vld [tilespmem:s21+$0xD270]  }
0x450: {  	v46 =	vld [tilespmem:s21+$0xD600]  }
0x451: {  	v47 =	vld [tilespmem:s21+$0xD610]  }
0x452: {  	v48 =	vld [tilespmem:s21+$0xD620]  }
0x453: {  	v49 =	vld [tilespmem:s21+$0xD630]  }
0x454: {  	v5 =	vld [tilespmem:s21+$0xD640]  }
0x455: {  	v4 =	vld [tilespmem:s21+$0xD650]  }
0x456: {  	v3 =	vld [tilespmem:s21+$0xD660]  }
0x457: {  	[tilespmem:s21+$0x200] =	vst.add.f32.msk $0xffff, v6  }
0x458: {  	[tilespmem:s21+$0x210] =	vst.add.f32.msk $0xffff, v7  }
0x459: {  	[tilespmem:s21+$0x220] =	vst.add.f32.msk $0xffff, v8  }
0x45a: {  	[tilespmem:s21+$0x230] =	vst.add.f32.msk $0xffff, v9  }
0x45b: {  	[tilespmem:s21+$0x240] =	vst.add.f32.msk $0xffff, v10  }
0x45c: {  	[tilespmem:s21+$0x250] =	vst.add.f32.msk $0xffff, v11  }
0x45d: {  	[tilespmem:s21+$0x260] =	vst.add.f32.msk $0xffff, v12  }
0x45e: {  	[tilespmem:s21+$0x270] =	vst.add.f32.msk $0xffff, v13  }
0x45f: {  	[tilespmem:s21+$0x600] =	vst.add.f32.msk $0xffff, v14  }
0x460: {  	[tilespmem:s21+$0x610] =	vst.add.f32.msk $0xffff, v15  }
0x461: {  	[tilespmem:s21+$0x620] =	vst.add.f32.msk $0xffff, v16  }
0x462: {  	[tilespmem:s21+$0x630] =	vst.add.f32.msk $0xffff, v17  }
0x463: {  	[tilespmem:s21+$0x640] =	vst.add.f32.msk $0xffff, v18  }
0x464: {  	[tilespmem:s21+$0x650] =	vst.add.f32.msk $0xffff, v19  }
0x465: {  	[tilespmem:s21+$0x660] =	vst.add.f32.msk $0xffff, v20  }
0x466: {  	[tilespmem:s21+$0x670] =	vst.add.f32.msk $0xffff, v21  }
0x467: {  	[tilespmem:s21+$0xA00] =	vst.add.f32.msk $0xffff, v22  }
0x468: {  	[tilespmem:s21+$0xA10] =	vst.add.f32.msk $0xffff, v23  }
0x469: {  	[tilespmem:s21+$0xA20] =	vst.add.f32.msk $0xffff, v24  }
0x46a: {  	[tilespmem:s21+$0xA30] =	vst.add.f32.msk $0xffff, v25  }
0x46b: {  	[tilespmem:s21+$0xA40] =	vst.add.f32.msk $0xffff, v26  }
0x46c: {  	[tilespmem:s21+$0xA50] =	vst.add.f32.msk $0xffff, v27  }
0x46d: {  	[tilespmem:s21+$0xA60] =	vst.add.f32.msk $0xffff, v28  }
0x46e: {  	[tilespmem:s21+$0xA70] =	vst.add.f32.msk $0xffff, v29  }
0x46f: {  	[tilespmem:s21+$0xE00] =	vst.add.f32.msk $0xffff, v30  }
0x470: {  	[tilespmem:s21+$0xE10] =	vst.add.f32.msk $0xffff, v31  }
0x471: {  	[tilespmem:s21+$0xE20] =	vst.add.f32.msk $0xffff, v32  }
0x472: {  	[tilespmem:s21+$0xE30] =	vst.add.f32.msk $0xffff, v33  }
0x473: {  	[tilespmem:s21+$0xE40] =	vst.add.f32.msk $0xffff, v34  }
0x474: {  	[tilespmem:s21+$0xE50] =	vst.add.f32.msk $0xffff, v35  }
0x475: {  	[tilespmem:s21+$0xE60] =	vst.add.f32.msk $0xffff, v36  }
0x476: {  	[tilespmem:s21+$0xE70] =	vst.add.f32.msk $0xffff, v37  }
0x477: {  	[tilespmem:s21+$0x1200] =	vst.add.f32.msk $0xffff, v38  }
0x478: {  	[tilespmem:s21+$0x1210] =	vst.add.f32.msk $0xffff, v39  }
0x479: {  	[tilespmem:s21+$0x1220] =	vst.add.f32.msk $0xffff, v40  }
0x47a: {  	[tilespmem:s21+$0x1230] =	vst.add.f32.msk $0xffff, v41  }
0x47b: {  	[tilespmem:s21+$0x1240] =	vst.add.f32.msk $0xffff, v42  }
0x47c: {  	[tilespmem:s21+$0x1250] =	vst.add.f32.msk $0xffff, v43  }
0x47d: {  	[tilespmem:s21+$0x1260] =	vst.add.f32.msk $0xffff, v44  }
.Ltmp2:
0x47e: {  	[tilespmem:s21+$0x1270] =	vst.add.f32.msk $0xffff, v45;
	(pc) =	sbr.rel @p0 .LBB2_7-.Ltmp2, $4  }
0x47f: {  	[tilespmem:s21+$0x1600] =	vst.add.f32.msk $0xffff, v46  }
0x480: {  	[tilespmem:s21+$0x1610] =	vst.add.f32.msk $0xffff, v47  }
0x481: {  	[tilespmem:s21+$0x1620] =	vst.add.f32.msk $0xffff, v48  }
0x482: {  	s28 =	sshrl.u32 s26, $0x3;
	s26 =	sadd.s32 $0x1, s26;
	[tilespmem:s21+$0x1630] =	vst.add.f32.msk $0xffff, v49  }
0x483: {  	s26 =	smul.u32 $0x1800, s28;
	[tilespmem:s21+$0x1640] =	vst.add.f32.msk $0xffff, v5;
	s24 =	sadd.s32 $0x80, s24  }
0x484: {  	[tilespmem:s21+$0x1650] =	vst.add.f32.msk $0xffff, v4;
	s24 =	sand.u32 $0x380, s24  }
0x485: {  	[tilespmem:s21+$0x1660] =	vst.add.f32.msk $0xffff, v3;
	s24 =	sor.u32 s24, s26  }
0x486: {  	v3 =	vld [tilespmem:s24+$0xD670]  }
0x487: {  	v62 =	vld [tilespmem:s24+$0xC200]  }
0x488: {  	v63 =	vld [tilespmem:s24+$0xC210]  }
0x489: {  	v6 =	vld [tilespmem:s24+$0xC220]  }
0x48a: {  	v7 =	vld [tilespmem:s24+$0xC230]  }
0x48b: {  	v8 =	vld [tilespmem:s24+$0xC250]  }
0x48c: {  	v9 =	vld [tilespmem:s24+$0xC260]  }
0x48d: {  	v10 =	vld [tilespmem:s24+$0xC270]  }
0x48e: {  	v11 =	vld [tilespmem:s24+$0xC600]  }
0x48f: {  	v12 =	vld [tilespmem:s24+$0xC610]  }
0x490: {  	v13 =	vld [tilespmem:s24+$0xC620]  }
0x491: {  	v14 =	vld [tilespmem:s24+$0xC630]  }
0x492: {  	v15 =	vld [tilespmem:s24+$0xC640]  }
0x493: {  	v16 =	vld [tilespmem:s24+$0xC650]  }
0x494: {  	v17 =	vld [tilespmem:s24+$0xC660]  }
0x495: {  	v18 =	vld [tilespmem:s24+$0xC670]  }
0x496: {  	v19 =	vld [tilespmem:s24+$0xCA00]  }
0x497: {  	v20 =	vld [tilespmem:s24+$0xCA10]  }
0x498: {  	v21 =	vld [tilespmem:s24+$0xCA20]  }
0x499: {  	v22 =	vld [tilespmem:s24+$0xCA30]  }
0x49a: {  	v23 =	vld [tilespmem:s24+$0xCA40]  }
0x49b: {  	v24 =	vld [tilespmem:s24+$0xCA50]  }
0x49c: {  	v25 =	vld [tilespmem:s24+$0xCA60]  }
0x49d: {  	v26 =	vld [tilespmem:s24+$0xCA70]  }
0x49e: {  	v27 =	vld [tilespmem:s24+$0xCE00]  }
0x49f: {  	v28 =	vld [tilespmem:s24+$0xCE10]  }
0x4a0: {  	v29 =	vld [tilespmem:s24+$0xCE20]  }
0x4a1: {  	v30 =	vld [tilespmem:s24+$0xCE30]  }
0x4a2: {  	v31 =	vld [tilespmem:s24+$0xCE40]  }
0x4a3: {  	v32 =	vld [tilespmem:s24+$0xCE50]  }
0x4a4: {  	v33 =	vld [tilespmem:s24+$0xCE60]  }
0x4a5: {  	v34 =	vld [tilespmem:s24+$0xCE70]  }
0x4a6: {  	v35 =	vld [tilespmem:s24+$0xD200]  }
0x4a7: {  	v36 =	vld [tilespmem:s24+$0xD210]  }
0x4a8: {  	v37 =	vld [tilespmem:s24+$0xD220]  }
0x4a9: {  	v38 =	vld [tilespmem:s24+$0xD230]  }
0x4aa: {  	v39 =	vld [tilespmem:s24+$0xD240]  }
0x4ab: {  	v40 =	vld [tilespmem:s24+$0xD250]  }
0x4ac: {  	v41 =	vld [tilespmem:s24+$0xD260]  }
0x4ad: {  	v42 =	vld [tilespmem:s24+$0xD270]  }
0x4ae: {  	v43 =	vld [tilespmem:s24+$0xD600]  }
0x4af: {  	v44 =	vld [tilespmem:s24+$0xD610]  }
0x4b0: {  	v45 =	vld [tilespmem:s24+$0xD620]  }
0x4b1: {  	v46 =	vld [tilespmem:s24+$0xD630]  }
0x4b2: {  	v47 =	vld [tilespmem:s24+$0xD640]  }
0x4b3: {  	v48 =	vld [tilespmem:s24+$0xD650]  }
0x4b4: {  	v49 =	vld [tilespmem:s24+$0xD660]  }
0x4b5: {  	[tilespmem:s24+$0x1670] =	vst.add.f32.msk $0xffff, v3  }
0x4b6: {  	v3 =	vld [tilespmem:s24+$0xC240]  }
0x4b7: {  	[tilespmem:s24+$0x200] =	vst.add.f32.msk $0xffff, v62  }
0x4b8: {  	[tilespmem:s24+$0x210] =	vst.add.f32.msk $0xffff, v63  }
0x4b9: {  	[tilespmem:s24+$0x220] =	vst.add.f32.msk $0xffff, v6  }
0x4ba: {  	[tilespmem:s24+$0x230] =	vst.add.f32.msk $0xffff, v7  }
0x4bb: {  	[tilespmem:s24+$0x250] =	vst.add.f32.msk $0xffff, v8  }
0x4bc: {  	[tilespmem:s24+$0x260] =	vst.add.f32.msk $0xffff, v9  }
0x4bd: {  	[tilespmem:s24+$0x270] =	vst.add.f32.msk $0xffff, v10  }
0x4be: {  	[tilespmem:s24+$0x600] =	vst.add.f32.msk $0xffff, v11  }
0x4bf: {  	[tilespmem:s24+$0x610] =	vst.add.f32.msk $0xffff, v12  }
0x4c0: {  	[tilespmem:s24+$0x620] =	vst.add.f32.msk $0xffff, v13  }
0x4c1: {  	[tilespmem:s24+$0x630] =	vst.add.f32.msk $0xffff, v14  }
0x4c2: {  	[tilespmem:s24+$0x640] =	vst.add.f32.msk $0xffff, v15  }
0x4c3: {  	[tilespmem:s24+$0x650] =	vst.add.f32.msk $0xffff, v16  }
0x4c4: {  	[tilespmem:s24+$0x660] =	vst.add.f32.msk $0xffff, v17  }
0x4c5: {  	[tilespmem:s24+$0x670] =	vst.add.f32.msk $0xffff, v18  }
0x4c6: {  	[tilespmem:s24+$0xA00] =	vst.add.f32.msk $0xffff, v19  }
0x4c7: {  	[tilespmem:s24+$0xA10] =	vst.add.f32.msk $0xffff, v20  }
0x4c8: {  	[tilespmem:s24+$0xA20] =	vst.add.f32.msk $0xffff, v21  }
0x4c9: {  	[tilespmem:s24+$0xA30] =	vst.add.f32.msk $0xffff, v22  }
0x4ca: {  	[tilespmem:s24+$0xA40] =	vst.add.f32.msk $0xffff, v23  }
0x4cb: {  	[tilespmem:s24+$0xA50] =	vst.add.f32.msk $0xffff, v24  }
0x4cc: {  	[tilespmem:s24+$0xA60] =	vst.add.f32.msk $0xffff, v25  }
0x4cd: {  	[tilespmem:s24+$0xA70] =	vst.add.f32.msk $0xffff, v26  }
0x4ce: {  	[tilespmem:s24+$0xE00] =	vst.add.f32.msk $0xffff, v27  }
0x4cf: {  	[tilespmem:s24+$0xE10] =	vst.add.f32.msk $0xffff, v28  }
0x4d0: {  	[tilespmem:s24+$0xE20] =	vst.add.f32.msk $0xffff, v29  }
0x4d1: {  	[tilespmem:s24+$0xE30] =	vst.add.f32.msk $0xffff, v30  }
0x4d2: {  	[tilespmem:s24+$0xE40] =	vst.add.f32.msk $0xffff, v31  }
0x4d3: {  	[tilespmem:s24+$0xE50] =	vst.add.f32.msk $0xffff, v32  }
0x4d4: {  	[tilespmem:s24+$0xE60] =	vst.add.f32.msk $0xffff, v33  }
0x4d5: {  	[tilespmem:s24+$0xE70] =	vst.add.f32.msk $0xffff, v34  }
0x4d6: {  	[tilespmem:s24+$0x1200] =	vst.add.f32.msk $0xffff, v35  }
0x4d7: {  	[tilespmem:s24+$0x1210] =	vst.add.f32.msk $0xffff, v36  }
0x4d8: {  	[tilespmem:s24+$0x1220] =	vst.add.f32.msk $0xffff, v37  }
0x4d9: {  	[tilespmem:s24+$0x1230] =	vst.add.f32.msk $0xffff, v38  }
0x4da: {  	[tilespmem:s24+$0x1240] =	vst.add.f32.msk $0xffff, v39  }
0x4db: {  	[tilespmem:s24+$0x1250] =	vst.add.f32.msk $0xffff, v40  }
0x4dc: {  	[tilespmem:s24+$0x1260] =	vst.add.f32.msk $0xffff, v41  }
0x4dd: {  	[tilespmem:s24+$0x1270] =	vst.add.f32.msk $0xffff, v42  }
0x4de: {  	[tilespmem:s24+$0x1600] =	vst.add.f32.msk $0xffff, v43  }
0x4df: {  	[tilespmem:s24+$0x1610] =	vst.add.f32.msk $0xffff, v44  }
0x4e0: {  	s17 =	sadd.s32 $0x1, s17;
	[tilespmem:s24+$0x1620] =	vst.add.f32.msk $0xffff, v45  }
0x4e1: {  	p0 =	sne.s32 s17, $0x3;
	[tilespmem:s24+$0x1630] =	vst.add.f32.msk $0xffff, v46  }
.Ltmp3:
0x4e2: {  	[tilespmem:s24+$0x1640] =	vst.add.f32.msk $0xffff, v47;
	(pc) =	sbr.rel @p0 .LBB2_4-.Ltmp3, $4  }
0x4e3: {  	s20 =	smul.u32 $0x300, s20;
	[tilespmem:s24+$0x1650] =	vst.add.f32.msk $0xffff, v48  }
0x4e4: {  	[tilespmem:s24+$0x1660] =	vst.add.f32.msk $0xffff, v49  }
0x4e5: {  	s20 =	sadd.s32 s8, s20;
	[tilespmem:s24+$0x240] =	vst.add.f32.msk $0xffff, v3  }
0x4e6: {  	[hbm4b:s20+s5] =	stream.linear.scatter [tilespmem:s25], [sflag:$0x3], $0x6000, $0x38;
	[tilespmem:$0x18200] =	vst v63  }
0x4e7: {  	_ =	swait.ge [sflag:s3], $0x6000  }
0x4e8: {  	[sflag:s3] =	ssyncset.done $0x0  }
0x4e9: {  	s17 =	simm.s32 $0x0;
	[sflag:s3] =	ssyncadd.s32 $0xFFFFA000  }
0x4ea: {  	s15 =	simm.s32 $0x0;
	s17 =	smul.u32 $0x1800, s17;
	_ =	swait.ge [sflag:s3], $0x6000  }
0x4eb: {  	s20 =	sand.u32 $0x380, s15;
	[sflag:s3] =	ssyncset.done $0x0  }
0x4ec: {  	s17 =	sor.u32 s20, s17;
	[sflag:s3] =	ssyncadd.s32 $0xFFFFA000  }
0x4ed: {  	v3 =	vld [tilespmem:s17+$0x13670]  }
0x4ee: {  	v6 =	vld [tilespmem:s17+$0x12200]  }
0x4ef: {  	v7 =	vld [tilespmem:s17+$0x12210]  }
0x4f0: {  	v8 =	vld [tilespmem:s17+$0x12220]  }
0x4f1: {  	v9 =	vld [tilespmem:s17+$0x12230]  }
0x4f2: {  	v10 =	vld [tilespmem:s17+$0x12240]  }
0x4f3: {  	v11 =	vld [tilespmem:s17+$0x12250]  }
0x4f4: {  	v12 =	vld [tilespmem:s17+$0x12260]  }
0x4f5: {  	v13 =	vld [tilespmem:s17+$0x12270]  }
0x4f6: {  	v14 =	vld [tilespmem:s17+$0x12600]  }
0x4f7: {  	v15 =	vld [tilespmem:s17+$0x12610]  }
0x4f8: {  	v16 =	vld [tilespmem:s17+$0x12620]  }
0x4f9: {  	v17 =	vld [tilespmem:s17+$0x12630]  }
0x4fa: {  	v18 =	vld [tilespmem:s17+$0x12640]  }
0x4fb: {  	v19 =	vld [tilespmem:s17+$0x12650]  }
0x4fc: {  	v20 =	vld [tilespmem:s17+$0x12660]  }
0x4fd: {  	v21 =	vld [tilespmem:s17+$0x12670]  }
0x4fe: {  	v22 =	vld [tilespmem:s17+$0x12A00]  }
0x4ff: {  	v23 =	vld [tilespmem:s17+$0x12A10]  }
0x500: {  	v24 =	vld [tilespmem:s17+$0x12A20]  }
0x501: {  	v25 =	vld [tilespmem:s17+$0x12A30]  }
0x502: {  	v26 =	vld [tilespmem:s17+$0x12A40]  }
0x503: {  	v27 =	vld [tilespmem:s17+$0x12A50]  }
0x504: {  	v28 =	vld [tilespmem:s17+$0x12A60]  }
0x505: {  	v29 =	vld [tilespmem:s17+$0x12A70]  }
0x506: {  	v30 =	vld [tilespmem:s17+$0x12E00]  }
0x507: {  	v31 =	vld [tilespmem:s17+$0x12E10]  }
0x508: {  	v32 =	vld [tilespmem:s17+$0x12E20]  }
0x509: {  	v33 =	vld [tilespmem:s17+$0x12E30]  }
0x50a: {  	v34 =	vld [tilespmem:s17+$0x12E40]  }
0x50b: {  	v35 =	vld [tilespmem:s17+$0x12E50]  }
0x50c: {  	v36 =	vld [tilespmem:s17+$0x12E60]  }
0x50d: {  	v37 =	vld [tilespmem:s17+$0x12E70]  }
0x50e: {  	v38 =	vld [tilespmem:s17+$0x13200]  }
0x50f: {  	v39 =	vld [tilespmem:s17+$0x13210]  }
0x510: {  	v40 =	vld [tilespmem:s17+$0x13220]  }
0x511: {  	v41 =	vld [tilespmem:s17+$0x13230]  }
0x512: {  	v42 =	vld [tilespmem:s17+$0x13240]  }
0x513: {  	v43 =	vld [tilespmem:s17+$0x13250]  }
0x514: {  	v44 =	vld [tilespmem:s17+$0x13260]  }
0x515: {  	v45 =	vld [tilespmem:s17+$0x13270]  }
0x516: {  	v46 =	vld [tilespmem:s17+$0x13600]  }
0x517: {  	v47 =	vld [tilespmem:s17+$0x13610]  }
0x518: {  	v48 =	vld [tilespmem:s17+$0x13620]  }
0x519: {  	v49 =	vld [tilespmem:s17+$0x13630]  }
0x51a: {  	v5 =	vld [tilespmem:s17+$0x13640]  }
0x51b: {  	v4 =	vld [tilespmem:s17+$0x13650]  }
0x51c: {  	[tilespmem:s17+$0x7670] =	vst.add.f32.msk $0xffff, v3  }
0x51d: {  	v3 =	vld [tilespmem:s17+$0x13660]  }
0x51e: {  	[tilespmem:s17+$0x6200] =	vst.add.f32.msk $0xffff, v6  }
0x51f: {  	[tilespmem:s17+$0x6210] =	vst.add.f32.msk $0xffff, v7  }
0x520: {  	[tilespmem:s17+$0x6220] =	vst.add.f32.msk $0xffff, v8  }
0x521: {  	[tilespmem:s17+$0x6230] =	vst.add.f32.msk $0xffff, v9  }
0x522: {  	[tilespmem:s17+$0x6240] =	vst.add.f32.msk $0xffff, v10  }
0x523: {  	[tilespmem:s17+$0x6250] =	vst.add.f32.msk $0xffff, v11  }
0x524: {  	[tilespmem:s17+$0x6260] =	vst.add.f32.msk $0xffff, v12  }
0x525: {  	[tilespmem:s17+$0x6270] =	vst.add.f32.msk $0xffff, v13  }
0x526: {  	[tilespmem:s17+$0x6600] =	vst.add.f32.msk $0xffff, v14  }
0x527: {  	[tilespmem:s17+$0x6610] =	vst.add.f32.msk $0xffff, v15  }
0x528: {  	[tilespmem:s17+$0x6620] =	vst.add.f32.msk $0xffff, v16  }
0x529: {  	[tilespmem:s17+$0x6630] =	vst.add.f32.msk $0xffff, v17  }
0x52a: {  	[tilespmem:s17+$0x6640] =	vst.add.f32.msk $0xffff, v18  }
0x52b: {  	[tilespmem:s17+$0x6650] =	vst.add.f32.msk $0xffff, v19  }
0x52c: {  	[tilespmem:s17+$0x6660] =	vst.add.f32.msk $0xffff, v20  }
0x52d: {  	[tilespmem:s17+$0x6670] =	vst.add.f32.msk $0xffff, v21  }
0x52e: {  	[tilespmem:s17+$0x6A00] =	vst.add.f32.msk $0xffff, v22  }
0x52f: {  	[tilespmem:s17+$0x6A10] =	vst.add.f32.msk $0xffff, v23  }
0x530: {  	[tilespmem:s17+$0x6A20] =	vst.add.f32.msk $0xffff, v24  }
0x531: {  	[tilespmem:s17+$0x6A30] =	vst.add.f32.msk $0xffff, v25  }
0x532: {  	[tilespmem:s17+$0x6A40] =	vst.add.f32.msk $0xffff, v26  }
0x533: {  	[tilespmem:s17+$0x6A50] =	vst.add.f32.msk $0xffff, v27  }
0x534: {  	[tilespmem:s17+$0x6A60] =	vst.add.f32.msk $0xffff, v28  }
0x535: {  	[tilespmem:s17+$0x6A70] =	vst.add.f32.msk $0xffff, v29  }
0x536: {  	[tilespmem:s17+$0x6E00] =	vst.add.f32.msk $0xffff, v30  }
0x537: {  	[tilespmem:s17+$0x6E10] =	vst.add.f32.msk $0xffff, v31  }
0x538: {  	[tilespmem:s17+$0x6E20] =	vst.add.f32.msk $0xffff, v32  }
0x539: {  	[tilespmem:s17+$0x6E30] =	vst.add.f32.msk $0xffff, v33  }
0x53a: {  	[tilespmem:s17+$0x6E40] =	vst.add.f32.msk $0xffff, v34  }
0x53b: {  	[tilespmem:s17+$0x6E50] =	vst.add.f32.msk $0xffff, v35  }
0x53c: {  	[tilespmem:s17+$0x6E60] =	vst.add.f32.msk $0xffff, v36  }
0x53d: {  	[tilespmem:s17+$0x6E70] =	vst.add.f32.msk $0xffff, v37  }
0x53e: {  	[tilespmem:s17+$0x7200] =	vst.add.f32.msk $0xffff, v38  }
0x53f: {  	[tilespmem:s17+$0x7210] =	vst.add.f32.msk $0xffff, v39  }
0x540: {  	[tilespmem:s17+$0x7220] =	vst.add.f32.msk $0xffff, v40  }
0x541: {  	[tilespmem:s17+$0x7230] =	vst.add.f32.msk $0xffff, v41  }
0x542: {  	[tilespmem:s17+$0x7240] =	vst.add.f32.msk $0xffff, v42  }
0x543: {  	[tilespmem:s17+$0x7250] =	vst.add.f32.msk $0xffff, v43  }
0x544: {  	[tilespmem:s17+$0x7260] =	vst.add.f32.msk $0xffff, v44  }
0x545: {  	[tilespmem:s17+$0x7270] =	vst.add.f32.msk $0xffff, v45  }
0x546: {  	[tilespmem:s17+$0x7600] =	vst.add.f32.msk $0xffff, v46  }
0x547: {  	[tilespmem:s17+$0x7610] =	vst.add.f32.msk $0xffff, v47  }
0x548: {  	[tilespmem:s17+$0x7620] =	vst.add.f32.msk $0xffff, v48  }
0x549: {  	s21 =	simm.s32 $0x0;
	s20 =	simm.s32 $0x2;
	[tilespmem:s17+$0x7630] =	vst.add.f32.msk $0xffff, v49  }
.LBB2_10:
0x54a: {  	p0 =	sne.s32 s20, $0x1F;
	s21 =	smul.u32 $0x1800, s21;
	[tilespmem:s17+$0x7640] =	vst.add.f32.msk $0xffff, v5;
	s15 =	sadd.s32 $0x80, s15  }
0x54b: {  	s24 =	sand.u32 $0x380, s15;
	[tilespmem:s17+$0x7650] =	vst.add.f32.msk $0xffff, v4  }
0x54c: {  	[tilespmem:s17+$0x7660] =	vst.add.f32.msk $0xffff, v3;
	s17 =	sor.u32 s24, s21  }
0x54d: {  	v3 =	vld [tilespmem:s17+$0x13670]  }
0x54e: {  	v6 =	vld [tilespmem:s17+$0x12200]  }
0x54f: {  	v7 =	vld [tilespmem:s17+$0x12210]  }
0x550: {  	v8 =	vld [tilespmem:s17+$0x12220]  }
0x551: {  	v9 =	vld [tilespmem:s17+$0x12230]  }
0x552: {  	[tilespmem:s17+$0x7670] =	vst.add.f32.msk $0xffff, v3  }
0x553: {  	v10 =	vld [tilespmem:s17+$0x12240]  }
0x554: {  	v11 =	vld [tilespmem:s17+$0x12250]  }
0x555: {  	v12 =	vld [tilespmem:s17+$0x12260]  }
0x556: {  	v13 =	vld [tilespmem:s17+$0x12270]  }
0x557: {  	v14 =	vld [tilespmem:s17+$0x12600]  }
0x558: {  	v15 =	vld [tilespmem:s17+$0x12610]  }
0x559: {  	v16 =	vld [tilespmem:s17+$0x12620]  }
0x55a: {  	v17 =	vld [tilespmem:s17+$0x12630]  }
0x55b: {  	v18 =	vld [tilespmem:s17+$0x12640]  }
0x55c: {  	v19 =	vld [tilespmem:s17+$0x12650]  }
0x55d: {  	v20 =	vld [tilespmem:s17+$0x12660]  }
0x55e: {  	v21 =	vld [tilespmem:s17+$0x12670]  }
0x55f: {  	v22 =	vld [tilespmem:s17+$0x12A00]  }
0x560: {  	v23 =	vld [tilespmem:s17+$0x12A10]  }
0x561: {  	v24 =	vld [tilespmem:s17+$0x12A20]  }
0x562: {  	v25 =	vld [tilespmem:s17+$0x12A30]  }
0x563: {  	v26 =	vld [tilespmem:s17+$0x12A40]  }
0x564: {  	v27 =	vld [tilespmem:s17+$0x12A50]  }
0x565: {  	v28 =	vld [tilespmem:s17+$0x12A60]  }
0x566: {  	v29 =	vld [tilespmem:s17+$0x12A70]  }
0x567: {  	v30 =	vld [tilespmem:s17+$0x12E00]  }
0x568: {  	v31 =	vld [tilespmem:s17+$0x12E10]  }
0x569: {  	v32 =	vld [tilespmem:s17+$0x12E20]  }
0x56a: {  	v33 =	vld [tilespmem:s17+$0x12E30]  }
0x56b: {  	v34 =	vld [tilespmem:s17+$0x12E40]  }
0x56c: {  	v35 =	vld [tilespmem:s17+$0x12E50]  }
0x56d: {  	v36 =	vld [tilespmem:s17+$0x12E60]  }
0x56e: {  	v37 =	vld [tilespmem:s17+$0x12E70]  }
0x56f: {  	v38 =	vld [tilespmem:s17+$0x13200]  }
0x570: {  	v39 =	vld [tilespmem:s17+$0x13210]  }
0x571: {  	v40 =	vld [tilespmem:s17+$0x13220]  }
0x572: {  	v41 =	vld [tilespmem:s17+$0x13230]  }
0x573: {  	v42 =	vld [tilespmem:s17+$0x13240]  }
0x574: {  	v43 =	vld [tilespmem:s17+$0x13250]  }
0x575: {  	v44 =	vld [tilespmem:s17+$0x13260]  }
0x576: {  	v45 =	vld [tilespmem:s17+$0x13270]  }
0x577: {  	v46 =	vld [tilespmem:s17+$0x13600]  }
0x578: {  	v47 =	vld [tilespmem:s17+$0x13610]  }
0x579: {  	v48 =	vld [tilespmem:s17+$0x13620]  }
0x57a: {  	v49 =	vld [tilespmem:s17+$0x13630]  }
0x57b: {  	v5 =	vld [tilespmem:s17+$0x13640]  }
0x57c: {  	v4 =	vld [tilespmem:s17+$0x13650]  }
0x57d: {  	v3 =	vld [tilespmem:s17+$0x13660]  }
0x57e: {  	[tilespmem:s17+$0x6200] =	vst.add.f32.msk $0xffff, v6  }
0x57f: {  	[tilespmem:s17+$0x6210] =	vst.add.f32.msk $0xffff, v7  }
0x580: {  	[tilespmem:s17+$0x6220] =	vst.add.f32.msk $0xffff, v8  }
0x581: {  	[tilespmem:s17+$0x6230] =	vst.add.f32.msk $0xffff, v9  }
0x582: {  	[tilespmem:s17+$0x6240] =	vst.add.f32.msk $0xffff, v10  }
0x583: {  	[tilespmem:s17+$0x6250] =	vst.add.f32.msk $0xffff, v11  }
0x584: {  	[tilespmem:s17+$0x6260] =	vst.add.f32.msk $0xffff, v12  }
0x585: {  	[tilespmem:s17+$0x6270] =	vst.add.f32.msk $0xffff, v13  }
0x586: {  	[tilespmem:s17+$0x6600] =	vst.add.f32.msk $0xffff, v14  }
0x587: {  	[tilespmem:s17+$0x6610] =	vst.add.f32.msk $0xffff, v15  }
0x588: {  	[tilespmem:s17+$0x6620] =	vst.add.f32.msk $0xffff, v16  }
0x589: {  	[tilespmem:s17+$0x6630] =	vst.add.f32.msk $0xffff, v17  }
0x58a: {  	[tilespmem:s17+$0x6640] =	vst.add.f32.msk $0xffff, v18  }
0x58b: {  	[tilespmem:s17+$0x6650] =	vst.add.f32.msk $0xffff, v19  }
0x58c: {  	[tilespmem:s17+$0x6660] =	vst.add.f32.msk $0xffff, v20  }
0x58d: {  	[tilespmem:s17+$0x6670] =	vst.add.f32.msk $0xffff, v21  }
0x58e: {  	[tilespmem:s17+$0x6A00] =	vst.add.f32.msk $0xffff, v22  }
0x58f: {  	[tilespmem:s17+$0x6A10] =	vst.add.f32.msk $0xffff, v23  }
0x590: {  	[tilespmem:s17+$0x6A20] =	vst.add.f32.msk $0xffff, v24  }
0x591: {  	[tilespmem:s17+$0x6A30] =	vst.add.f32.msk $0xffff, v25  }
0x592: {  	[tilespmem:s17+$0x6A40] =	vst.add.f32.msk $0xffff, v26  }
0x593: {  	[tilespmem:s17+$0x6A50] =	vst.add.f32.msk $0xffff, v27  }
0x594: {  	[tilespmem:s17+$0x6A60] =	vst.add.f32.msk $0xffff, v28  }
0x595: {  	[tilespmem:s17+$0x6A70] =	vst.add.f32.msk $0xffff, v29  }
0x596: {  	[tilespmem:s17+$0x6E00] =	vst.add.f32.msk $0xffff, v30  }
0x597: {  	[tilespmem:s17+$0x6E10] =	vst.add.f32.msk $0xffff, v31  }
0x598: {  	[tilespmem:s17+$0x6E20] =	vst.add.f32.msk $0xffff, v32  }
0x599: {  	[tilespmem:s17+$0x6E30] =	vst.add.f32.msk $0xffff, v33  }
0x59a: {  	[tilespmem:s17+$0x6E40] =	vst.add.f32.msk $0xffff, v34  }
0x59b: {  	[tilespmem:s17+$0x6E50] =	vst.add.f32.msk $0xffff, v35  }
0x59c: {  	[tilespmem:s17+$0x6E60] =	vst.add.f32.msk $0xffff, v36  }
0x59d: {  	[tilespmem:s17+$0x6E70] =	vst.add.f32.msk $0xffff, v37  }
0x59e: {  	[tilespmem:s17+$0x7200] =	vst.add.f32.msk $0xffff, v38  }
0x59f: {  	[tilespmem:s17+$0x7210] =	vst.add.f32.msk $0xffff, v39  }
0x5a0: {  	[tilespmem:s17+$0x7220] =	vst.add.f32.msk $0xffff, v40  }
0x5a1: {  	[tilespmem:s17+$0x7230] =	vst.add.f32.msk $0xffff, v41  }
0x5a2: {  	[tilespmem:s17+$0x7240] =	vst.add.f32.msk $0xffff, v42  }
0x5a3: {  	[tilespmem:s17+$0x7250] =	vst.add.f32.msk $0xffff, v43  }
0x5a4: {  	[tilespmem:s17+$0x7260] =	vst.add.f32.msk $0xffff, v44  }
.Ltmp4:
0x5a5: {  	[tilespmem:s17+$0x7270] =	vst.add.f32.msk $0xffff, v45;
	(pc) =	sbr.rel @p0 .LBB2_10-.Ltmp4, $4  }
0x5a6: {  	[tilespmem:s17+$0x7600] =	vst.add.f32.msk $0xffff, v46  }
0x5a7: {  	[tilespmem:s17+$0x7610] =	vst.add.f32.msk $0xffff, v47  }
0x5a8: {  	[tilespmem:s17+$0x7620] =	vst.add.f32.msk $0xffff, v48  }
0x5a9: {  	s21 =	sshrl.u32 s20, $0x3;
	s20 =	sadd.s32 $0x1, s20;
	[tilespmem:s17+$0x7630] =	vst.add.f32.msk $0xffff, v49  }
0x5aa: {  	s20 =	smul.u32 $0x1800, s21;
	[tilespmem:s17+$0x7640] =	vst.add.f32.msk $0xffff, v5;
	s15 =	sadd.s32 $0x80, s15  }
0x5ab: {  	[tilespmem:s17+$0x7650] =	vst.add.f32.msk $0xffff, v4;
	s15 =	sand.u32 $0x380, s15  }
0x5ac: {  	[tilespmem:s17+$0x7660] =	vst.add.f32.msk $0xffff, v3;
	s15 =	sor.u32 s15, s20  }
0x5ad: {  	v3 =	vld [tilespmem:s15+$0x13670]  }
0x5ae: {  	v62 =	vld [tilespmem:s15+$0x12200]  }
0x5af: {  	v63 =	vld [tilespmem:s15+$0x12210]  }
0x5b0: {  	v6 =	vld [tilespmem:s15+$0x12220]  }
0x5b1: {  	v7 =	vld [tilespmem:s15+$0x12230]  }
0x5b2: {  	v8 =	vld [tilespmem:s15+$0x12250]  }
0x5b3: {  	v9 =	vld [tilespmem:s15+$0x12260]  }
0x5b4: {  	v10 =	vld [tilespmem:s15+$0x12270]  }
0x5b5: {  	v11 =	vld [tilespmem:s15+$0x12600]  }
0x5b6: {  	v12 =	vld [tilespmem:s15+$0x12610]  }
0x5b7: {  	v13 =	vld [tilespmem:s15+$0x12620]  }
0x5b8: {  	v14 =	vld [tilespmem:s15+$0x12630]  }
0x5b9: {  	v15 =	vld [tilespmem:s15+$0x12640]  }
0x5ba: {  	v16 =	vld [tilespmem:s15+$0x12650]  }
0x5bb: {  	v17 =	vld [tilespmem:s15+$0x12660]  }
0x5bc: {  	v18 =	vld [tilespmem:s15+$0x12670]  }
0x5bd: {  	v19 =	vld [tilespmem:s15+$0x12A00]  }
0x5be: {  	v20 =	vld [tilespmem:s15+$0x12A10]  }
0x5bf: {  	v21 =	vld [tilespmem:s15+$0x12A20]  }
0x5c0: {  	v22 =	vld [tilespmem:s15+$0x12A30]  }
0x5c1: {  	v23 =	vld [tilespmem:s15+$0x12A40]  }
0x5c2: {  	v24 =	vld [tilespmem:s15+$0x12A50]  }
0x5c3: {  	v25 =	vld [tilespmem:s15+$0x12A60]  }
0x5c4: {  	v26 =	vld [tilespmem:s15+$0x12A70]  }
0x5c5: {  	v27 =	vld [tilespmem:s15+$0x12E00]  }
0x5c6: {  	v28 =	vld [tilespmem:s15+$0x12E10]  }
0x5c7: {  	v29 =	vld [tilespmem:s15+$0x12E20]  }
0x5c8: {  	v30 =	vld [tilespmem:s15+$0x12E30]  }
0x5c9: {  	v31 =	vld [tilespmem:s15+$0x12E40]  }
0x5ca: {  	v32 =	vld [tilespmem:s15+$0x12E50]  }
0x5cb: {  	v33 =	vld [tilespmem:s15+$0x12E60]  }
0x5cc: {  	v34 =	vld [tilespmem:s15+$0x12E70]  }
0x5cd: {  	v35 =	vld [tilespmem:s15+$0x13200]  }
0x5ce: {  	v36 =	vld [tilespmem:s15+$0x13210]  }
0x5cf: {  	v37 =	vld [tilespmem:s15+$0x13220]  }
0x5d0: {  	v38 =	vld [tilespmem:s15+$0x13230]  }
0x5d1: {  	v39 =	vld [tilespmem:s15+$0x13240]  }
0x5d2: {  	v40 =	vld [tilespmem:s15+$0x13250]  }
0x5d3: {  	v41 =	vld [tilespmem:s15+$0x13260]  }
0x5d4: {  	v42 =	vld [tilespmem:s15+$0x13270]  }
0x5d5: {  	v43 =	vld [tilespmem:s15+$0x13600]  }
0x5d6: {  	v44 =	vld [tilespmem:s15+$0x13610]  }
0x5d7: {  	v45 =	vld [tilespmem:s15+$0x13620]  }
0x5d8: {  	v46 =	vld [tilespmem:s15+$0x13630]  }
0x5d9: {  	v47 =	vld [tilespmem:s15+$0x13640]  }
0x5da: {  	v48 =	vld [tilespmem:s15+$0x13650]  }
0x5db: {  	v49 =	vld [tilespmem:s15+$0x13660]  }
0x5dc: {  	[tilespmem:s15+$0x7670] =	vst.add.f32.msk $0xffff, v3  }
0x5dd: {  	v3 =	vld [tilespmem:s15+$0x12240]  }
0x5de: {  	[tilespmem:s15+$0x6200] =	vst.add.f32.msk $0xffff, v62  }
0x5df: {  	[tilespmem:s15+$0x6210] =	vst.add.f32.msk $0xffff, v63  }
0x5e0: {  	[tilespmem:s15+$0x6220] =	vst.add.f32.msk $0xffff, v6  }
0x5e1: {  	[tilespmem:s15+$0x6230] =	vst.add.f32.msk $0xffff, v7  }
0x5e2: {  	[tilespmem:s15+$0x6250] =	vst.add.f32.msk $0xffff, v8  }
0x5e3: {  	[tilespmem:s15+$0x6260] =	vst.add.f32.msk $0xffff, v9  }
0x5e4: {  	[tilespmem:s15+$0x6270] =	vst.add.f32.msk $0xffff, v10  }
0x5e5: {  	[tilespmem:s15+$0x6600] =	vst.add.f32.msk $0xffff, v11  }
0x5e6: {  	[tilespmem:s15+$0x6610] =	vst.add.f32.msk $0xffff, v12  }
0x5e7: {  	[tilespmem:s15+$0x6620] =	vst.add.f32.msk $0xffff, v13  }
0x5e8: {  	[tilespmem:s15+$0x6630] =	vst.add.f32.msk $0xffff, v14  }
0x5e9: {  	[tilespmem:s15+$0x6640] =	vst.add.f32.msk $0xffff, v15  }
0x5ea: {  	[tilespmem:s15+$0x6650] =	vst.add.f32.msk $0xffff, v16  }
0x5eb: {  	[tilespmem:s15+$0x6660] =	vst.add.f32.msk $0xffff, v17  }
0x5ec: {  	[tilespmem:s15+$0x6670] =	vst.add.f32.msk $0xffff, v18  }
0x5ed: {  	[tilespmem:s15+$0x6A00] =	vst.add.f32.msk $0xffff, v19  }
0x5ee: {  	[tilespmem:s15+$0x6A10] =	vst.add.f32.msk $0xffff, v20  }
0x5ef: {  	[tilespmem:s15+$0x6A20] =	vst.add.f32.msk $0xffff, v21  }
0x5f0: {  	[tilespmem:s15+$0x6A30] =	vst.add.f32.msk $0xffff, v22  }
0x5f1: {  	[tilespmem:s15+$0x6A40] =	vst.add.f32.msk $0xffff, v23  }
0x5f2: {  	[tilespmem:s15+$0x6A50] =	vst.add.f32.msk $0xffff, v24  }
0x5f3: {  	[tilespmem:s15+$0x6A60] =	vst.add.f32.msk $0xffff, v25  }
0x5f4: {  	[tilespmem:s15+$0x6A70] =	vst.add.f32.msk $0xffff, v26  }
0x5f5: {  	[tilespmem:s15+$0x6E00] =	vst.add.f32.msk $0xffff, v27  }
0x5f6: {  	[tilespmem:s15+$0x6E10] =	vst.add.f32.msk $0xffff, v28  }
0x5f7: {  	[tilespmem:s15+$0x6E20] =	vst.add.f32.msk $0xffff, v29  }
0x5f8: {  	[tilespmem:s15+$0x6E30] =	vst.add.f32.msk $0xffff, v30  }
0x5f9: {  	[tilespmem:s15+$0x6E40] =	vst.add.f32.msk $0xffff, v31  }
0x5fa: {  	[tilespmem:s15+$0x6E50] =	vst.add.f32.msk $0xffff, v32  }
0x5fb: {  	[tilespmem:s15+$0x6E60] =	vst.add.f32.msk $0xffff, v33  }
0x5fc: {  	[tilespmem:s15+$0x6E70] =	vst.add.f32.msk $0xffff, v34  }
0x5fd: {  	[tilespmem:s15+$0x7200] =	vst.add.f32.msk $0xffff, v35  }
0x5fe: {  	[tilespmem:s15+$0x7210] =	vst.add.f32.msk $0xffff, v36  }
0x5ff: {  	[tilespmem:s15+$0x7220] =	vst.add.f32.msk $0xffff, v37  }
0x600: {  	[tilespmem:s15+$0x7230] =	vst.add.f32.msk $0xffff, v38  }
0x601: {  	[tilespmem:s15+$0x7240] =	vst.add.f32.msk $0xffff, v39  }
0x602: {  	[tilespmem:s15+$0x7250] =	vst.add.f32.msk $0xffff, v40  }
0x603: {  	[tilespmem:s15+$0x7260] =	vst.add.f32.msk $0xffff, v41  }
0x604: {  	[tilespmem:s15+$0x7270] =	vst.add.f32.msk $0xffff, v42  }
0x605: {  	[tilespmem:s15+$0x7600] =	vst.add.f32.msk $0xffff, v43  }
0x606: {  	[tilespmem:s15+$0x7610] =	vst.add.f32.msk $0xffff, v44  }
0x607: {  	[tilespmem:s15+$0x7620] =	vst.add.f32.msk $0xffff, v45  }
0x608: {  	[tilespmem:s15+$0x7630] =	vst.add.f32.msk $0xffff, v46  }
0x609: {  	[tilespmem:s15+$0x7640] =	vst.add.f32.msk $0xffff, v47  }
0x60a: {  	[tilespmem:s15+$0x7650] =	vst.add.f32.msk $0xffff, v48  }
0x60b: {  	[tilespmem:s15+$0x7660] =	vst.add.f32.msk $0xffff, v49  }
0x60c: {  	[tilespmem:s15+$0x6240] =	vst.add.f32.msk $0xffff, v3  }
0x60d: {  	s15 =	rddreg [dreg:$0x9]  }
0x60e: {  	[hbm4b:s15+s5] =	stream.linear.scatter [tilespmem:s16], [sflag:$0x4], $0x6000, $0x38;
	[tilespmem:$0x18200] =	vst v63  }
0x60f: {  	_ =	swait.ge [sflag:s9], $0x6000  }
0x610: {  	[sflag:s9] =	ssyncset.done $0x0  }
0x611: {  	[sflag:s9] =	ssyncadd.s32 $0xFFFFA000  }
0x612: {  	_ =	swait.ge [sflag:s10], $0x6000  }
0x613: {  	s29 =	rddreg [dreg:$0xb]  }
0x614: {  	s30 =	rddreg [dreg:$0xa];
	s17 =	sadd.s32 $0x1, s29  }
0x615: {  	p0 =	sne.s32 s17, s30  }
.Ltmp5:
0x616: {  	_ = 	snop;
	(pc) =	sbr.rel @p0 .LBB2_1-.Ltmp5, $3  }
0x617: {  	_ =	sdelay $0x1  }
0x618: {  	[sflag:s10] =	ssyncset.done $0x0  }
0x619: {  	[sflag:s10] =	ssyncadd.s32 $0xFFFFA000  }
0x61a: {  	_ =	sfence.sel $0x180000  }
0x61b: {  	[bflag:$0x0] =	sbarrier.arrive $0xFFFF  }
0x61c: {  	_ =	strace $0x90000047  }
0x61d: {  	s0 =	stileid.u32;
	[bflag:$0x2] =	sbarrier.arrive $0xFFFF  }
0x61e: {  	p0 =	sne.s32 s0, $0x0;
	s0 =	rddreg [dreg:$0x3]  }
0x61f: {  	s0 =	sadd.s32 @!p0 $0x100000, s0  }
0x620: {  	[sflag:s0] =	ssyncadd.tile.s32 @!p0 $0x1;
	_ =	shalt  }
.Lfunc_end2:
_tile_overlayer_lowered:
.L_overlay_start_2:
0x621: {  	(tag) =	ssettag $0x2  }
0x622: {  	s0 =	rddreg [dreg:$0x0];
	s2 =	stileid.u32  }
0x623: {  	s1 =	rddreg [dreg:$0x1];
	p0 =	sne.s32 s2, $0x0  }
0x624: {  	s3 =	rddreg [dreg:$0x2];
	[bflag:$0x3] =	sbarrier.arrive $0xFFFF;
	s2 =	simm.s32 @!p0 $0x1C05  }
0x625: {  	[timem:s3], [sflag:s2] =	dma.local @!p0 [hbm:s0], s1  }
0x626: {  	s0 =	simm.s32 @!p0 $0x5  }
0x627: {  	_ =	swait.ge @!p0 [sflag:s0], s1  }
0x628: {  	s1 =	ssub.s32 @!p0 $0x0, s1;
	[sflag:s0] =	ssyncset.done @!p0 $0x0  }
0x629: {  	[sflag:s0] =	ssyncadd.s32 @!p0 s1  }
0x62a: {  	[bflag:$0x3] =	sbarrier.arrive $0xFFFF  }
0x62b: {  	_ =	shalt  }

</sc_bundles>
